<compile_context>
chip_gen: v7x
topology: tpu7x:2x2x1
jax: 0.10.2.dev20260603
libtpu: 0.0.44.dev20260713+nightly
codegen_flags: <defaults>
</compile_context>

<pallas_src>
import functools
import jax
import jax.numpy as jnp
from jax import lax
from jax.experimental import pallas as pl
from jax.experimental.pallas import tpu as pltpu
from jax.experimental.pallas import tpu_sc as plsc

N_NODES = 10000
D = 256
HN = 4
HT = 4
ROW_BLOCK = 1000
SLOPE = 0.01


def _lrelu(x):
    return jnp.maximum(x, SLOPE * x)


def _pre_body(hp_ref, ha_ref, we0_ref, we1_ref, wn1_ref, wsa_ref, wda_ref,
              hs0_ref, hs1_ref, hd_ref, att_ref, amax_ref):
    hp = hp_ref[...]
    ha = ha_ref[...]
    hs0 = jnp.dot(ha, we0_ref[0], preferred_element_type=jnp.float32) + we0_ref[1, 0:1]
    hs1 = jnp.dot(hp, we1_ref[0], preferred_element_type=jnp.float32) + we1_ref[1, 0:1]
    hd = jnp.dot(hp, wn1_ref[0], preferred_element_type=jnp.float32) + wn1_ref[1, 0:1]
    hs0_ref[...] = hs0
    hs1_ref[...] = hs1
    hd_ref[...] = hd
    wsa = wsa_ref[...]
    wda = wda_ref[...]
    a_s0 = jnp.dot(hs0, wsa[0, :D], preferred_element_type=jnp.float32) + wsa[0, D]
    a_s1 = jnp.dot(hs1, wsa[1, :D], preferred_element_type=jnp.float32) + wsa[1, D]
    a_d0 = jnp.dot(hd, wda[0, :D], preferred_element_type=jnp.float32) + wda[0, D]
    a_d1 = jnp.dot(hd, wda[1, :D], preferred_element_type=jnp.float32) + wda[1, D]
    att = jnp.concatenate([a_s0, a_s1, a_d0, a_d1], axis=1)
    att_ref[...] = att
    bmax = jnp.max(att, axis=0, keepdims=True)
    i = pl.program_id(0)

    @pl.when(i == 0)
    def _():
        amax_ref[...] = bmax

    @pl.when(i > 0)
    def _():
        amax_ref[...] = jnp.maximum(amax_ref[...], bmax)


def _dense_pre(h_paper, h_author, W_edge, b_edge, W_node, b_node,
               W_srcA, b_srcA, W_dstA, b_dstA):
    grid = N_NODES // ROW_BLOCK
    we0 = jnp.stack([W_edge[0], jnp.broadcast_to(b_edge[0][None, :], (D, D))])
    we1 = jnp.stack([W_edge[1], jnp.broadcast_to(b_edge[1][None, :], (D, D))])
    wn1 = jnp.stack([W_node[1], jnp.broadcast_to(b_node[1][None, :], (D, D))])
    wsa = jnp.concatenate([W_srcA, b_srcA[:, None, :]], axis=1)
    wda = jnp.concatenate([W_dstA, b_dstA[:, None, :]], axis=1)
    full = lambda arr: pl.BlockSpec(arr.shape, lambda i: (0,) * arr.ndim)
    row = lambda c: pl.BlockSpec((ROW_BLOCK, c), lambda i: (i, 0))
    return pl.pallas_call(
        _pre_body,
        grid=(grid,),
        in_specs=[row(D), row(D), full(we0), full(we1), full(wn1), full(wsa), full(wda)],
        out_specs=[row(D), row(D), row(D), row(4 * HN),
                   pl.BlockSpec((1, 4 * HN), lambda i: (0, 0))],
        out_shape=[
            jax.ShapeDtypeStruct((N_NODES, D), jnp.float32),
            jax.ShapeDtypeStruct((N_NODES, D), jnp.float32),
            jax.ShapeDtypeStruct((N_NODES, D), jnp.float32),
            jax.ShapeDtypeStruct((N_NODES, 4 * HN), jnp.float32),
            jax.ShapeDtypeStruct((1, 4 * HN), jnp.float32),
        ],
    )(h_paper, h_author, we0, we1, wn1, wsa, wda)


E = 160000
NT = 16
E_TILE = E // NT
CHUNK = 400
GROUPS = CHUNK // 16
N_CHUNK = E_TILE // CHUNK
N2 = 10240
RPT = N2 // NT
RH = RPT // 2
CH = 64

_i32 = jnp.int32


def _sc_body(hs_hbm, as_hbm, ad_hbm, edges_hbm, cvec_hbm, zz_hbm, zs_hbm,
             zout_hbm, zacc, ssum, as_buf, ad_buf, ss_buf, u_buf, v_buf,
             e_buf, coef_buf, gidx, sidx, rows_buf, rows_out, zss_buf, cv_buf,
             sem_s):
    c_idx = lax.axis_index("c")
    s_idx = lax.axis_index("s")
    ebase = s_idx * E_TILE
    row0 = s_idx * RPT
    iota = lax.iota(_i32, 16)

    pltpu.sync_copy(cvec_hbm, cv_buf)
    pltpu.sync_copy(zs_hbm, zss_buf)

    def pass_body(p, _):
        r = p // 2
        hloc = p % 2
        h = 2 * c_idx + hloc
        toff = (r * 4 + h) * N_NODES
        pltpu.sync_copy(zz_hbm, rows_buf.at[pl.ds(0, RH), :])
        pltpu.sync_copy(rows_buf.at[pl.ds(0, RH), :], zacc.at[pl.ds(row0, RH), :])
        pltpu.sync_copy(rows_buf.at[pl.ds(0, RH), :], zacc.at[pl.ds(row0 + RH, RH), :])
        pltpu.sync_copy(zss_buf, ssum.at[pl.ds(row0, RPT)])
        pltpu.sync_copy(as_hbm.at[pl.ds(toff, N_NODES)], as_buf)
        pltpu.sync_copy(ad_hbm.at[pl.ds(toff, N_NODES)], ad_buf)
        cv = plsc.load_gather(cv_buf, [jnp.zeros((16,), _i32) + (4 * r + h)])
        plsc.subcore_barrier()

        def load_uv(ck):
            eb = 2 * E * r + ebase + ck * CHUNK
            pltpu.sync_copy(edges_hbm.at[pl.ds(eb, CHUNK)], u_buf)
            pltpu.sync_copy(edges_hbm.at[pl.ds(eb + E, CHUNK)], v_buf)

        def edge_e(off):
            u16 = u_buf[pl.ds(off, 16)]
            v16 = v_buf[pl.ds(off, 16)]
            x = plsc.load_gather(as_buf, [u16]) + plsc.load_gather(ad_buf, [v16])
            x = jnp.maximum(x, SLOPE * x)
            return u16, v16, jnp.exp(x - cv)

        def p1_chunk(ck, _):
            load_uv(ck)

            @plsc.parallel_loop(0, CHUNK, step=16, unroll=4)
            def _att1(off):
                u16, v16, e = edge_e(off)
                e_buf[pl.ds(off, 16)] = e
                sidx[0, pl.ds(off, 16)] = v16

            pltpu.sync_copy(e_buf, ssum.at[sidx.at[0]], add=True)
            return ()

        lax.fori_loop(0, N_CHUNK, p1_chunk, (), unroll=False)
        plsc.subcore_barrier()
        pltpu.sync_copy(ssum, ss_buf)

        def att2(ck, b):
            load_uv(ck)

            @plsc.parallel_loop(0, CHUNK, step=16, unroll=4)
            def _att2(off):
                u16, v16, e = edge_e(off)
                ss = plsc.load_gather(ss_buf, [v16])
                coef_buf[b, pl.ds(off, 16)] = e / ss
                gidx[pl.ds(off, 16)] = u16 + toff
                sidx[b, pl.ds(off, 16)] = v16

            pltpu.sync_copy(hs_hbm.at[gidx], rows_buf)

        def scale(b):
            @plsc.parallel_loop(0, CHUNK, step=1, unroll=4)
            def _scale(i):
                cf = plsc.load_gather(coef_buf.at[b], [jnp.zeros((16,), _i32) + i])
                for j in range(CH // 16):
                    rows_out[i, pl.ds(j * 16, 16)] = (
                        rows_buf[i, pl.ds(j * 16, 16)] * cf)

        def wait_scatter(b):
            pltpu.make_async_copy(rows_out, zacc.at[sidx.at[b]], sem_s).wait()

        att2(0, 0)

        def p2_pair(j, _):
            for b in (0, 1):
                c = 2 * j + b
                if b == 0:
                    @pl.when(c > 0)
                    def _():
                        wait_scatter(1)
                else:
                    wait_scatter(0)
                scale(b)
                pltpu.async_copy(rows_out, zacc.at[sidx.at[b]], sem_s, add=True)
                att2(c + 1, 1 - b)
            return ()

        lax.fori_loop(0, (N_CHUNK - 1) // 2, p2_pair, (), unroll=False)
        wait_scatter(1)
        scale(0)
        pltpu.sync_copy(rows_out, zacc.at[sidx.at[0]], add=True)
        plsc.subcore_barrier()
        pltpu.sync_copy(zacc.at[pl.ds(row0, RH), :], rows_buf.at[pl.ds(0, RH), :])
        pltpu.sync_copy(rows_buf.at[pl.ds(0, RH), :], zout_hbm.at[r, h, pl.ds(row0, RH)])
        pltpu.sync_copy(zacc.at[pl.ds(row0 + RH, RH), :], rows_buf.at[pl.ds(0, RH), :])
        pltpu.sync_copy(rows_buf.at[pl.ds(0, RH), :], zout_hbm.at[r, h, pl.ds(row0 + RH, RH)])
        return ()

    lax.fori_loop(0, 4, pass_body, (), unroll=False)


def _sc_aggregate(hs0, hs1, att, amax, edges):
    hs_all = jnp.stack([hs0, hs1]).reshape(2, N_NODES, HN, CH)
    hs_all = hs_all.transpose(0, 2, 1, 3).reshape(8 * N_NODES, CH)
    a_s = att[:, 0:8].reshape(N_NODES, 8).T.reshape(8 * N_NODES)
    a_d = att[:, 8:16].reshape(N_NODES, 8).T.reshape(8 * N_NODES)
    am = amax[0]
    cval = _lrelu(am[0:8] + am[8:16])
    cvec = jnp.concatenate([cval, jnp.zeros((8,), jnp.float32)])
    zz = jnp.zeros((RH, CH), jnp.float32)
    zs = jnp.zeros((RPT,), jnp.float32)

    mesh = plsc.VectorSubcoreMesh(core_axis_name="c", subcore_axis_name="s")
    zout = pl.kernel(
        _sc_body,
        out_type=jax.ShapeDtypeStruct((2, HN, N2, CH), jnp.float32),
        mesh=mesh,
        scratch_types=[
            pltpu.VMEM_SHARED((N2, CH), jnp.float32),
            pltpu.VMEM_SHARED((N2,), jnp.float32),
            pltpu.VMEM((N_NODES,), jnp.float32),
            pltpu.VMEM((N_NODES,), jnp.float32),
            pltpu.VMEM((N2,), jnp.float32),
            pltpu.VMEM((CHUNK,), _i32),
            pltpu.VMEM((CHUNK,), _i32),
            pltpu.VMEM((CHUNK,), jnp.float32),
            pltpu.VMEM((2, CHUNK), jnp.float32),
            pltpu.VMEM((CHUNK,), _i32),
            pltpu.VMEM((2, CHUNK), _i32),
            pltpu.VMEM((CHUNK, CH), jnp.float32),
            pltpu.VMEM((CHUNK, CH), jnp.float32),
            pltpu.VMEM((RPT,), jnp.float32),
            pltpu.VMEM((16,), jnp.float32),
            pltpu.SemaphoreType.DMA,
        ],
        compiler_params=pltpu.CompilerParams(needs_layout_passes=False,
                                             use_tc_tiling_on_sc=False),
    )(hs_all, a_s, a_d, edges, cvec, zz, zs)
    z0 = zout[0, :, :N_NODES].transpose(1, 0, 2).reshape(N_NODES, D)
    z1 = zout[1, :, :N_NODES].transpose(1, 0, 2).reshape(N_NODES, D)
    return z0, z1


def _post_body(z0_ref, z1_ref, hd_ref, hp_ref, ha_ref, wn0_ref, wsem_ref,
               relsm_ref, zp_ref, za_ref, attn_ref):
    z0 = z0_ref[...]
    z1 = z1_ref[...]
    hd = hd_ref[...]
    hp = hp_ref[...]
    ha = ha_ref[...]

    def normalize(x):
        n = jnp.sqrt(jnp.sum(x * x, axis=1, keepdims=True))
        return x / jnp.maximum(n, 1e-9)

    zd_n = normalize(hd)
    z0n = normalize(z0)
    z1n = normalize(z1)
    wsem = wsem_ref[...]
    s0 = (jnp.dot(z0n, wsem[0, :D], preferred_element_type=jnp.float32) + wsem[0, D]
          + jnp.dot(zd_n, wsem[2, :D], preferred_element_type=jnp.float32) + wsem[2, D])
    s1 = (jnp.dot(z1n, wsem[1, :D], preferred_element_type=jnp.float32) + wsem[1, D]
          + jnp.dot(zd_n, wsem[3, :D], preferred_element_type=jnp.float32) + wsem[3, D])
    s0 = _lrelu(s0)
    s1 = _lrelu(s1)
    m = jnp.maximum(s0, s1)
    e0 = jnp.exp(s0 - m)
    e1 = jnp.exp(s1 - m)
    den = e0 + e1
    sem0 = e0 / den
    sem1 = e1 / den
    relsm = relsm_ref[...]
    at0 = 0.5 * sem0 + 0.5 * relsm[0]
    at1 = 0.5 * sem1 + 0.5 * relsm[1]
    attn_ref[...] = jnp.concatenate([at0, at1], axis=1)
    B = z0.shape[0]
    zc = (z0.reshape(B, HT, D // HT) * at0[:, :, None]
          + z1.reshape(B, HT, D // HT) * at1[:, :, None]).reshape(B, D)
    x = zc + hp
    zp_ref[...] = normalize(x * 0.5 * (1.0 + jax.lax.erf(x / jnp.sqrt(2.0).astype(jnp.float32))))
    y = jnp.dot(ha, wn0_ref[0], preferred_element_type=jnp.float32) + wn0_ref[1, 0:1] + ha
    za_ref[...] = normalize(y * 0.5 * (1.0 + jax.lax.erf(y / jnp.sqrt(2.0).astype(jnp.float32))))


def _dense_post(z0, z1, hd, h_paper, h_author, W_node, b_node,
                W_semS, b_semS, W_semD, b_semD, W_rel, b_rel, rel_emb):
    grid = N_NODES // ROW_BLOCK
    wn0 = jnp.stack([W_node[0], jnp.broadcast_to(b_node[0][None, :], (D, D))])
    wsem = jnp.concatenate([
        jnp.concatenate([W_semS, b_semS[:, None, :]], axis=1),
        jnp.concatenate([W_semD, b_semD[:, None, :]], axis=1),
    ], axis=0)
    ra = jnp.einsum('rd,rdh->rh', rel_emb, W_rel) + b_rel
    ra = _lrelu(ra)
    rm = jnp.max(ra, axis=0, keepdims=True)
    re = jnp.exp(ra - rm)
    relsm = re / jnp.sum(re, axis=0, keepdims=True)
    full = lambda arr: pl.BlockSpec(arr.shape, lambda i: (0,) * arr.ndim)
    row = lambda c: pl.BlockSpec((ROW_BLOCK, c), lambda i: (i, 0))
    zp, za, attn = pl.pallas_call(
        _post_body,
        grid=(grid,),
        in_specs=[row(D), row(D), row(D), row(D), row(D), full(wn0), full(wsem), full(relsm)],
        out_specs=[row(D), row(D), row(2 * HT)],
        out_shape=[
            jax.ShapeDtypeStruct((N_NODES, D), jnp.float32),
            jax.ShapeDtypeStruct((N_NODES, D), jnp.float32),
            jax.ShapeDtypeStruct((N_NODES, 2 * HT), jnp.float32),
        ],
    )(z0, z1, hd, h_paper, h_author, wn0, wsem, relsm)
    return zp, za, attn.reshape(N_NODES, 2, HT)


def kernel(h_paper, h_author, edge_index_writes, edge_index_cites, W_node, b_node, W_edge, b_edge, W_srcA, b_srcA, W_dstA, b_dstA, W_semS, b_semS, W_semD, b_semD, W_rel, b_rel, rel_emb):
    hs0, hs1, hd, att, amax = _dense_pre(h_paper, h_author, W_edge, b_edge,
                                         W_node, b_node, W_srcA, b_srcA,
                                         W_dstA, b_dstA)
    edges = jnp.stack([edge_index_writes, edge_index_cites], axis=0).reshape(4 * E)
    z0, z1 = _sc_aggregate(hs0, hs1, att, amax, edges)
    return _dense_post(z0, z1, hd, h_paper, h_author, W_node, b_node,
                       W_semS, b_semS, W_semD, b_semD, W_rel, b_rel, rel_emb)

# --- scband reference (transcript-rebuilt; emitter-appended) ---
"""Pipeline reference for scband-srhgnlayer-plus-33294586479049 (READ-ONLY COPY).

The authoritative reference and input builder live on the scoring server;
editing this copy changes nothing except your own understanding.
"""

import jax, jax.numpy as jnp
import numpy as np

NP = 10000
NA = 10000
E = 160000
D = 256
HN = 4
HT = 4

def _normalize(x):
    n = jnp.linalg.norm(x, axis=1, keepdims=True)
    return x / jnp.maximum(n, 1e-9)

def _edge_softmax(a, dst, n):
    amax = jax.ops.segment_max(a, dst, num_segments=n)
    amax = jnp.where(jnp.isfinite(amax), amax, 0.0)
    e = jnp.exp(a - amax[dst])
    s = jax.ops.segment_sum(e, dst, num_segments=n)
    return e / s[dst]

def _lin_init(key, n, fi, fo):
    kw, kb = jax.random.split(key)
    bound = 1.0 / np.sqrt(fi)
    W = jax.random.uniform(kw, (n, fi, fo), minval=-bound, maxval=bound, dtype=jnp.float32)
    b = jax.random.uniform(kb, (n, fo), minval=-bound, maxval=bound, dtype=jnp.float32)
    return W, b

def setup_inputs(seed: int = 0):
    key = jax.random.key(seed)
    ks = jax.random.split(key, 12)
    inp = {}
    inp['h_paper'] = jax.random.normal(ks[0], (NP, D), dtype=jnp.float32)
    inp['h_author'] = jax.random.normal(ks[1], (NA, D), dtype=jnp.float32)
    inp['edge_index_writes'] = jax.random.randint(ks[2], (2, E), 0, NP, dtype=jnp.int32)
    inp['edge_index_cites'] = jax.random.randint(ks[3], (2, E), 0, NP, dtype=jnp.int32)
    inp['W_node'], inp['b_node'] = _lin_init(ks[4], 2, D, D)
    inp['W_edge'], inp['b_edge'] = _lin_init(ks[5], 2, D, D)
    inp['W_srcA'], inp['b_srcA'] = _lin_init(ks[6], 2, D, HN)
    inp['W_dstA'], inp['b_dstA'] = _lin_init(ks[7], 2, D, HN)
    inp['W_semS'], inp['b_semS'] = _lin_init(ks[8], 2, D, HT)
    inp['W_semD'], inp['b_semD'] = _lin_init(ks[9], 2, D, HT)
    inp['W_rel'], inp['b_rel'] = _lin_init(ks[10], 2, D, HT)
    inp['rel_emb'] = jax.random.normal(ks[11], (2, D), dtype=jnp.float32) * 0.12
    return inp

def reference(h_paper, h_author, edge_index_writes, edge_index_cites, W_node, b_node, W_edge, b_edge, W_srcA, b_srcA, W_dstA, b_dstA, W_semS, b_semS, W_semD, b_semD, W_rel, b_rel, rel_emb):
    # dropout acts as identity in eval mode
    def msg(h_src, eid, u, v, n_dst):
        hs = h_src @ W_edge[eid] + b_edge[eid]
        hd = h_paper @ W_node[1] + b_node[1]  # dst ntype is paper for both relations
        a_s = hs @ W_srcA[eid] + b_srcA[eid]
        a_d = hd @ W_dstA[eid] + b_dstA[eid]
        a = jax.nn.leaky_relu(a_s[u] + a_d[v])
        a = _edge_softmax(a, v, n_dst)
        vf = hs.reshape(-1, HN, D // HN)
        m = vf[u] * a[:, :, None]
        z = jax.ops.segment_sum(m, v, num_segments=n_dst)
        return z.reshape(n_dst, D)

    u0, v0 = edge_index_writes[0], edge_index_writes[1]
    u1, v1 = edge_index_cites[0], edge_index_cites[1]
    z0 = msg(h_author, 0, u0, v0, NP)
    z1 = msg(h_paper, 1, u1, v1, NP)
    z_src = jnp.stack([z0, z1], axis=1)  # [NP, 2, D] (cross_reducer='stack')

    z_dst = h_paper @ W_node[1] + b_node[1]
    zd_n = _normalize(z_dst)
    sem_list, rel_list = [], []
    for r in range(2):
        s = _normalize(z_src[:, r]) @ W_semS[r] + b_semS[r] + zd_n @ W_semD[r] + b_semD[r]
        sem_list.append(s)
        ra = rel_emb[r] @ W_rel[r] + b_rel[r]
        rel_list.append(jnp.broadcast_to(ra[None, :], (NP, HT)))
    sem = jnp.stack(sem_list, axis=1)
    rel = jnp.stack(rel_list, axis=1)
    sem = jax.nn.softmax(jax.nn.leaky_relu(sem), axis=1)
    rel = jax.nn.softmax(jax.nn.leaky_relu(rel), axis=1)
    attn = 0.5 * sem + 0.5 * rel
    zc = (z_src.reshape(NP, 2, HT, D // HT) * attn[:, :, :, None]).reshape(NP, 2, D).sum(axis=1)
    z_paper = _normalize(jax.nn.gelu(zc + h_paper, approximate=False))
    # author ntype has no incoming edges -> fallback branch
    z_author = _normalize(jax.nn.gelu(h_author @ W_node[0] + b_node[0] + h_author, approximate=False))
    return (z_paper, z_author, attn)

if __name__ == "__main__":
    import jax
    _d = setup_inputs()
    print(jax.jit(kernel)(*tuple(_d.values())))

</pallas_src>

<mosaic_0001>
#map = affine_map<(d0, d1) -> (0, 0)>
#map1 = affine_map<(d0, d1) -> (0)>
#map2 = affine_map<(d0, d1) -> (0, 0, 0, 0)>
module attributes {stable_mosaic.version = 14 : i64} {
  func.func @_sc_body(%arg0: i32, %arg1: i32, %arg2: memref<80000x64xf32, #tpu.memory_space<hbm>>, %arg3: memref<80000xf32, #tpu.memory_space<hbm>>, %arg4: memref<80000xf32, #tpu.memory_space<hbm>>, %arg5: memref<640000xi32, #tpu.memory_space<hbm>>, %arg6: memref<16xf32, #tpu.memory_space<hbm>>, %arg7: memref<320x64xf32, #tpu.memory_space<hbm>>, %arg8: memref<640xf32, #tpu.memory_space<hbm>>, %arg9: memref<2x4x10240x64xf32, #tpu.memory_space<hbm>>, %arg10: memref<10240x64xf32, #tpu.memory_space<vmem_shared>>, %arg11: memref<10240xf32, #tpu.memory_space<vmem_shared>>, %arg12: memref<10000xf32, #tpu.memory_space<vmem>>, %arg13: memref<10000xf32, #tpu.memory_space<vmem>>, %arg14: memref<10240xf32, #tpu.memory_space<vmem>>, %arg15: memref<400xi32, #tpu.memory_space<vmem>>, %arg16: memref<400xi32, #tpu.memory_space<vmem>>, %arg17: memref<400xf32, #tpu.memory_space<vmem>>, %arg18: memref<2x400xf32, #tpu.memory_space<vmem>>, %arg19: memref<400xi32, #tpu.memory_space<vmem>>, %arg20: memref<2x400xi32, #tpu.memory_space<vmem>>, %arg21: memref<400x64xf32, #tpu.memory_space<vmem>>, %arg22: memref<400x64xf32, #tpu.memory_space<vmem>>, %arg23: memref<640xf32, #tpu.memory_space<vmem>>, %arg24: memref<16xf32, #tpu.memory_space<vmem>>, %arg25: memref<!tpu.dma_semaphore, #tpu.memory_space<semaphore_mem>>) attributes {dimension_semantics = [#tpu.dimension_semantics<core_parallel>, #tpu.dimension_semantics<subcore_parallel>], iteration_bounds = array<i64: 2, 16>, scalar_prefetch = 0 : i64, scratch_operands = 16 : i64, tpu.core_type = #tpu.core_type<sc_vector_subcore>, window_params = [{transform_indices = #map}, {transform_indices = #map1}, {transform_indices = #map1}, {transform_indices = #map1}, {transform_indices = #map1}, {transform_indices = #map}, {transform_indices = #map1}, {transform_indices = #map2}]} {
    %mul3A = arith.constant 10000 : i32
    %mul3A_0 = arith.muli %arg1, %mul3A : i32
    %mul3A_1 = arith.constant 640 : i32
    %mul3A_2 = arith.muli %arg1, %mul3A_1 : i32
    %iota3A = tpu.iota {dimensions = array<i32: 0>} : vector<16xi32>
    "tpu.region"() ({
      %run_scoped3A = tpu.sem_alloc : memref<!tpu.dma_semaphore, #tpu.memory_space<semaphore_mem>>
      tpu.enqueue_dma source(%arg6 : memref<16xf32, #tpu.memory_space<hbm>>) target(%arg24 : memref<16xf32, #tpu.memory_space<vmem>>) target_semaphore(%run_scoped3A : memref<!tpu.dma_semaphore, #tpu.memory_space<semaphore_mem>>)
      tpu.wait_dma2 semaphore(%run_scoped3A : memref<!tpu.dma_semaphore, #tpu.memory_space<semaphore_mem>>) src(%arg6 : memref<16xf32, #tpu.memory_space<hbm>>) dst(%arg24 : memref<16xf32, #tpu.memory_space<vmem>>)
      tpu.yield
    }) : () -> ()
    "tpu.region"() ({
      %run_scoped3A = tpu.sem_alloc : memref<!tpu.dma_semaphore, #tpu.memory_space<semaphore_mem>>
      tpu.enqueue_dma source(%arg8 : memref<640xf32, #tpu.memory_space<hbm>>) target(%arg23 : memref<640xf32, #tpu.memory_space<vmem>>) target_semaphore(%run_scoped3A : memref<!tpu.dma_semaphore, #tpu.memory_space<semaphore_mem>>)
      tpu.wait_dma2 semaphore(%run_scoped3A : memref<!tpu.dma_semaphore, #tpu.memory_space<semaphore_mem>>) src(%arg8 : memref<640xf32, #tpu.memory_space<hbm>>) dst(%arg23 : memref<640xf32, #tpu.memory_space<vmem>>)
      tpu.yield
    }) : () -> ()
    %scan3A = arith.constant 0 : i32
    %scan3A_3 = arith.constant 4 : i32
    %scan3A_4 = arith.addi %scan3A, %scan3A_3 : i32
    %scan3A_5 = arith.constant 1 : i32
    scf.for %scan3A_7 = %scan3A to %scan3A_4 step %scan3A_5  : i32 {
      %jit3A = arith.constant 2 : i32
      %div3A = arith.divsi %scan3A_7, %jit3A : i32
      %sign3A = arith.constant 0 : i32
      %sign3A_8 = arith.cmpi sgt, %scan3A_7, %sign3A : i32
      %sign3A_9 = arith.extui %sign3A_8 : i1 to i32
      %sign3A_10 = arith.constant 0 : i32
      %sign3A_11 = arith.cmpi slt, %scan3A_7, %sign3A_10 : i32
      %sign3A_12 = arith.extui %sign3A_11 : i1 to i32
      %sign3A_13 = arith.subi %sign3A_9, %sign3A_12 : i32
      %sign3A_14 = arith.constant 0 : i32
      %sign3A_15 = arith.cmpi sgt, %jit3A, %sign3A_14 : i32
      %sign3A_16 = arith.extui %sign3A_15 : i1 to i32
      %sign3A_17 = arith.constant 0 : i32
      %sign3A_18 = arith.cmpi slt, %jit3A, %sign3A_17 : i32
      %sign3A_19 = arith.extui %sign3A_18 : i1 to i32
      %sign3A_20 = arith.subi %sign3A_16, %sign3A_19 : i32
      %ne3A = arith.cmpi ne, %sign3A_13, %sign3A_20 : i32
      %rem3A = arith.remsi %scan3A_7, %jit3A : i32
      %ne3A_21 = arith.constant 0 : i32
      %ne3A_22 = arith.cmpi ne, %rem3A, %ne3A_21 : i32
      %and3A = arith.andi %ne3A, %ne3A_22 : i1
      %sub3A = arith.constant 1 : i32
      %sub3A_23 = arith.subi %div3A, %sub3A : i32
      %select_n3A = arith.select %and3A, %sub3A_23, %div3A : i32
      %jit3A_24 = arith.constant 2 : i32
      %eq3A = arith.constant 0 : i32
      %eq3A_25 = arith.cmpi eq, %jit3A_24, %eq3A : i32
      %jit3A_26 = arith.constant 1 : i32
      %select_n3A_27 = arith.select %eq3A_25, %jit3A_26, %jit3A_24 : i32
      %rem3A_28 = arith.remsi %scan3A_7, %select_n3A_27 : i32
      %ne3A_29 = arith.constant 0 : i32
      %ne3A_30 = arith.cmpi ne, %rem3A_28, %ne3A_29 : i32
      %lt3A = arith.constant 0 : i32
      %lt3A_31 = arith.cmpi slt, %rem3A_28, %lt3A : i32
      %lt3A_32 = arith.constant 0 : i32
      %lt3A_33 = arith.cmpi slt, %select_n3A_27, %lt3A_32 : i32
      %ne3A_34 = arith.xori %lt3A_31, %lt3A_33 : i1
      %and3A_35 = arith.andi %ne3A_34, %ne3A_30 : i1
      %add3A = arith.addi %rem3A_28, %select_n3A_27 : i32
      %select_n3A_36 = arith.select %and3A_35, %add3A, %rem3A_28 : i32
      %mul3A_37 = arith.constant 2 : i32
      %mul3A_38 = arith.muli %mul3A_37, %arg0 : i32
      %add3A_39 = arith.addi %mul3A_38, %select_n3A_36 : i32
      %mul3A_40 = arith.constant 4 : i32
      %mul3A_41 = arith.muli %select_n3A, %mul3A_40 : i32
      %add3A_42 = arith.addi %mul3A_41, %add3A_39 : i32
      %mul3A_43 = arith.constant 10000 : i32
      %mul3A_44 = arith.muli %add3A_42, %mul3A_43 : i32
      "tpu.region"() ({
        %run_scoped3A_87 = tpu.sem_alloc : memref<!tpu.dma_semaphore, #tpu.memory_space<semaphore_mem>>
        %dma_start3A = arith.constant 0 : i32
        %dma_start3A_88 = arith.constant 0 : i32
        %dma_start3A_89 = tpu.memref_slice %arg21[%dma_start3A, %dma_start3A_88] : memref<400x64xf32, #tpu.memory_space<vmem>> -> memref<320x64xf32, #tpu.memory_space<vmem>>
        %dma_start3A_90 = arith.constant 0 : i32
        %dma_start3A_91 = arith.constant 0 : i32
        %dma_start3A_92 = tpu.memref_slice %arg21[%dma_start3A_90, %dma_start3A_91] : memref<400x64xf32, #tpu.memory_space<vmem>> -> memref<320x64xf32, #tpu.memory_space<vmem>>
        tpu.enqueue_dma source(%arg7 : memref<320x64xf32, #tpu.memory_space<hbm>>) target(%dma_start3A_92 : memref<320x64xf32, #tpu.memory_space<vmem>>) target_semaphore(%run_scoped3A_87 : memref<!tpu.dma_semaphore, #tpu.memory_space<semaphore_mem>>)
        %dma_wait3A_93 = arith.constant 0 : i32
        %dma_wait3A_94 = arith.constant 0 : i32
        %dma_wait3A_95 = tpu.memref_slice %arg21[%dma_wait3A_93, %dma_wait3A_94] : memref<400x64xf32, #tpu.memory_space<vmem>> -> memref<320x64xf32, #tpu.memory_space<vmem>>
        %dma_wait3A_96 = arith.constant 0 : i32
        %dma_wait3A_97 = arith.constant 0 : i32
        %dma_wait3A_98 = tpu.memref_slice %arg21[%dma_wait3A_96, %dma_wait3A_97] : memref<400x64xf32, #tpu.memory_space<vmem>> -> memref<320x64xf32, #tpu.memory_space<vmem>>
        tpu.wait_dma2 semaphore(%run_scoped3A_87 : memref<!tpu.dma_semaphore, #tpu.memory_space<semaphore_mem>>) src(%arg7 : memref<320x64xf32, #tpu.memory_space<hbm>>) dst(%dma_wait3A_98 : memref<320x64xf32, #tpu.memory_space<vmem>>)
        tpu.yield
      }) : () -> ()
      "tpu.region"() ({
        %run_scoped3A_87 = tpu.sem_alloc : memref<!tpu.dma_semaphore, #tpu.memory_space<semaphore_mem>>
        %dma_start3A = arith.constant 0 : i32
        %dma_start3A_88 = arith.constant 0 : i32
        %dma_start3A_89 = tpu.memref_slice %arg21[%dma_start3A, %dma_start3A_88] : memref<400x64xf32, #tpu.memory_space<vmem>> -> memref<320x64xf32, #tpu.memory_space<vmem>>
        %dma_start3A_90 = arith.constant 0 : i32
        %dma_start3A_91 = tpu.memref_slice %arg10[%mul3A_2, %dma_start3A_90] : memref<10240x64xf32, #tpu.memory_space<vmem_shared>> -> memref<320x64xf32, #tpu.memory_space<vmem_shared>>
        %dma_start3A_92 = arith.constant 0 : i32
        %dma_start3A_93 = tpu.memref_slice %arg10[%mul3A_2, %dma_start3A_92] : memref<10240x64xf32, #tpu.memory_space<vmem_shared>> -> memref<320x64xf32, #tpu.memory_space<vmem_shared>>
        %dma_start3A_94 = arith.constant 0 : i32
        %dma_start3A_95 = arith.constant 0 : i32
        %dma_start3A_96 = tpu.memref_slice %arg21[%dma_start3A_94, %dma_start3A_95] : memref<400x64xf32, #tpu.memory_space<vmem>> -> memref<320x64xf32, #tpu.memory_space<vmem>>
        tpu.enqueue_dma source(%dma_start3A_96 : memref<320x64xf32, #tpu.memory_space<vmem>>) target(%dma_start3A_93 : memref<320x64xf32, #tpu.memory_space<vmem_shared>>) target_semaphore(%run_scoped3A_87 : memref<!tpu.dma_semaphore, #tpu.memory_space<semaphore_mem>>)
        %dma_wait3A_97 = arith.constant 0 : i32
        %dma_wait3A_98 = arith.constant 0 : i32
        %dma_wait3A_99 = tpu.memref_slice %arg21[%dma_wait3A_97, %dma_wait3A_98] : memref<400x64xf32, #tpu.memory_space<vmem>> -> memref<320x64xf32, #tpu.memory_space<vmem>>
        %dma_wait3A_100 = arith.constant 0 : i32
        %dma_wait3A_101 = tpu.memref_slice %arg10[%mul3A_2, %dma_wait3A_100] : memref<10240x64xf32, #tpu.memory_space<vmem_shared>> -> memref<320x64xf32, #tpu.memory_space<vmem_shared>>
        %dma_wait3A_102 = arith.constant 0 : i32
        %dma_wait3A_103 = tpu.memref_slice %arg10[%mul3A_2, %dma_wait3A_102] : memref<10240x64xf32, #tpu.memory_space<vmem_shared>> -> memref<320x64xf32, #tpu.memory_space<vmem_shared>>
        %dma_wait3A_104 = arith.constant 0 : i32
        %dma_wait3A_105 = arith.constant 0 : i32
        %dma_wait3A_106 = tpu.memref_slice %arg21[%dma_wait3A_104, %dma_wait3A_105] : memref<400x64xf32, #tpu.memory_space<vmem>> -> memref<320x64xf32, #tpu.memory_space<vmem>>
        tpu.wait_dma2 semaphore(%run_scoped3A_87 : memref<!tpu.dma_semaphore, #tpu.memory_space<semaphore_mem>>) src(%dma_wait3A_106 : memref<320x64xf32, #tpu.memory_space<vmem>>) dst(%dma_wait3A_103 : memref<320x64xf32, #tpu.memory_space<vmem_shared>>)
        tpu.yield
      }) : () -> ()
      %add3A_45 = arith.constant 320 : i32
      %add3A_46 = arith.addi %mul3A_2, %add3A_45 : i32
      "tpu.region"() ({
        %run_scoped3A_87 = tpu.sem_alloc : memref<!tpu.dma_semaphore, #tpu.memory_space<semaphore_mem>>
        %dma_start3A = arith.constant 0 : i32
        %dma_start3A_88 = arith.constant 0 : i32
        %dma_start3A_89 = tpu.memref_slice %arg21[%dma_start3A, %dma_start3A_88] : memref<400x64xf32, #tpu.memory_space<vmem>> -> memref<320x64xf32, #tpu.memory_space<vmem>>
        %dma_start3A_90 = arith.constant 0 : i32
        %dma_start3A_91 = tpu.memref_slice %arg10[%add3A_46, %dma_start3A_90] : memref<10240x64xf32, #tpu.memory_space<vmem_shared>> -> memref<320x64xf32, #tpu.memory_space<vmem_shared>>
        %dma_start3A_92 = arith.constant 0 : i32
        %dma_start3A_93 = tpu.memref_slice %arg10[%add3A_46, %dma_start3A_92] : memref<10240x64xf32, #tpu.memory_space<vmem_shared>> -> memref<320x64xf32, #tpu.memory_space<vmem_shared>>
        %dma_start3A_94 = arith.constant 0 : i32
        %dma_start3A_95 = arith.constant 0 : i32
        %dma_start3A_96 = tpu.memref_slice %arg21[%dma_start3A_94, %dma_start3A_95] : memref<400x64xf32, #tpu.memory_space<vmem>> -> memref<320x64xf32, #tpu.memory_space<vmem>>
        tpu.enqueue_dma source(%dma_start3A_96 : memref<320x64xf32, #tpu.memory_space<vmem>>) target(%dma_start3A_93 : memref<320x64xf32, #tpu.memory_space<vmem_shared>>) target_semaphore(%run_scoped3A_87 : memref<!tpu.dma_semaphore, #tpu.memory_space<semaphore_mem>>)
        %dma_wait3A_97 = arith.constant 0 : i32
        %dma_wait3A_98 = arith.constant 0 : i32
        %dma_wait3A_99 = tpu.memref_slice %arg21[%dma_wait3A_97, %dma_wait3A_98] : memref<400x64xf32, #tpu.memory_space<vmem>> -> memref<320x64xf32, #tpu.memory_space<vmem>>
        %dma_wait3A_100 = arith.constant 0 : i32
        %dma_wait3A_101 = tpu.memref_slice %arg10[%add3A_46, %dma_wait3A_100] : memref<10240x64xf32, #tpu.memory_space<vmem_shared>> -> memref<320x64xf32, #tpu.memory_space<vmem_shared>>
        %dma_wait3A_102 = arith.constant 0 : i32
        %dma_wait3A_103 = tpu.memref_slice %arg10[%add3A_46, %dma_wait3A_102] : memref<10240x64xf32, #tpu.memory_space<vmem_shared>> -> memref<320x64xf32, #tpu.memory_space<vmem_shared>>
        %dma_wait3A_104 = arith.constant 0 : i32
        %dma_wait3A_105 = arith.constant 0 : i32
        %dma_wait3A_106 = tpu.memref_slice %arg21[%dma_wait3A_104, %dma_wait3A_105] : memref<400x64xf32, #tpu.memory_space<vmem>> -> memref<320x64xf32, #tpu.memory_space<vmem>>
        tpu.wait_dma2 semaphore(%run_scoped3A_87 : memref<!tpu.dma_semaphore, #tpu.memory_space<semaphore_mem>>) src(%dma_wait3A_106 : memref<320x64xf32, #tpu.memory_space<vmem>>) dst(%dma_wait3A_103 : memref<320x64xf32, #tpu.memory_space<vmem_shared>>)
        tpu.yield
      }) : () -> ()
      "tpu.region"() ({
        %run_scoped3A_87 = tpu.sem_alloc : memref<!tpu.dma_semaphore, #tpu.memory_space<semaphore_mem>>
        %dma_start3A = tpu.memref_slice %arg11[%mul3A_2] : memref<10240xf32, #tpu.memory_space<vmem_shared>> -> memref<640xf32, #tpu.memory_space<vmem_shared>>
        %dma_start3A_88 = tpu.memref_slice %arg11[%mul3A_2] : memref<10240xf32, #tpu.memory_space<vmem_shared>> -> memref<640xf32, #tpu.memory_space<vmem_shared>>
        tpu.enqueue_dma source(%arg23 : memref<640xf32, #tpu.memory_space<vmem>>) target(%dma_start3A_88 : memref<640xf32, #tpu.memory_space<vmem_shared>>) target_semaphore(%run_scoped3A_87 : memref<!tpu.dma_semaphore, #tpu.memory_space<semaphore_mem>>)
        %dma_wait3A_89 = tpu.memref_slice %arg11[%mul3A_2] : memref<10240xf32, #tpu.memory_space<vmem_shared>> -> memref<640xf32, #tpu.memory_space<vmem_shared>>
        %dma_wait3A_90 = tpu.memref_slice %arg11[%mul3A_2] : memref<10240xf32, #tpu.memory_space<vmem_shared>> -> memref<640xf32, #tpu.memory_space<vmem_shared>>
        tpu.wait_dma2 semaphore(%run_scoped3A_87 : memref<!tpu.dma_semaphore, #tpu.memory_space<semaphore_mem>>) src(%arg23 : memref<640xf32, #tpu.memory_space<vmem>>) dst(%dma_wait3A_90 : memref<640xf32, #tpu.memory_space<vmem_shared>>)
        tpu.yield
      }) : () -> ()
      "tpu.region"() ({
        %run_scoped3A_87 = tpu.sem_alloc : memref<!tpu.dma_semaphore, #tpu.memory_space<semaphore_mem>>
        %dma_start3A = tpu.memref_slice %arg3[%mul3A_44] : memref<80000xf32, #tpu.memory_space<hbm>> -> memref<10000xf32, #tpu.memory_space<hbm>>
        %dma_start3A_88 = tpu.memref_slice %arg3[%mul3A_44] : memref<80000xf32, #tpu.memory_space<hbm>> -> memref<10000xf32, #tpu.memory_space<hbm>>
        tpu.enqueue_dma source(%dma_start3A_88 : memref<10000xf32, #tpu.memory_space<hbm>>) target(%arg12 : memref<10000xf32, #tpu.memory_space<vmem>>) target_semaphore(%run_scoped3A_87 : memref<!tpu.dma_semaphore, #tpu.memory_space<semaphore_mem>>)
        %dma_wait3A_89 = tpu.memref_slice %arg3[%mul3A_44] : memref<80000xf32, #tpu.memory_space<hbm>> -> memref<10000xf32, #tpu.memory_space<hbm>>
        %dma_wait3A_90 = tpu.memref_slice %arg3[%mul3A_44] : memref<80000xf32, #tpu.memory_space<hbm>> -> memref<10000xf32, #tpu.memory_space<hbm>>
        tpu.wait_dma2 semaphore(%run_scoped3A_87 : memref<!tpu.dma_semaphore, #tpu.memory_space<semaphore_mem>>) src(%dma_wait3A_90 : memref<10000xf32, #tpu.memory_space<hbm>>) dst(%arg12 : memref<10000xf32, #tpu.memory_space<vmem>>)
        tpu.yield
      }) : () -> ()
      "tpu.region"() ({
        %run_scoped3A_87 = tpu.sem_alloc : memref<!tpu.dma_semaphore, #tpu.memory_space<semaphore_mem>>
        %dma_start3A = tpu.memref_slice %arg4[%mul3A_44] : memref<80000xf32, #tpu.memory_space<hbm>> -> memref<10000xf32, #tpu.memory_space<hbm>>
        %dma_start3A_88 = tpu.memref_slice %arg4[%mul3A_44] : memref<80000xf32, #tpu.memory_space<hbm>> -> memref<10000xf32, #tpu.memory_space<hbm>>
        tpu.enqueue_dma source(%dma_start3A_88 : memref<10000xf32, #tpu.memory_space<hbm>>) target(%arg13 : memref<10000xf32, #tpu.memory_space<vmem>>) target_semaphore(%run_scoped3A_87 : memref<!tpu.dma_semaphore, #tpu.memory_space<semaphore_mem>>)
        %dma_wait3A_89 = tpu.memref_slice %arg4[%mul3A_44] : memref<80000xf32, #tpu.memory_space<hbm>> -> memref<10000xf32, #tpu.memory_space<hbm>>
        %dma_wait3A_90 = tpu.memref_slice %arg4[%mul3A_44] : memref<80000xf32, #tpu.memory_space<hbm>> -> memref<10000xf32, #tpu.memory_space<hbm>>
        tpu.wait_dma2 semaphore(%run_scoped3A_87 : memref<!tpu.dma_semaphore, #tpu.memory_space<semaphore_mem>>) src(%dma_wait3A_90 : memref<10000xf32, #tpu.memory_space<hbm>>) dst(%arg13 : memref<10000xf32, #tpu.memory_space<vmem>>)
        tpu.yield
      }) : () -> ()
      %broadcast_in_dim3A = arith.constant 0 : i32
      %broadcast_in_dim3A_47 = vector.broadcast %broadcast_in_dim3A : i32 to vector<16xi32>
      %mul3A_48 = arith.constant 4 : i32
      %mul3A_49 = arith.muli %mul3A_48, %select_n3A : i32
      %add3A_50 = arith.addi %mul3A_49, %add3A_39 : i32
      %add3A_51 = vector.broadcast %add3A_50 : i32 to vector<16xi32>
      %add3A_52 = arith.addi %broadcast_in_dim3A_47, %add3A_51 : vector<16xi32>
      %gather3A = tpu.vector_load_idx %arg24[%add3A_52] : memref<16xf32, #tpu.memory_space<vmem>>[vector<16xi32>], vector<16xf32>,
      %barrier3A = arith.constant 0 : index
      tpu.barrier barrier_id(%barrier3A)
      %scan3A_53 = arith.constant 0 : i32
      %scan3A_54 = arith.constant 25 : i32
      %scan3A_55 = arith.addi %scan3A_53, %scan3A_54 : i32
      %scan3A_56 = arith.constant 1 : i32
      scf.for %scan3A_87 = %scan3A_53 to %scan3A_55 step %scan3A_56  : i32 {
        %mul3A_88 = arith.constant 320000 : i32
        %mul3A_89 = arith.muli %mul3A_88, %select_n3A : i32
        %add3A_90 = arith.addi %mul3A_89, %mul3A_0 : i32
        %mul3A_91 = arith.constant 400 : i32
        %mul3A_92 = arith.muli %scan3A_87, %mul3A_91 : i32
        %add3A_93 = arith.addi %add3A_90, %mul3A_92 : i32
        "tpu.region"() ({
          %run_scoped3A_100 = tpu.sem_alloc : memref<!tpu.dma_semaphore, #tpu.memory_space<semaphore_mem>>
          %dma_start3A = tpu.memref_slice %arg5[%add3A_93] : memref<640000xi32, #tpu.memory_space<hbm>> -> memref<400xi32, #tpu.memory_space<hbm>>
          %dma_start3A_101 = tpu.memref_slice %arg5[%add3A_93] : memref<640000xi32, #tpu.memory_space<hbm>> -> memref<400xi32, #tpu.memory_space<hbm>>
          tpu.enqueue_dma source(%dma_start3A_101 : memref<400xi32, #tpu.memory_space<hbm>>) target(%arg15 : memref<400xi32, #tpu.memory_space<vmem>>) target_semaphore(%run_scoped3A_100 : memref<!tpu.dma_semaphore, #tpu.memory_space<semaphore_mem>>)
          %dma_wait3A_102 = tpu.memref_slice %arg5[%add3A_93] : memref<640000xi32, #tpu.memory_space<hbm>> -> memref<400xi32, #tpu.memory_space<hbm>>
          %dma_wait3A_103 = tpu.memref_slice %arg5[%add3A_93] : memref<640000xi32, #tpu.memory_space<hbm>> -> memref<400xi32, #tpu.memory_space<hbm>>
          tpu.wait_dma2 semaphore(%run_scoped3A_100 : memref<!tpu.dma_semaphore, #tpu.memory_space<semaphore_mem>>) src(%dma_wait3A_103 : memref<400xi32, #tpu.memory_space<hbm>>) dst(%arg15 : memref<400xi32, #tpu.memory_space<vmem>>)
          tpu.yield
        }) : () -> ()
        %add3A_94 = arith.constant 160000 : i32
        %add3A_95 = arith.addi %add3A_93, %add3A_94 : i32
        "tpu.region"() ({
          %run_scoped3A_100 = tpu.sem_alloc : memref<!tpu.dma_semaphore, #tpu.memory_space<semaphore_mem>>
          %dma_start3A = tpu.memref_slice %arg5[%add3A_95] : memref<640000xi32, #tpu.memory_space<hbm>> -> memref<400xi32, #tpu.memory_space<hbm>>
          %dma_start3A_101 = tpu.memref_slice %arg5[%add3A_95] : memref<640000xi32, #tpu.memory_space<hbm>> -> memref<400xi32, #tpu.memory_space<hbm>>
          tpu.enqueue_dma source(%dma_start3A_101 : memref<400xi32, #tpu.memory_space<hbm>>) target(%arg16 : memref<400xi32, #tpu.memory_space<vmem>>) target_semaphore(%run_scoped3A_100 : memref<!tpu.dma_semaphore, #tpu.memory_space<semaphore_mem>>)
          %dma_wait3A_102 = tpu.memref_slice %arg5[%add3A_95] : memref<640000xi32, #tpu.memory_space<hbm>> -> memref<400xi32, #tpu.memory_space<hbm>>
          %dma_wait3A_103 = tpu.memref_slice %arg5[%add3A_95] : memref<640000xi32, #tpu.memory_space<hbm>> -> memref<400xi32, #tpu.memory_space<hbm>>
          tpu.wait_dma2 semaphore(%run_scoped3A_100 : memref<!tpu.dma_semaphore, #tpu.memory_space<semaphore_mem>>) src(%dma_wait3A_103 : memref<400xi32, #tpu.memory_space<hbm>>) dst(%arg16 : memref<400xi32, #tpu.memory_space<vmem>>)
          tpu.yield
        }) : () -> ()
        %parallel_loop3A_96 = arith.constant 0 : i32
        %parallel_loop3A_97 = arith.constant 400 : i32
        %parallel_loop3A_98 = arith.constant 16 : i32
        scf.for %parallel_loop3A_100 = %parallel_loop3A_96 to %parallel_loop3A_97 step %parallel_loop3A_98  : i32 {
          %parallel_loop3A_101 = arith.index_cast %parallel_loop3A_100 : i32 to index
          %parallel_loop3A_102 = tpu.vector_load %arg15[%parallel_loop3A_101] {strides = array<i32>} : memref<400xi32, #tpu.memory_space<vmem>>, vector<16xi32>,
          %parallel_loop3A_103 = arith.index_cast %parallel_loop3A_100 : i32 to index
          %parallel_loop3A_104 = tpu.vector_load %arg16[%parallel_loop3A_103] {strides = array<i32>} : memref<400xi32, #tpu.memory_space<vmem>>, vector<16xi32>,
          %parallel_loop3A_105 = tpu.vector_load_idx %arg12[%parallel_loop3A_102] : memref<10000xf32, #tpu.memory_space<vmem>>[vector<16xi32>], vector<16xf32>,
          %parallel_loop3A_106 = tpu.vector_load_idx %arg13[%parallel_loop3A_104] : memref<10000xf32, #tpu.memory_space<vmem>>[vector<16xi32>], vector<16xf32>,
          %parallel_loop3A_107 = arith.addf %parallel_loop3A_105, %parallel_loop3A_106 : vector<16xf32>
          %parallel_loop3A_108 = arith.constant 0.00999999977 : f32
          %parallel_loop3A_109 = vector.broadcast %parallel_loop3A_108 : f32 to vector<16xf32>
          %parallel_loop3A_110 = arith.mulf %parallel_loop3A_109, %parallel_loop3A_107 : vector<16xf32>
          %parallel_loop3A_111 = arith.maximumf %parallel_loop3A_107, %parallel_loop3A_110 : vector<16xf32>
          %parallel_loop3A_112 = arith.subf %parallel_loop3A_111, %gather3A : vector<16xf32>
          %parallel_loop3A_113 = math.exp %parallel_loop3A_112 : vector<16xf32>
          %parallel_loop3A_114 = arith.index_cast %parallel_loop3A_100 : i32 to index
          %parallel_loop3A_115 = tpu.vector_load %arg17[%parallel_loop3A_114] {strides = array<i32>} : memref<400xf32, #tpu.memory_space<vmem>>, vector<16xf32>,
          tpu.vector_store %arg17[%parallel_loop3A_114], %parallel_loop3A_113 {strides = array<i32>} : memref<400xf32, #tpu.memory_space<vmem>>, vector<16xf32>,
          %parallel_loop3A_116 = arith.constant 0 : i32
          %parallel_loop3A_117 = arith.index_cast %parallel_loop3A_116 : i32 to index
          %parallel_loop3A_118 = arith.index_cast %parallel_loop3A_100 : i32 to index
          %parallel_loop3A_119 = tpu.vector_load %arg20[%parallel_loop3A_117, %parallel_loop3A_118] {strides = array<i32>} : memref<2x400xi32, #tpu.memory_space<vmem>>, vector<16xi32>,
          tpu.vector_store %arg20[%parallel_loop3A_117, %parallel_loop3A_118], %parallel_loop3A_104 {strides = array<i32>} : memref<2x400xi32, #tpu.memory_space<vmem>>, vector<16xi32>,
        } {sc.loop_unroll_factor = 4 : i64, sc.parallel_access}
        %run_scoped3A_99 = arith.constant 0 : i32
        "tpu.region"() ({
          %run_scoped3A_100 = tpu.sem_alloc : memref<!tpu.dma_semaphore, #tpu.memory_space<semaphore_mem>>
          %dma_start3A = arith.constant 0 : i32
          %dma_start3A_101 = tpu.memref_slice %arg20[%run_scoped3A_99, %dma_start3A] : memref<2x400xi32, #tpu.memory_space<vmem>> -> memref<1x400xi32, #tpu.memory_space<vmem>>
          %dma_start3A_102 = tpu.memref_squeeze %dma_start3A_101 : memref<1x400xi32, #tpu.memory_space<vmem>> -> memref<400xi32, #tpu.memory_space<vmem>>
          %dma_start3A_103 = arith.constant 0 : i32
          %dma_start3A_104 = tpu.memref_slice %arg11[%dma_start3A_103] : memref<10240xf32, #tpu.memory_space<vmem_shared>> -> memref<10240xf32, #tpu.memory_space<vmem_shared>>
          tpu.enqueue_indirect_dma source(%arg17 : memref<400xf32, #tpu.memory_space<vmem>>) target(%dma_start3A_104 : memref<10240xf32, #tpu.memory_space<vmem_shared>>) offsets(%dma_start3A_102 : memref<400xi32, #tpu.memory_space<vmem>>) semaphore(%run_scoped3A_100 : memref<!tpu.dma_semaphore, #tpu.memory_space<semaphore_mem>>) {add = true}
          %dma_wait3A_105 = arith.constant 0 : i32
          %dma_wait3A_106 = tpu.memref_slice %arg20[%run_scoped3A_99, %dma_wait3A_105] : memref<2x400xi32, #tpu.memory_space<vmem>> -> memref<1x400xi32, #tpu.memory_space<vmem>>
          %dma_wait3A_107 = tpu.memref_squeeze %dma_wait3A_106 : memref<1x400xi32, #tpu.memory_space<vmem>> -> memref<400xi32, #tpu.memory_space<vmem>>
          %dma_wait3A_108 = arith.constant 0 : i32
          %dma_wait3A_109 = tpu.memref_slice %arg11[%dma_wait3A_108] : memref<10240xf32, #tpu.memory_space<vmem_shared>> -> memref<10240xf32, #tpu.memory_space<vmem_shared>>
          tpu.wait_indirect_dma semaphore(%run_scoped3A_100 : memref<!tpu.dma_semaphore, #tpu.memory_space<semaphore_mem>>) src(%arg17 : memref<400xf32, #tpu.memory_space<vmem>>) dst(%dma_wait3A_109 : memref<10240xf32, #tpu.memory_space<vmem_shared>>)
          tpu.yield
        }) : () -> ()
      }
      %scan3A_57 = arith.constant 25 : i32
      %barrier3A_58 = arith.constant 0 : index
      tpu.barrier barrier_id(%barrier3A_58)
      "tpu.region"() ({
        %run_scoped3A_87 = tpu.sem_alloc : memref<!tpu.dma_semaphore, #tpu.memory_space<semaphore_mem>>
        tpu.enqueue_dma source(%arg11 : memref<10240xf32, #tpu.memory_space<vmem_shared>>) target(%arg14 : memref<10240xf32, #tpu.memory_space<vmem>>) target_semaphore(%run_scoped3A_87 : memref<!tpu.dma_semaphore, #tpu.memory_space<semaphore_mem>>)
        tpu.wait_dma2 semaphore(%run_scoped3A_87 : memref<!tpu.dma_semaphore, #tpu.memory_space<semaphore_mem>>) src(%arg11 : memref<10240xf32, #tpu.memory_space<vmem_shared>>) dst(%arg14 : memref<10240xf32, #tpu.memory_space<vmem>>)
        tpu.yield
      }) : () -> ()
      %mul3A_59 = arith.constant 320000 : i32
      %mul3A_60 = arith.muli %mul3A_59, %select_n3A : i32
      %add3A_61 = arith.addi %mul3A_60, %mul3A_0 : i32
      %add3A_62 = arith.constant 0 : i32
      %add3A_63 = arith.addi %add3A_61, %add3A_62 : i32
      "tpu.region"() ({
        %run_scoped3A_87 = tpu.sem_alloc : memref<!tpu.dma_semaphore, #tpu.memory_space<semaphore_mem>>
        %dma_start3A = tpu.memref_slice %arg5[%add3A_63] : memref<640000xi32, #tpu.memory_space<hbm>> -> memref<400xi32, #tpu.memory_space<hbm>>
        %dma_start3A_88 = tpu.memref_slice %arg5[%add3A_63] : memref<640000xi32, #tpu.memory_space<hbm>> -> memref<400xi32, #tpu.memory_space<hbm>>
        tpu.enqueue_dma source(%dma_start3A_88 : memref<400xi32, #tpu.memory_space<hbm>>) target(%arg15 : memref<400xi32, #tpu.memory_space<vmem>>) target_semaphore(%run_scoped3A_87 : memref<!tpu.dma_semaphore, #tpu.memory_space<semaphore_mem>>)
        %dma_wait3A_89 = tpu.memref_slice %arg5[%add3A_63] : memref<640000xi32, #tpu.memory_space<hbm>> -> memref<400xi32, #tpu.memory_space<hbm>>
        %dma_wait3A_90 = tpu.memref_slice %arg5[%add3A_63] : memref<640000xi32, #tpu.memory_space<hbm>> -> memref<400xi32, #tpu.memory_space<hbm>>
        tpu.wait_dma2 semaphore(%run_scoped3A_87 : memref<!tpu.dma_semaphore, #tpu.memory_space<semaphore_mem>>) src(%dma_wait3A_90 : memref<400xi32, #tpu.memory_space<hbm>>) dst(%arg15 : memref<400xi32, #tpu.memory_space<vmem>>)
        tpu.yield
      }) : () -> ()
      %add3A_64 = arith.constant 160000 : i32
      %add3A_65 = arith.addi %add3A_63, %add3A_64 : i32
      "tpu.region"() ({
        %run_scoped3A_87 = tpu.sem_alloc : memref<!tpu.dma_semaphore, #tpu.memory_space<semaphore_mem>>
        %dma_start3A = tpu.memref_slice %arg5[%add3A_65] : memref<640000xi32, #tpu.memory_space<hbm>> -> memref<400xi32, #tpu.memory_space<hbm>>
        %dma_start3A_88 = tpu.memref_slice %arg5[%add3A_65] : memref<640000xi32, #tpu.memory_space<hbm>> -> memref<400xi32, #tpu.memory_space<hbm>>
        tpu.enqueue_dma source(%dma_start3A_88 : memref<400xi32, #tpu.memory_space<hbm>>) target(%arg16 : memref<400xi32, #tpu.memory_space<vmem>>) target_semaphore(%run_scoped3A_87 : memref<!tpu.dma_semaphore, #tpu.memory_space<semaphore_mem>>)
        %dma_wait3A_89 = tpu.memref_slice %arg5[%add3A_65] : memref<640000xi32, #tpu.memory_space<hbm>> -> memref<400xi32, #tpu.memory_space<hbm>>
        %dma_wait3A_90 = tpu.memref_slice %arg5[%add3A_65] : memref<640000xi32, #tpu.memory_space<hbm>> -> memref<400xi32, #tpu.memory_space<hbm>>
        tpu.wait_dma2 semaphore(%run_scoped3A_87 : memref<!tpu.dma_semaphore, #tpu.memory_space<semaphore_mem>>) src(%dma_wait3A_90 : memref<400xi32, #tpu.memory_space<hbm>>) dst(%arg16 : memref<400xi32, #tpu.memory_space<vmem>>)
        tpu.yield
      }) : () -> ()
      %parallel_loop3A = arith.constant 0 : i32
      %parallel_loop3A_66 = arith.constant 400 : i32
      %parallel_loop3A_67 = arith.constant 16 : i32
      scf.for %parallel_loop3A_87 = %parallel_loop3A to %parallel_loop3A_66 step %parallel_loop3A_67  : i32 {
        %parallel_loop3A_88 = arith.index_cast %parallel_loop3A_87 : i32 to index
        %parallel_loop3A_89 = tpu.vector_load %arg15[%parallel_loop3A_88] {strides = array<i32>} : memref<400xi32, #tpu.memory_space<vmem>>, vector<16xi32>,
        %parallel_loop3A_90 = arith.index_cast %parallel_loop3A_87 : i32 to index
        %parallel_loop3A_91 = tpu.vector_load %arg16[%parallel_loop3A_90] {strides = array<i32>} : memref<400xi32, #tpu.memory_space<vmem>>, vector<16xi32>,
        %parallel_loop3A_92 = tpu.vector_load_idx %arg12[%parallel_loop3A_89] : memref<10000xf32, #tpu.memory_space<vmem>>[vector<16xi32>], vector<16xf32>,
        %parallel_loop3A_93 = tpu.vector_load_idx %arg13[%parallel_loop3A_91] : memref<10000xf32, #tpu.memory_space<vmem>>[vector<16xi32>], vector<16xf32>,
        %parallel_loop3A_94 = arith.addf %parallel_loop3A_92, %parallel_loop3A_93 : vector<16xf32>
        %parallel_loop3A_95 = arith.constant 0.00999999977 : f32
        %parallel_loop3A_96 = vector.broadcast %parallel_loop3A_95 : f32 to vector<16xf32>
        %parallel_loop3A_97 = arith.mulf %parallel_loop3A_96, %parallel_loop3A_94 : vector<16xf32>
        %parallel_loop3A_98 = arith.maximumf %parallel_loop3A_94, %parallel_loop3A_97 : vector<16xf32>
        %parallel_loop3A_99 = arith.subf %parallel_loop3A_98, %gather3A : vector<16xf32>
        %parallel_loop3A_100 = math.exp %parallel_loop3A_99 : vector<16xf32>
        %parallel_loop3A_101 = tpu.vector_load_idx %arg14[%parallel_loop3A_91] : memref<10240xf32, #tpu.memory_space<vmem>>[vector<16xi32>], vector<16xf32>,
        %parallel_loop3A_102 = arith.divf %parallel_loop3A_100, %parallel_loop3A_101 : vector<16xf32>
        %parallel_loop3A_103 = arith.constant 0 : i32
        %parallel_loop3A_104 = arith.index_cast %parallel_loop3A_103 : i32 to index
        %parallel_loop3A_105 = arith.index_cast %parallel_loop3A_87 : i32 to index
        %parallel_loop3A_106 = tpu.vector_load %arg18[%parallel_loop3A_104, %parallel_loop3A_105] {strides = array<i32>} : memref<2x400xf32, #tpu.memory_space<vmem>>, vector<16xf32>,
        tpu.vector_store %arg18[%parallel_loop3A_104, %parallel_loop3A_105], %parallel_loop3A_102 {strides = array<i32>} : memref<2x400xf32, #tpu.memory_space<vmem>>, vector<16xf32>,
        %parallel_loop3A_107 = vector.broadcast %mul3A_44 : i32 to vector<16xi32>
        %parallel_loop3A_108 = arith.addi %parallel_loop3A_89, %parallel_loop3A_107 : vector<16xi32>
        %parallel_loop3A_109 = arith.index_cast %parallel_loop3A_87 : i32 to index
        %parallel_loop3A_110 = tpu.vector_load %arg19[%parallel_loop3A_109] {strides = array<i32>} : memref<400xi32, #tpu.memory_space<vmem>>, vector<16xi32>,
        tpu.vector_store %arg19[%parallel_loop3A_109], %parallel_loop3A_108 {strides = array<i32>} : memref<400xi32, #tpu.memory_space<vmem>>, vector<16xi32>,
        %parallel_loop3A_111 = arith.constant 0 : i32
        %parallel_loop3A_112 = arith.index_cast %parallel_loop3A_111 : i32 to index
        %parallel_loop3A_113 = arith.index_cast %parallel_loop3A_87 : i32 to index
        %parallel_loop3A_114 = tpu.vector_load %arg20[%parallel_loop3A_112, %parallel_loop3A_113] {strides = array<i32>} : memref<2x400xi32, #tpu.memory_space<vmem>>, vector<16xi32>,
        tpu.vector_store %arg20[%parallel_loop3A_112, %parallel_loop3A_113], %parallel_loop3A_91 {strides = array<i32>} : memref<2x400xi32, #tpu.memory_space<vmem>>, vector<16xi32>,
      } {sc.loop_unroll_factor = 4 : i64, sc.parallel_access}
      "tpu.region"() ({
        %run_scoped3A_87 = tpu.sem_alloc : memref<!tpu.dma_semaphore, #tpu.memory_space<semaphore_mem>>
        %dma_start3A = arith.constant 0 : i32
        %dma_start3A_88 = arith.constant 0 : i32
        %dma_start3A_89 = tpu.memref_slice %arg2[%dma_start3A, %dma_start3A_88] : memref<80000x64xf32, #tpu.memory_space<hbm>> -> memref<80000x64xf32, #tpu.memory_space<hbm>>
        tpu.enqueue_indirect_dma source(%dma_start3A_89 : memref<80000x64xf32, #tpu.memory_space<hbm>>) target(%arg21 : memref<400x64xf32, #tpu.memory_space<vmem>>) offsets(%arg19 : memref<400xi32, #tpu.memory_space<vmem>>) semaphore(%run_scoped3A_87 : memref<!tpu.dma_semaphore, #tpu.memory_space<semaphore_mem>>)
        %dma_wait3A_90 = arith.constant 0 : i32
        %dma_wait3A_91 = arith.constant 0 : i32
        %dma_wait3A_92 = tpu.memref_slice %arg2[%dma_wait3A_90, %dma_wait3A_91] : memref<80000x64xf32, #tpu.memory_space<hbm>> -> memref<80000x64xf32, #tpu.memory_space<hbm>>
        tpu.wait_indirect_dma semaphore(%run_scoped3A_87 : memref<!tpu.dma_semaphore, #tpu.memory_space<semaphore_mem>>) src(%dma_wait3A_92 : memref<80000x64xf32, #tpu.memory_space<hbm>>) dst(%arg21 : memref<400x64xf32, #tpu.memory_space<vmem>>)
        tpu.yield
      }) : () -> ()
      %scan3A_68 = arith.constant 0 : i32
      %scan3A_69 = arith.constant 12 : i32
      %scan3A_70 = arith.addi %scan3A_68, %scan3A_69 : i32
      %scan3A_71 = arith.constant 1 : i32
      scf.for %scan3A_87 = %scan3A_68 to %scan3A_70 step %scan3A_71  : i32 {
        %mul3A_88 = arith.constant 2 : i32
        %mul3A_89 = arith.muli %mul3A_88, %scan3A_87 : i32
        %add3A_90 = arith.constant 0 : i32
        %add3A_91 = arith.addi %mul3A_89, %add3A_90 : i32
        %gt3A = arith.constant 0 : i32
        %gt3A_92 = arith.cmpi sgt, %add3A_91, %gt3A : i32
        %convert_element_type3A = arith.extui %gt3A_92 : i1 to i32
        %cond3A = arith.constant 0 : i32
        %cond3A_93 = arith.cmpi ne, %convert_element_type3A, %cond3A : i32
        scf.if %cond3A_93 {
          %dma_wait3A_150 = arith.constant 1 : i32
          %dma_wait3A_151 = arith.constant 0 : i32
          %dma_wait3A_152 = tpu.memref_slice %arg20[%dma_wait3A_150, %dma_wait3A_151] : memref<2x400xi32, #tpu.memory_space<vmem>> -> memref<1x400xi32, #tpu.memory_space<vmem>>
          %dma_wait3A_153 = tpu.memref_squeeze %dma_wait3A_152 : memref<1x400xi32, #tpu.memory_space<vmem>> -> memref<400xi32, #tpu.memory_space<vmem>>
          %dma_wait3A_154 = arith.constant 0 : i32
          %dma_wait3A_155 = arith.constant 0 : i32
          %dma_wait3A_156 = tpu.memref_slice %arg10[%dma_wait3A_154, %dma_wait3A_155] : memref<10240x64xf32, #tpu.memory_space<vmem_shared>> -> memref<10240x64xf32, #tpu.memory_space<vmem_shared>>
          tpu.wait_indirect_dma semaphore(%arg25 : memref<!tpu.dma_semaphore, #tpu.memory_space<semaphore_mem>>) src(%arg22 : memref<400x64xf32, #tpu.memory_space<vmem>>) dst(%dma_wait3A_156 : memref<10240x64xf32, #tpu.memory_space<vmem_shared>>)
        } else {
        }
        %parallel_loop3A_94 = arith.constant 0 : i32
        %parallel_loop3A_95 = arith.constant 400 : i32
        %parallel_loop3A_96 = arith.constant 1 : i32
        scf.for %parallel_loop3A_150 = %parallel_loop3A_94 to %parallel_loop3A_95 step %parallel_loop3A_96  : i32 {
          %parallel_loop3A_151 = arith.constant 0 : i32
          %parallel_loop3A_152 = vector.broadcast %parallel_loop3A_151 : i32 to vector<16xi32>
          %parallel_loop3A_153 = vector.broadcast %parallel_loop3A_150 : i32 to vector<16xi32>
          %parallel_loop3A_154 = arith.addi %parallel_loop3A_152, %parallel_loop3A_153 : vector<16xi32>
          %parallel_loop3A_155 = arith.constant 0 : i32
          %parallel_loop3A_156 = arith.constant 0 : i32
          %parallel_loop3A_157 = tpu.memref_slice %arg18[%parallel_loop3A_155, %parallel_loop3A_156] : memref<2x400xf32, #tpu.memory_space<vmem>> -> memref<1x400xf32, #tpu.memory_space<vmem>>
          %parallel_loop3A_158 = tpu.memref_squeeze %parallel_loop3A_157 : memref<1x400xf32, #tpu.memory_space<vmem>> -> memref<400xf32, #tpu.memory_space<vmem>>
          %parallel_loop3A_159 = tpu.vector_load_idx %parallel_loop3A_158[%parallel_loop3A_154] : memref<400xf32, #tpu.memory_space<vmem>>[vector<16xi32>], vector<16xf32>,
          %parallel_loop3A_160 = arith.index_cast %parallel_loop3A_150 : i32 to index
          %parallel_loop3A_161 = arith.constant 0 : index
          %parallel_loop3A_162 = tpu.vector_load %arg21[%parallel_loop3A_160, %parallel_loop3A_161] {strides = array<i32>} : memref<400x64xf32, #tpu.memory_space<vmem>>, vector<16xf32>,
          %parallel_loop3A_163 = arith.mulf %parallel_loop3A_162, %parallel_loop3A_159 : vector<16xf32>
          %parallel_loop3A_164 = arith.index_cast %parallel_loop3A_150 : i32 to index
          %parallel_loop3A_165 = arith.constant 0 : index
          %parallel_loop3A_166 = tpu.vector_load %arg22[%parallel_loop3A_164, %parallel_loop3A_165] {strides = array<i32>} : memref<400x64xf32, #tpu.memory_space<vmem>>, vector<16xf32>,
          tpu.vector_store %arg22[%parallel_loop3A_164, %parallel_loop3A_165], %parallel_loop3A_163 {strides = array<i32>} : memref<400x64xf32, #tpu.memory_space<vmem>>, vector<16xf32>,
          %parallel_loop3A_167 = arith.index_cast %parallel_loop3A_150 : i32 to index
          %parallel_loop3A_168 = arith.constant 16 : index
          %parallel_loop3A_169 = tpu.vector_load %arg21[%parallel_loop3A_167, %parallel_loop3A_168] {strides = array<i32>} : memref<400x64xf32, #tpu.memory_space<vmem>>, vector<16xf32>,
          %parallel_loop3A_170 = arith.mulf %parallel_loop3A_169, %parallel_loop3A_159 : vector<16xf32>
          %parallel_loop3A_171 = arith.index_cast %parallel_loop3A_150 : i32 to index
          %parallel_loop3A_172 = arith.constant 16 : index
          %parallel_loop3A_173 = tpu.vector_load %arg22[%parallel_loop3A_171, %parallel_loop3A_172] {strides = array<i32>} : memref<400x64xf32, #tpu.memory_space<vmem>>, vector<16xf32>,
          tpu.vector_store %arg22[%parallel_loop3A_171, %parallel_loop3A_172], %parallel_loop3A_170 {strides = array<i32>} : memref<400x64xf32, #tpu.memory_space<vmem>>, vector<16xf32>,
          %parallel_loop3A_174 = arith.index_cast %parallel_loop3A_150 : i32 to index
          %parallel_loop3A_175 = arith.constant 32 : index
          %parallel_loop3A_176 = tpu.vector_load %arg21[%parallel_loop3A_174, %parallel_loop3A_175] {strides = array<i32>} : memref<400x64xf32, #tpu.memory_space<vmem>>, vector<16xf32>,
          %parallel_loop3A_177 = arith.mulf %parallel_loop3A_176, %parallel_loop3A_159 : vector<16xf32>
          %parallel_loop3A_178 = arith.index_cast %parallel_loop3A_150 : i32 to index
          %parallel_loop3A_179 = arith.constant 32 : index
          %parallel_loop3A_180 = tpu.vector_load %arg22[%parallel_loop3A_178, %parallel_loop3A_179] {strides = array<i32>} : memref<400x64xf32, #tpu.memory_space<vmem>>, vector<16xf32>,
          tpu.vector_store %arg22[%parallel_loop3A_178, %parallel_loop3A_179], %parallel_loop3A_177 {strides = array<i32>} : memref<400x64xf32, #tpu.memory_space<vmem>>, vector<16xf32>,
          %parallel_loop3A_181 = arith.index_cast %parallel_loop3A_150 : i32 to index
          %parallel_loop3A_182 = arith.constant 48 : index
          %parallel_loop3A_183 = tpu.vector_load %arg21[%parallel_loop3A_181, %parallel_loop3A_182] {strides = array<i32>} : memref<400x64xf32, #tpu.memory_space<vmem>>, vector<16xf32>,
          %parallel_loop3A_184 = arith.mulf %parallel_loop3A_183, %parallel_loop3A_159 : vector<16xf32>
          %parallel_loop3A_185 = arith.index_cast %parallel_loop3A_150 : i32 to index
          %parallel_loop3A_186 = arith.constant 48 : index
          %parallel_loop3A_187 = tpu.vector_load %arg22[%parallel_loop3A_185, %parallel_loop3A_186] {strides = array<i32>} : memref<400x64xf32, #tpu.memory_space<vmem>>, vector<16xf32>,
          tpu.vector_store %arg22[%parallel_loop3A_185, %parallel_loop3A_186], %parallel_loop3A_184 {strides = array<i32>} : memref<400x64xf32, #tpu.memory_space<vmem>>, vector<16xf32>,
        } {sc.loop_unroll_factor = 4 : i64, sc.parallel_access}
        %dma_start3A = arith.constant 0 : i32
        %dma_start3A_97 = arith.constant 0 : i32
        %dma_start3A_98 = tpu.memref_slice %arg20[%dma_start3A, %dma_start3A_97] : memref<2x400xi32, #tpu.memory_space<vmem>> -> memref<1x400xi32, #tpu.memory_space<vmem>>
        %dma_start3A_99 = tpu.memref_squeeze %dma_start3A_98 : memref<1x400xi32, #tpu.memory_space<vmem>> -> memref<400xi32, #tpu.memory_space<vmem>>
        %dma_start3A_100 = arith.constant 0 : i32
        %dma_start3A_101 = arith.constant 0 : i32
        %dma_start3A_102 = tpu.memref_slice %arg10[%dma_start3A_100, %dma_start3A_101] : memref<10240x64xf32, #tpu.memory_space<vmem_shared>> -> memref<10240x64xf32, #tpu.memory_space<vmem_shared>>
        tpu.enqueue_indirect_dma source(%arg22 : memref<400x64xf32, #tpu.memory_space<vmem>>) target(%dma_start3A_102 : memref<10240x64xf32, #tpu.memory_space<vmem_shared>>) offsets(%dma_start3A_99 : memref<400xi32, #tpu.memory_space<vmem>>) semaphore(%arg25 : memref<!tpu.dma_semaphore, #tpu.memory_space<semaphore_mem>>) {add = true}
        %add3A_103 = arith.constant 1 : i32
        %add3A_104 = arith.addi %add3A_91, %add3A_103 : i32
        %mul3A_105 = arith.constant 320000 : i32
        %mul3A_106 = arith.muli %mul3A_105, %select_n3A : i32
        %add3A_107 = arith.addi %mul3A_106, %mul3A_0 : i32
        %mul3A_108 = arith.constant 400 : i32
        %mul3A_109 = arith.muli %add3A_104, %mul3A_108 : i32
        %add3A_110 = arith.addi %add3A_107, %mul3A_109 : i32
        "tpu.region"() ({
          %run_scoped3A_150 = tpu.sem_alloc : memref<!tpu.dma_semaphore, #tpu.memory_space<semaphore_mem>>
          %dma_start3A_151 = tpu.memref_slice %arg5[%add3A_110] : memref<640000xi32, #tpu.memory_space<hbm>> -> memref<400xi32, #tpu.memory_space<hbm>>
          %dma_start3A_152 = tpu.memref_slice %arg5[%add3A_110] : memref<640000xi32, #tpu.memory_space<hbm>> -> memref<400xi32, #tpu.memory_space<hbm>>
          tpu.enqueue_dma source(%dma_start3A_152 : memref<400xi32, #tpu.memory_space<hbm>>) target(%arg15 : memref<400xi32, #tpu.memory_space<vmem>>) target_semaphore(%run_scoped3A_150 : memref<!tpu.dma_semaphore, #tpu.memory_space<semaphore_mem>>)
          %dma_wait3A_153 = tpu.memref_slice %arg5[%add3A_110] : memref<640000xi32, #tpu.memory_space<hbm>> -> memref<400xi32, #tpu.memory_space<hbm>>
          %dma_wait3A_154 = tpu.memref_slice %arg5[%add3A_110] : memref<640000xi32, #tpu.memory_space<hbm>> -> memref<400xi32, #tpu.memory_space<hbm>>
          tpu.wait_dma2 semaphore(%run_scoped3A_150 : memref<!tpu.dma_semaphore, #tpu.memory_space<semaphore_mem>>) src(%dma_wait3A_154 : memref<400xi32, #tpu.memory_space<hbm>>) dst(%arg15 : memref<400xi32, #tpu.memory_space<vmem>>)
          tpu.yield
        }) : () -> ()
        %add3A_111 = arith.constant 160000 : i32
        %add3A_112 = arith.addi %add3A_110, %add3A_111 : i32
        "tpu.region"() ({
          %run_scoped3A_150 = tpu.sem_alloc : memref<!tpu.dma_semaphore, #tpu.memory_space<semaphore_mem>>
          %dma_start3A_151 = tpu.memref_slice %arg5[%add3A_112] : memref<640000xi32, #tpu.memory_space<hbm>> -> memref<400xi32, #tpu.memory_space<hbm>>
          %dma_start3A_152 = tpu.memref_slice %arg5[%add3A_112] : memref<640000xi32, #tpu.memory_space<hbm>> -> memref<400xi32, #tpu.memory_space<hbm>>
          tpu.enqueue_dma source(%dma_start3A_152 : memref<400xi32, #tpu.memory_space<hbm>>) target(%arg16 : memref<400xi32, #tpu.memory_space<vmem>>) target_semaphore(%run_scoped3A_150 : memref<!tpu.dma_semaphore, #tpu.memory_space<semaphore_mem>>)
          %dma_wait3A_153 = tpu.memref_slice %arg5[%add3A_112] : memref<640000xi32, #tpu.memory_space<hbm>> -> memref<400xi32, #tpu.memory_space<hbm>>
          %dma_wait3A_154 = tpu.memref_slice %arg5[%add3A_112] : memref<640000xi32, #tpu.memory_space<hbm>> -> memref<400xi32, #tpu.memory_space<hbm>>
          tpu.wait_dma2 semaphore(%run_scoped3A_150 : memref<!tpu.dma_semaphore, #tpu.memory_space<semaphore_mem>>) src(%dma_wait3A_154 : memref<400xi32, #tpu.memory_space<hbm>>) dst(%arg16 : memref<400xi32, #tpu.memory_space<vmem>>)
          tpu.yield
        }) : () -> ()
        %parallel_loop3A_113 = arith.constant 0 : i32
        %parallel_loop3A_114 = arith.constant 400 : i32
        %parallel_loop3A_115 = arith.constant 16 : i32
        scf.for %parallel_loop3A_150 = %parallel_loop3A_113 to %parallel_loop3A_114 step %parallel_loop3A_115  : i32 {
          %parallel_loop3A_151 = arith.index_cast %parallel_loop3A_150 : i32 to index
          %parallel_loop3A_152 = tpu.vector_load %arg15[%parallel_loop3A_151] {strides = array<i32>} : memref<400xi32, #tpu.memory_space<vmem>>, vector<16xi32>,
          %parallel_loop3A_153 = arith.index_cast %parallel_loop3A_150 : i32 to index
          %parallel_loop3A_154 = tpu.vector_load %arg16[%parallel_loop3A_153] {strides = array<i32>} : memref<400xi32, #tpu.memory_space<vmem>>, vector<16xi32>,
          %parallel_loop3A_155 = tpu.vector_load_idx %arg12[%parallel_loop3A_152] : memref<10000xf32, #tpu.memory_space<vmem>>[vector<16xi32>], vector<16xf32>,
          %parallel_loop3A_156 = tpu.vector_load_idx %arg13[%parallel_loop3A_154] : memref<10000xf32, #tpu.memory_space<vmem>>[vector<16xi32>], vector<16xf32>,
          %parallel_loop3A_157 = arith.addf %parallel_loop3A_155, %parallel_loop3A_156 : vector<16xf32>
          %parallel_loop3A_158 = arith.constant 0.00999999977 : f32
          %parallel_loop3A_159 = vector.broadcast %parallel_loop3A_158 : f32 to vector<16xf32>
          %parallel_loop3A_160 = arith.mulf %parallel_loop3A_159, %parallel_loop3A_157 : vector<16xf32>
          %parallel_loop3A_161 = arith.maximumf %parallel_loop3A_157, %parallel_loop3A_160 : vector<16xf32>
          %parallel_loop3A_162 = arith.subf %parallel_loop3A_161, %gather3A : vector<16xf32>
          %parallel_loop3A_163 = math.exp %parallel_loop3A_162 : vector<16xf32>
          %parallel_loop3A_164 = tpu.vector_load_idx %arg14[%parallel_loop3A_154] : memref<10240xf32, #tpu.memory_space<vmem>>[vector<16xi32>], vector<16xf32>,
          %parallel_loop3A_165 = arith.divf %parallel_loop3A_163, %parallel_loop3A_164 : vector<16xf32>
          %parallel_loop3A_166 = arith.constant 1 : i32
          %parallel_loop3A_167 = arith.index_cast %parallel_loop3A_166 : i32 to index
          %parallel_loop3A_168 = arith.index_cast %parallel_loop3A_150 : i32 to index
          %parallel_loop3A_169 = tpu.vector_load %arg18[%parallel_loop3A_167, %parallel_loop3A_168] {strides = array<i32>} : memref<2x400xf32, #tpu.memory_space<vmem>>, vector<16xf32>,
          tpu.vector_store %arg18[%parallel_loop3A_167, %parallel_loop3A_168], %parallel_loop3A_165 {strides = array<i32>} : memref<2x400xf32, #tpu.memory_space<vmem>>, vector<16xf32>,
          %parallel_loop3A_170 = vector.broadcast %mul3A_44 : i32 to vector<16xi32>
          %parallel_loop3A_171 = arith.addi %parallel_loop3A_152, %parallel_loop3A_170 : vector<16xi32>
          %parallel_loop3A_172 = arith.index_cast %parallel_loop3A_150 : i32 to index
          %parallel_loop3A_173 = tpu.vector_load %arg19[%parallel_loop3A_172] {strides = array<i32>} : memref<400xi32, #tpu.memory_space<vmem>>, vector<16xi32>,
          tpu.vector_store %arg19[%parallel_loop3A_172], %parallel_loop3A_171 {strides = array<i32>} : memref<400xi32, #tpu.memory_space<vmem>>, vector<16xi32>,
          %parallel_loop3A_174 = arith.constant 1 : i32
          %parallel_loop3A_175 = arith.index_cast %parallel_loop3A_174 : i32 to index
          %parallel_loop3A_176 = arith.index_cast %parallel_loop3A_150 : i32 to index
          %parallel_loop3A_177 = tpu.vector_load %arg20[%parallel_loop3A_175, %parallel_loop3A_176] {strides = array<i32>} : memref<2x400xi32, #tpu.memory_space<vmem>>, vector<16xi32>,
          tpu.vector_store %arg20[%parallel_loop3A_175, %parallel_loop3A_176], %parallel_loop3A_154 {strides = array<i32>} : memref<2x400xi32, #tpu.memory_space<vmem>>, vector<16xi32>,
        } {sc.loop_unroll_factor = 4 : i64, sc.parallel_access}
        "tpu.region"() ({
          %run_scoped3A_150 = tpu.sem_alloc : memref<!tpu.dma_semaphore, #tpu.memory_space<semaphore_mem>>
          %dma_start3A_151 = arith.constant 0 : i32
          %dma_start3A_152 = arith.constant 0 : i32
          %dma_start3A_153 = tpu.memref_slice %arg2[%dma_start3A_151, %dma_start3A_152] : memref<80000x64xf32, #tpu.memory_space<hbm>> -> memref<80000x64xf32, #tpu.memory_space<hbm>>
          tpu.enqueue_indirect_dma source(%dma_start3A_153 : memref<80000x64xf32, #tpu.memory_space<hbm>>) target(%arg21 : memref<400x64xf32, #tpu.memory_space<vmem>>) offsets(%arg19 : memref<400xi32, #tpu.memory_space<vmem>>) semaphore(%run_scoped3A_150 : memref<!tpu.dma_semaphore, #tpu.memory_space<semaphore_mem>>)
          %dma_wait3A_154 = arith.constant 0 : i32
          %dma_wait3A_155 = arith.constant 0 : i32
          %dma_wait3A_156 = tpu.memref_slice %arg2[%dma_wait3A_154, %dma_wait3A_155] : memref<80000x64xf32, #tpu.memory_space<hbm>> -> memref<80000x64xf32, #tpu.memory_space<hbm>>
          tpu.wait_indirect_dma semaphore(%run_scoped3A_150 : memref<!tpu.dma_semaphore, #tpu.memory_space<semaphore_mem>>) src(%dma_wait3A_156 : memref<80000x64xf32, #tpu.memory_space<hbm>>) dst(%arg21 : memref<400x64xf32, #tpu.memory_space<vmem>>)
          tpu.yield
        }) : () -> ()
        %mul3A_116 = arith.constant 2 : i32
        %mul3A_117 = arith.muli %mul3A_116, %scan3A_87 : i32
        %add3A_118 = arith.constant 1 : i32
        %add3A_119 = arith.addi %mul3A_117, %add3A_118 : i32
        %dma_wait3A_120 = arith.constant 0 : i32
        %dma_wait3A_121 = arith.constant 0 : i32
        %dma_wait3A_122 = tpu.memref_slice %arg20[%dma_wait3A_120, %dma_wait3A_121] : memref<2x400xi32, #tpu.memory_space<vmem>> -> memref<1x400xi32, #tpu.memory_space<vmem>>
        %dma_wait3A_123 = tpu.memref_squeeze %dma_wait3A_122 : memref<1x400xi32, #tpu.memory_space<vmem>> -> memref<400xi32, #tpu.memory_space<vmem>>
        %dma_wait3A_124 = arith.constant 0 : i32
        %dma_wait3A_125 = arith.constant 0 : i32
        %dma_wait3A_126 = tpu.memref_slice %arg10[%dma_wait3A_124, %dma_wait3A_125] : memref<10240x64xf32, #tpu.memory_space<vmem_shared>> -> memref<10240x64xf32, #tpu.memory_space<vmem_shared>>
        tpu.wait_indirect_dma semaphore(%arg25 : memref<!tpu.dma_semaphore, #tpu.memory_space<semaphore_mem>>) src(%arg22 : memref<400x64xf32, #tpu.memory_space<vmem>>) dst(%dma_wait3A_126 : memref<10240x64xf32, #tpu.memory_space<vmem_shared>>)
        %parallel_loop3A_127 = arith.constant 0 : i32
        %parallel_loop3A_128 = arith.constant 400 : i32
        %parallel_loop3A_129 = arith.constant 1 : i32
        scf.for %parallel_loop3A_150 = %parallel_loop3A_127 to %parallel_loop3A_128 step %parallel_loop3A_129  : i32 {
          %parallel_loop3A_151 = arith.constant 0 : i32
          %parallel_loop3A_152 = vector.broadcast %parallel_loop3A_151 : i32 to vector<16xi32>
          %parallel_loop3A_153 = vector.broadcast %parallel_loop3A_150 : i32 to vector<16xi32>
          %parallel_loop3A_154 = arith.addi %parallel_loop3A_152, %parallel_loop3A_153 : vector<16xi32>
          %parallel_loop3A_155 = arith.constant 1 : i32
          %parallel_loop3A_156 = arith.constant 0 : i32
          %parallel_loop3A_157 = tpu.memref_slice %arg18[%parallel_loop3A_155, %parallel_loop3A_156] : memref<2x400xf32, #tpu.memory_space<vmem>> -> memref<1x400xf32, #tpu.memory_space<vmem>>
          %parallel_loop3A_158 = tpu.memref_squeeze %parallel_loop3A_157 : memref<1x400xf32, #tpu.memory_space<vmem>> -> memref<400xf32, #tpu.memory_space<vmem>>
          %parallel_loop3A_159 = tpu.vector_load_idx %parallel_loop3A_158[%parallel_loop3A_154] : memref<400xf32, #tpu.memory_space<vmem>>[vector<16xi32>], vector<16xf32>,
          %parallel_loop3A_160 = arith.index_cast %parallel_loop3A_150 : i32 to index
          %parallel_loop3A_161 = arith.constant 0 : index
          %parallel_loop3A_162 = tpu.vector_load %arg21[%parallel_loop3A_160, %parallel_loop3A_161] {strides = array<i32>} : memref<400x64xf32, #tpu.memory_space<vmem>>, vector<16xf32>,
          %parallel_loop3A_163 = arith.mulf %parallel_loop3A_162, %parallel_loop3A_159 : vector<16xf32>
          %parallel_loop3A_164 = arith.index_cast %parallel_loop3A_150 : i32 to index
          %parallel_loop3A_165 = arith.constant 0 : index
          %parallel_loop3A_166 = tpu.vector_load %arg22[%parallel_loop3A_164, %parallel_loop3A_165] {strides = array<i32>} : memref<400x64xf32, #tpu.memory_space<vmem>>, vector<16xf32>,
          tpu.vector_store %arg22[%parallel_loop3A_164, %parallel_loop3A_165], %parallel_loop3A_163 {strides = array<i32>} : memref<400x64xf32, #tpu.memory_space<vmem>>, vector<16xf32>,
          %parallel_loop3A_167 = arith.index_cast %parallel_loop3A_150 : i32 to index
          %parallel_loop3A_168 = arith.constant 16 : index
          %parallel_loop3A_169 = tpu.vector_load %arg21[%parallel_loop3A_167, %parallel_loop3A_168] {strides = array<i32>} : memref<400x64xf32, #tpu.memory_space<vmem>>, vector<16xf32>,
          %parallel_loop3A_170 = arith.mulf %parallel_loop3A_169, %parallel_loop3A_159 : vector<16xf32>
          %parallel_loop3A_171 = arith.index_cast %parallel_loop3A_150 : i32 to index
          %parallel_loop3A_172 = arith.constant 16 : index
          %parallel_loop3A_173 = tpu.vector_load %arg22[%parallel_loop3A_171, %parallel_loop3A_172] {strides = array<i32>} : memref<400x64xf32, #tpu.memory_space<vmem>>, vector<16xf32>,
          tpu.vector_store %arg22[%parallel_loop3A_171, %parallel_loop3A_172], %parallel_loop3A_170 {strides = array<i32>} : memref<400x64xf32, #tpu.memory_space<vmem>>, vector<16xf32>,
          %parallel_loop3A_174 = arith.index_cast %parallel_loop3A_150 : i32 to index
          %parallel_loop3A_175 = arith.constant 32 : index
          %parallel_loop3A_176 = tpu.vector_load %arg21[%parallel_loop3A_174, %parallel_loop3A_175] {strides = array<i32>} : memref<400x64xf32, #tpu.memory_space<vmem>>, vector<16xf32>,
          %parallel_loop3A_177 = arith.mulf %parallel_loop3A_176, %parallel_loop3A_159 : vector<16xf32>
          %parallel_loop3A_178 = arith.index_cast %parallel_loop3A_150 : i32 to index
          %parallel_loop3A_179 = arith.constant 32 : index
          %parallel_loop3A_180 = tpu.vector_load %arg22[%parallel_loop3A_178, %parallel_loop3A_179] {strides = array<i32>} : memref<400x64xf32, #tpu.memory_space<vmem>>, vector<16xf32>,
          tpu.vector_store %arg22[%parallel_loop3A_178, %parallel_loop3A_179], %parallel_loop3A_177 {strides = array<i32>} : memref<400x64xf32, #tpu.memory_space<vmem>>, vector<16xf32>,
          %parallel_loop3A_181 = arith.index_cast %parallel_loop3A_150 : i32 to index
          %parallel_loop3A_182 = arith.constant 48 : index
          %parallel_loop3A_183 = tpu.vector_load %arg21[%parallel_loop3A_181, %parallel_loop3A_182] {strides = array<i32>} : memref<400x64xf32, #tpu.memory_space<vmem>>, vector<16xf32>,
          %parallel_loop3A_184 = arith.mulf %parallel_loop3A_183, %parallel_loop3A_159 : vector<16xf32>
          %parallel_loop3A_185 = arith.index_cast %parallel_loop3A_150 : i32 to index
          %parallel_loop3A_186 = arith.constant 48 : index
          %parallel_loop3A_187 = tpu.vector_load %arg22[%parallel_loop3A_185, %parallel_loop3A_186] {strides = array<i32>} : memref<400x64xf32, #tpu.memory_space<vmem>>, vector<16xf32>,
          tpu.vector_store %arg22[%parallel_loop3A_185, %parallel_loop3A_186], %parallel_loop3A_184 {strides = array<i32>} : memref<400x64xf32, #tpu.memory_space<vmem>>, vector<16xf32>,
        } {sc.loop_unroll_factor = 4 : i64, sc.parallel_access}
        %dma_start3A_130 = arith.constant 1 : i32
        %dma_start3A_131 = arith.constant 0 : i32
        %dma_start3A_132 = tpu.memref_slice %arg20[%dma_start3A_130, %dma_start3A_131] : memref<2x400xi32, #tpu.memory_space<vmem>> -> memref<1x400xi32, #tpu.memory_space<vmem>>
        %dma_start3A_133 = tpu.memref_squeeze %dma_start3A_132 : memref<1x400xi32, #tpu.memory_space<vmem>> -> memref<400xi32, #tpu.memory_space<vmem>>
        %dma_start3A_134 = arith.constant 0 : i32
        %dma_start3A_135 = arith.constant 0 : i32
        %dma_start3A_136 = tpu.memref_slice %arg10[%dma_start3A_134, %dma_start3A_135] : memref<10240x64xf32, #tpu.memory_space<vmem_shared>> -> memref<10240x64xf32, #tpu.memory_space<vmem_shared>>
        tpu.enqueue_indirect_dma source(%arg22 : memref<400x64xf32, #tpu.memory_space<vmem>>) target(%dma_start3A_136 : memref<10240x64xf32, #tpu.memory_space<vmem_shared>>) offsets(%dma_start3A_133 : memref<400xi32, #tpu.memory_space<vmem>>) semaphore(%arg25 : memref<!tpu.dma_semaphore, #tpu.memory_space<semaphore_mem>>) {add = true}
        %add3A_137 = arith.constant 1 : i32
        %add3A_138 = arith.addi %add3A_119, %add3A_137 : i32
        %mul3A_139 = arith.constant 320000 : i32
        %mul3A_140 = arith.muli %mul3A_139, %select_n3A : i32
        %add3A_141 = arith.addi %mul3A_140, %mul3A_0 : i32
        %mul3A_142 = arith.constant 400 : i32
        %mul3A_143 = arith.muli %add3A_138, %mul3A_142 : i32
        %add3A_144 = arith.addi %add3A_141, %mul3A_143 : i32
        "tpu.region"() ({
          %run_scoped3A_150 = tpu.sem_alloc : memref<!tpu.dma_semaphore, #tpu.memory_space<semaphore_mem>>
          %dma_start3A_151 = tpu.memref_slice %arg5[%add3A_144] : memref<640000xi32, #tpu.memory_space<hbm>> -> memref<400xi32, #tpu.memory_space<hbm>>
          %dma_start3A_152 = tpu.memref_slice %arg5[%add3A_144] : memref<640000xi32, #tpu.memory_space<hbm>> -> memref<400xi32, #tpu.memory_space<hbm>>
          tpu.enqueue_dma source(%dma_start3A_152 : memref<400xi32, #tpu.memory_space<hbm>>) target(%arg15 : memref<400xi32, #tpu.memory_space<vmem>>) target_semaphore(%run_scoped3A_150 : memref<!tpu.dma_semaphore, #tpu.memory_space<semaphore_mem>>)
          %dma_wait3A_153 = tpu.memref_slice %arg5[%add3A_144] : memref<640000xi32, #tpu.memory_space<hbm>> -> memref<400xi32, #tpu.memory_space<hbm>>
          %dma_wait3A_154 = tpu.memref_slice %arg5[%add3A_144] : memref<640000xi32, #tpu.memory_space<hbm>> -> memref<400xi32, #tpu.memory_space<hbm>>
          tpu.wait_dma2 semaphore(%run_scoped3A_150 : memref<!tpu.dma_semaphore, #tpu.memory_space<semaphore_mem>>) src(%dma_wait3A_154 : memref<400xi32, #tpu.memory_space<hbm>>) dst(%arg15 : memref<400xi32, #tpu.memory_space<vmem>>)
          tpu.yield
        }) : () -> ()
        %add3A_145 = arith.constant 160000 : i32
        %add3A_146 = arith.addi %add3A_144, %add3A_145 : i32
        "tpu.region"() ({
          %run_scoped3A_150 = tpu.sem_alloc : memref<!tpu.dma_semaphore, #tpu.memory_space<semaphore_mem>>
          %dma_start3A_151 = tpu.memref_slice %arg5[%add3A_146] : memref<640000xi32, #tpu.memory_space<hbm>> -> memref<400xi32, #tpu.memory_space<hbm>>
          %dma_start3A_152 = tpu.memref_slice %arg5[%add3A_146] : memref<640000xi32, #tpu.memory_space<hbm>> -> memref<400xi32, #tpu.memory_space<hbm>>
          tpu.enqueue_dma source(%dma_start3A_152 : memref<400xi32, #tpu.memory_space<hbm>>) target(%arg16 : memref<400xi32, #tpu.memory_space<vmem>>) target_semaphore(%run_scoped3A_150 : memref<!tpu.dma_semaphore, #tpu.memory_space<semaphore_mem>>)
          %dma_wait3A_153 = tpu.memref_slice %arg5[%add3A_146] : memref<640000xi32, #tpu.memory_space<hbm>> -> memref<400xi32, #tpu.memory_space<hbm>>
          %dma_wait3A_154 = tpu.memref_slice %arg5[%add3A_146] : memref<640000xi32, #tpu.memory_space<hbm>> -> memref<400xi32, #tpu.memory_space<hbm>>
          tpu.wait_dma2 semaphore(%run_scoped3A_150 : memref<!tpu.dma_semaphore, #tpu.memory_space<semaphore_mem>>) src(%dma_wait3A_154 : memref<400xi32, #tpu.memory_space<hbm>>) dst(%arg16 : memref<400xi32, #tpu.memory_space<vmem>>)
          tpu.yield
        }) : () -> ()
        %parallel_loop3A_147 = arith.constant 0 : i32
        %parallel_loop3A_148 = arith.constant 400 : i32
        %parallel_loop3A_149 = arith.constant 16 : i32
        scf.for %parallel_loop3A_150 = %parallel_loop3A_147 to %parallel_loop3A_148 step %parallel_loop3A_149  : i32 {
          %parallel_loop3A_151 = arith.index_cast %parallel_loop3A_150 : i32 to index
          %parallel_loop3A_152 = tpu.vector_load %arg15[%parallel_loop3A_151] {strides = array<i32>} : memref<400xi32, #tpu.memory_space<vmem>>, vector<16xi32>,
          %parallel_loop3A_153 = arith.index_cast %parallel_loop3A_150 : i32 to index
          %parallel_loop3A_154 = tpu.vector_load %arg16[%parallel_loop3A_153] {strides = array<i32>} : memref<400xi32, #tpu.memory_space<vmem>>, vector<16xi32>,
          %parallel_loop3A_155 = tpu.vector_load_idx %arg12[%parallel_loop3A_152] : memref<10000xf32, #tpu.memory_space<vmem>>[vector<16xi32>], vector<16xf32>,
          %parallel_loop3A_156 = tpu.vector_load_idx %arg13[%parallel_loop3A_154] : memref<10000xf32, #tpu.memory_space<vmem>>[vector<16xi32>], vector<16xf32>,
          %parallel_loop3A_157 = arith.addf %parallel_loop3A_155, %parallel_loop3A_156 : vector<16xf32>
          %parallel_loop3A_158 = arith.constant 0.00999999977 : f32
          %parallel_loop3A_159 = vector.broadcast %parallel_loop3A_158 : f32 to vector<16xf32>
          %parallel_loop3A_160 = arith.mulf %parallel_loop3A_159, %parallel_loop3A_157 : vector<16xf32>
          %parallel_loop3A_161 = arith.maximumf %parallel_loop3A_157, %parallel_loop3A_160 : vector<16xf32>
          %parallel_loop3A_162 = arith.subf %parallel_loop3A_161, %gather3A : vector<16xf32>
          %parallel_loop3A_163 = math.exp %parallel_loop3A_162 : vector<16xf32>
          %parallel_loop3A_164 = tpu.vector_load_idx %arg14[%parallel_loop3A_154] : memref<10240xf32, #tpu.memory_space<vmem>>[vector<16xi32>], vector<16xf32>,
          %parallel_loop3A_165 = arith.divf %parallel_loop3A_163, %parallel_loop3A_164 : vector<16xf32>
          %parallel_loop3A_166 = arith.constant 0 : i32
          %parallel_loop3A_167 = arith.index_cast %parallel_loop3A_166 : i32 to index
          %parallel_loop3A_168 = arith.index_cast %parallel_loop3A_150 : i32 to index
          %parallel_loop3A_169 = tpu.vector_load %arg18[%parallel_loop3A_167, %parallel_loop3A_168] {strides = array<i32>} : memref<2x400xf32, #tpu.memory_space<vmem>>, vector<16xf32>,
          tpu.vector_store %arg18[%parallel_loop3A_167, %parallel_loop3A_168], %parallel_loop3A_165 {strides = array<i32>} : memref<2x400xf32, #tpu.memory_space<vmem>>, vector<16xf32>,
          %parallel_loop3A_170 = vector.broadcast %mul3A_44 : i32 to vector<16xi32>
          %parallel_loop3A_171 = arith.addi %parallel_loop3A_152, %parallel_loop3A_170 : vector<16xi32>
          %parallel_loop3A_172 = arith.index_cast %parallel_loop3A_150 : i32 to index
          %parallel_loop3A_173 = tpu.vector_load %arg19[%parallel_loop3A_172] {strides = array<i32>} : memref<400xi32, #tpu.memory_space<vmem>>, vector<16xi32>,
          tpu.vector_store %arg19[%parallel_loop3A_172], %parallel_loop3A_171 {strides = array<i32>} : memref<400xi32, #tpu.memory_space<vmem>>, vector<16xi32>,
          %parallel_loop3A_174 = arith.constant 0 : i32
          %parallel_loop3A_175 = arith.index_cast %parallel_loop3A_174 : i32 to index
          %parallel_loop3A_176 = arith.index_cast %parallel_loop3A_150 : i32 to index
          %parallel_loop3A_177 = tpu.vector_load %arg20[%parallel_loop3A_175, %parallel_loop3A_176] {strides = array<i32>} : memref<2x400xi32, #tpu.memory_space<vmem>>, vector<16xi32>,
          tpu.vector_store %arg20[%parallel_loop3A_175, %parallel_loop3A_176], %parallel_loop3A_154 {strides = array<i32>} : memref<2x400xi32, #tpu.memory_space<vmem>>, vector<16xi32>,
        } {sc.loop_unroll_factor = 4 : i64, sc.parallel_access}
        "tpu.region"() ({
          %run_scoped3A_150 = tpu.sem_alloc : memref<!tpu.dma_semaphore, #tpu.memory_space<semaphore_mem>>
          %dma_start3A_151 = arith.constant 0 : i32
          %dma_start3A_152 = arith.constant 0 : i32
          %dma_start3A_153 = tpu.memref_slice %arg2[%dma_start3A_151, %dma_start3A_152] : memref<80000x64xf32, #tpu.memory_space<hbm>> -> memref<80000x64xf32, #tpu.memory_space<hbm>>
          tpu.enqueue_indirect_dma source(%dma_start3A_153 : memref<80000x64xf32, #tpu.memory_space<hbm>>) target(%arg21 : memref<400x64xf32, #tpu.memory_space<vmem>>) offsets(%arg19 : memref<400xi32, #tpu.memory_space<vmem>>) semaphore(%run_scoped3A_150 : memref<!tpu.dma_semaphore, #tpu.memory_space<semaphore_mem>>)
          %dma_wait3A_154 = arith.constant 0 : i32
          %dma_wait3A_155 = arith.constant 0 : i32
          %dma_wait3A_156 = tpu.memref_slice %arg2[%dma_wait3A_154, %dma_wait3A_155] : memref<80000x64xf32, #tpu.memory_space<hbm>> -> memref<80000x64xf32, #tpu.memory_space<hbm>>
          tpu.wait_indirect_dma semaphore(%run_scoped3A_150 : memref<!tpu.dma_semaphore, #tpu.memory_space<semaphore_mem>>) src(%dma_wait3A_156 : memref<80000x64xf32, #tpu.memory_space<hbm>>) dst(%arg21 : memref<400x64xf32, #tpu.memory_space<vmem>>)
          tpu.yield
        }) : () -> ()
      }
      %scan3A_72 = arith.constant 12 : i32
      %dma_wait3A = arith.constant 1 : i32
      %dma_wait3A_73 = arith.constant 0 : i32
      %dma_wait3A_74 = tpu.memref_slice %arg20[%dma_wait3A, %dma_wait3A_73] : memref<2x400xi32, #tpu.memory_space<vmem>> -> memref<1x400xi32, #tpu.memory_space<vmem>>
      %dma_wait3A_75 = tpu.memref_squeeze %dma_wait3A_74 : memref<1x400xi32, #tpu.memory_space<vmem>> -> memref<400xi32, #tpu.memory_space<vmem>>
      %dma_wait3A_76 = arith.constant 0 : i32
      %dma_wait3A_77 = arith.constant 0 : i32
      %dma_wait3A_78 = tpu.memref_slice %arg10[%dma_wait3A_76, %dma_wait3A_77] : memref<10240x64xf32, #tpu.memory_space<vmem_shared>> -> memref<10240x64xf32, #tpu.memory_space<vmem_shared>>
      tpu.wait_indirect_dma semaphore(%arg25 : memref<!tpu.dma_semaphore, #tpu.memory_space<semaphore_mem>>) src(%arg22 : memref<400x64xf32, #tpu.memory_space<vmem>>) dst(%dma_wait3A_78 : memref<10240x64xf32, #tpu.memory_space<vmem_shared>>)
      %parallel_loop3A_79 = arith.constant 0 : i32
      %parallel_loop3A_80 = arith.constant 400 : i32
      %parallel_loop3A_81 = arith.constant 1 : i32
      scf.for %parallel_loop3A_87 = %parallel_loop3A_79 to %parallel_loop3A_80 step %parallel_loop3A_81  : i32 {
        %parallel_loop3A_88 = arith.constant 0 : i32
        %parallel_loop3A_89 = vector.broadcast %parallel_loop3A_88 : i32 to vector<16xi32>
        %parallel_loop3A_90 = vector.broadcast %parallel_loop3A_87 : i32 to vector<16xi32>
        %parallel_loop3A_91 = arith.addi %parallel_loop3A_89, %parallel_loop3A_90 : vector<16xi32>
        %parallel_loop3A_92 = arith.constant 0 : i32
        %parallel_loop3A_93 = arith.constant 0 : i32
        %parallel_loop3A_94 = tpu.memref_slice %arg18[%parallel_loop3A_92, %parallel_loop3A_93] : memref<2x400xf32, #tpu.memory_space<vmem>> -> memref<1x400xf32, #tpu.memory_space<vmem>>
        %parallel_loop3A_95 = tpu.memref_squeeze %parallel_loop3A_94 : memref<1x400xf32, #tpu.memory_space<vmem>> -> memref<400xf32, #tpu.memory_space<vmem>>
        %parallel_loop3A_96 = tpu.vector_load_idx %parallel_loop3A_95[%parallel_loop3A_91] : memref<400xf32, #tpu.memory_space<vmem>>[vector<16xi32>], vector<16xf32>,
        %parallel_loop3A_97 = arith.index_cast %parallel_loop3A_87 : i32 to index
        %parallel_loop3A_98 = arith.constant 0 : index
        %parallel_loop3A_99 = tpu.vector_load %arg21[%parallel_loop3A_97, %parallel_loop3A_98] {strides = array<i32>} : memref<400x64xf32, #tpu.memory_space<vmem>>, vector<16xf32>,
        %parallel_loop3A_100 = arith.mulf %parallel_loop3A_99, %parallel_loop3A_96 : vector<16xf32>
        %parallel_loop3A_101 = arith.index_cast %parallel_loop3A_87 : i32 to index
        %parallel_loop3A_102 = arith.constant 0 : index
        %parallel_loop3A_103 = tpu.vector_load %arg22[%parallel_loop3A_101, %parallel_loop3A_102] {strides = array<i32>} : memref<400x64xf32, #tpu.memory_space<vmem>>, vector<16xf32>,
        tpu.vector_store %arg22[%parallel_loop3A_101, %parallel_loop3A_102], %parallel_loop3A_100 {strides = array<i32>} : memref<400x64xf32, #tpu.memory_space<vmem>>, vector<16xf32>,
        %parallel_loop3A_104 = arith.index_cast %parallel_loop3A_87 : i32 to index
        %parallel_loop3A_105 = arith.constant 16 : index
        %parallel_loop3A_106 = tpu.vector_load %arg21[%parallel_loop3A_104, %parallel_loop3A_105] {strides = array<i32>} : memref<400x64xf32, #tpu.memory_space<vmem>>, vector<16xf32>,
        %parallel_loop3A_107 = arith.mulf %parallel_loop3A_106, %parallel_loop3A_96 : vector<16xf32>
        %parallel_loop3A_108 = arith.index_cast %parallel_loop3A_87 : i32 to index
        %parallel_loop3A_109 = arith.constant 16 : index
        %parallel_loop3A_110 = tpu.vector_load %arg22[%parallel_loop3A_108, %parallel_loop3A_109] {strides = array<i32>} : memref<400x64xf32, #tpu.memory_space<vmem>>, vector<16xf32>,
        tpu.vector_store %arg22[%parallel_loop3A_108, %parallel_loop3A_109], %parallel_loop3A_107 {strides = array<i32>} : memref<400x64xf32, #tpu.memory_space<vmem>>, vector<16xf32>,
        %parallel_loop3A_111 = arith.index_cast %parallel_loop3A_87 : i32 to index
        %parallel_loop3A_112 = arith.constant 32 : index
        %parallel_loop3A_113 = tpu.vector_load %arg21[%parallel_loop3A_111, %parallel_loop3A_112] {strides = array<i32>} : memref<400x64xf32, #tpu.memory_space<vmem>>, vector<16xf32>,
        %parallel_loop3A_114 = arith.mulf %parallel_loop3A_113, %parallel_loop3A_96 : vector<16xf32>
        %parallel_loop3A_115 = arith.index_cast %parallel_loop3A_87 : i32 to index
        %parallel_loop3A_116 = arith.constant 32 : index
        %parallel_loop3A_117 = tpu.vector_load %arg22[%parallel_loop3A_115, %parallel_loop3A_116] {strides = array<i32>} : memref<400x64xf32, #tpu.memory_space<vmem>>, vector<16xf32>,
        tpu.vector_store %arg22[%parallel_loop3A_115, %parallel_loop3A_116], %parallel_loop3A_114 {strides = array<i32>} : memref<400x64xf32, #tpu.memory_space<vmem>>, vector<16xf32>,
        %parallel_loop3A_118 = arith.index_cast %parallel_loop3A_87 : i32 to index
        %parallel_loop3A_119 = arith.constant 48 : index
        %parallel_loop3A_120 = tpu.vector_load %arg21[%parallel_loop3A_118, %parallel_loop3A_119] {strides = array<i32>} : memref<400x64xf32, #tpu.memory_space<vmem>>, vector<16xf32>,
        %parallel_loop3A_121 = arith.mulf %parallel_loop3A_120, %parallel_loop3A_96 : vector<16xf32>
        %parallel_loop3A_122 = arith.index_cast %parallel_loop3A_87 : i32 to index
        %parallel_loop3A_123 = arith.constant 48 : index
        %parallel_loop3A_124 = tpu.vector_load %arg22[%parallel_loop3A_122, %parallel_loop3A_123] {strides = array<i32>} : memref<400x64xf32, #tpu.memory_space<vmem>>, vector<16xf32>,
        tpu.vector_store %arg22[%parallel_loop3A_122, %parallel_loop3A_123], %parallel_loop3A_121 {strides = array<i32>} : memref<400x64xf32, #tpu.memory_space<vmem>>, vector<16xf32>,
      } {sc.loop_unroll_factor = 4 : i64, sc.parallel_access}
      %run_scoped3A = arith.constant 0 : i32
      "tpu.region"() ({
        %run_scoped3A_87 = tpu.sem_alloc : memref<!tpu.dma_semaphore, #tpu.memory_space<semaphore_mem>>
        %dma_start3A = arith.constant 0 : i32
        %dma_start3A_88 = tpu.memref_slice %arg20[%run_scoped3A, %dma_start3A] : memref<2x400xi32, #tpu.memory_space<vmem>> -> memref<1x400xi32, #tpu.memory_space<vmem>>
        %dma_start3A_89 = tpu.memref_squeeze %dma_start3A_88 : memref<1x400xi32, #tpu.memory_space<vmem>> -> memref<400xi32, #tpu.memory_space<vmem>>
        %dma_start3A_90 = arith.constant 0 : i32
        %dma_start3A_91 = arith.constant 0 : i32
        %dma_start3A_92 = tpu.memref_slice %arg10[%dma_start3A_90, %dma_start3A_91] : memref<10240x64xf32, #tpu.memory_space<vmem_shared>> -> memref<10240x64xf32, #tpu.memory_space<vmem_shared>>
        tpu.enqueue_indirect_dma source(%arg22 : memref<400x64xf32, #tpu.memory_space<vmem>>) target(%dma_start3A_92 : memref<10240x64xf32, #tpu.memory_space<vmem_shared>>) offsets(%dma_start3A_89 : memref<400xi32, #tpu.memory_space<vmem>>) semaphore(%run_scoped3A_87 : memref<!tpu.dma_semaphore, #tpu.memory_space<semaphore_mem>>) {add = true}
        %dma_wait3A_93 = arith.constant 0 : i32
        %dma_wait3A_94 = tpu.memref_slice %arg20[%run_scoped3A, %dma_wait3A_93] : memref<2x400xi32, #tpu.memory_space<vmem>> -> memref<1x400xi32, #tpu.memory_space<vmem>>
        %dma_wait3A_95 = tpu.memref_squeeze %dma_wait3A_94 : memref<1x400xi32, #tpu.memory_space<vmem>> -> memref<400xi32, #tpu.memory_space<vmem>>
        %dma_wait3A_96 = arith.constant 0 : i32
        %dma_wait3A_97 = arith.constant 0 : i32
        %dma_wait3A_98 = tpu.memref_slice %arg10[%dma_wait3A_96, %dma_wait3A_97] : memref<10240x64xf32, #tpu.memory_space<vmem_shared>> -> memref<10240x64xf32, #tpu.memory_space<vmem_shared>>
        tpu.wait_indirect_dma semaphore(%run_scoped3A_87 : memref<!tpu.dma_semaphore, #tpu.memory_space<semaphore_mem>>) src(%arg22 : memref<400x64xf32, #tpu.memory_space<vmem>>) dst(%dma_wait3A_98 : memref<10240x64xf32, #tpu.memory_space<vmem_shared>>)
        tpu.yield
      }) : () -> ()
      %barrier3A_82 = arith.constant 0 : index
      tpu.barrier barrier_id(%barrier3A_82)
      "tpu.region"() ({
        %run_scoped3A_87 = tpu.sem_alloc : memref<!tpu.dma_semaphore, #tpu.memory_space<semaphore_mem>>
        %dma_start3A = arith.constant 0 : i32
        %dma_start3A_88 = arith.constant 0 : i32
        %dma_start3A_89 = tpu.memref_slice %arg21[%dma_start3A, %dma_start3A_88] : memref<400x64xf32, #tpu.memory_space<vmem>> -> memref<320x64xf32, #tpu.memory_space<vmem>>
        %dma_start3A_90 = arith.constant 0 : i32
        %dma_start3A_91 = tpu.memref_slice %arg10[%mul3A_2, %dma_start3A_90] : memref<10240x64xf32, #tpu.memory_space<vmem_shared>> -> memref<320x64xf32, #tpu.memory_space<vmem_shared>>
        %dma_start3A_92 = arith.constant 0 : i32
        %dma_start3A_93 = arith.constant 0 : i32
        %dma_start3A_94 = tpu.memref_slice %arg21[%dma_start3A_92, %dma_start3A_93] : memref<400x64xf32, #tpu.memory_space<vmem>> -> memref<320x64xf32, #tpu.memory_space<vmem>>
        %dma_start3A_95 = arith.constant 0 : i32
        %dma_start3A_96 = tpu.memref_slice %arg10[%mul3A_2, %dma_start3A_95] : memref<10240x64xf32, #tpu.memory_space<vmem_shared>> -> memref<320x64xf32, #tpu.memory_space<vmem_shared>>
        tpu.enqueue_dma source(%dma_start3A_96 : memref<320x64xf32, #tpu.memory_space<vmem_shared>>) target(%dma_start3A_94 : memref<320x64xf32, #tpu.memory_space<vmem>>) target_semaphore(%run_scoped3A_87 : memref<!tpu.dma_semaphore, #tpu.memory_space<semaphore_mem>>)
        %dma_wait3A_97 = arith.constant 0 : i32
        %dma_wait3A_98 = arith.constant 0 : i32
        %dma_wait3A_99 = tpu.memref_slice %arg21[%dma_wait3A_97, %dma_wait3A_98] : memref<400x64xf32, #tpu.memory_space<vmem>> -> memref<320x64xf32, #tpu.memory_space<vmem>>
        %dma_wait3A_100 = arith.constant 0 : i32
        %dma_wait3A_101 = tpu.memref_slice %arg10[%mul3A_2, %dma_wait3A_100] : memref<10240x64xf32, #tpu.memory_space<vmem_shared>> -> memref<320x64xf32, #tpu.memory_space<vmem_shared>>
        %dma_wait3A_102 = arith.constant 0 : i32
        %dma_wait3A_103 = arith.constant 0 : i32
        %dma_wait3A_104 = tpu.memref_slice %arg21[%dma_wait3A_102, %dma_wait3A_103] : memref<400x64xf32, #tpu.memory_space<vmem>> -> memref<320x64xf32, #tpu.memory_space<vmem>>
        %dma_wait3A_105 = arith.constant 0 : i32
        %dma_wait3A_106 = tpu.memref_slice %arg10[%mul3A_2, %dma_wait3A_105] : memref<10240x64xf32, #tpu.memory_space<vmem_shared>> -> memref<320x64xf32, #tpu.memory_space<vmem_shared>>
        tpu.wait_dma2 semaphore(%run_scoped3A_87 : memref<!tpu.dma_semaphore, #tpu.memory_space<semaphore_mem>>) src(%dma_wait3A_106 : memref<320x64xf32, #tpu.memory_space<vmem_shared>>) dst(%dma_wait3A_104 : memref<320x64xf32, #tpu.memory_space<vmem>>)
        tpu.yield
      }) : () -> ()
      "tpu.region"() ({
        %run_scoped3A_87 = tpu.sem_alloc : memref<!tpu.dma_semaphore, #tpu.memory_space<semaphore_mem>>
        %dma_start3A = arith.constant 0 : i32
        %dma_start3A_88 = arith.constant 0 : i32
        %dma_start3A_89 = tpu.memref_slice %arg21[%dma_start3A, %dma_start3A_88] : memref<400x64xf32, #tpu.memory_space<vmem>> -> memref<320x64xf32, #tpu.memory_space<vmem>>
        %dma_start3A_90 = arith.constant 0 : i32
        %dma_start3A_91 = tpu.memref_slice %arg9[%select_n3A, %add3A_39, %mul3A_2, %dma_start3A_90] : memref<2x4x10240x64xf32, #tpu.memory_space<hbm>> -> memref<1x1x320x64xf32, #tpu.memory_space<hbm>>
        %dma_start3A_92 = tpu.memref_squeeze %dma_start3A_91 : memref<1x1x320x64xf32, #tpu.memory_space<hbm>> -> memref<320x64xf32, #tpu.memory_space<hbm>>
        %dma_start3A_93 = arith.constant 0 : i32
        %dma_start3A_94 = tpu.memref_slice %arg9[%select_n3A, %add3A_39, %mul3A_2, %dma_start3A_93] : memref<2x4x10240x64xf32, #tpu.memory_space<hbm>> -> memref<1x1x320x64xf32, #tpu.memory_space<hbm>>
        %dma_start3A_95 = tpu.memref_squeeze %dma_start3A_94 : memref<1x1x320x64xf32, #tpu.memory_space<hbm>> -> memref<320x64xf32, #tpu.memory_space<hbm>>
        %dma_start3A_96 = arith.constant 0 : i32
        %dma_start3A_97 = arith.constant 0 : i32
        %dma_start3A_98 = tpu.memref_slice %arg21[%dma_start3A_96, %dma_start3A_97] : memref<400x64xf32, #tpu.memory_space<vmem>> -> memref<320x64xf32, #tpu.memory_space<vmem>>
        tpu.enqueue_dma source(%dma_start3A_98 : memref<320x64xf32, #tpu.memory_space<vmem>>) target(%dma_start3A_95 : memref<320x64xf32, #tpu.memory_space<hbm>>) target_semaphore(%run_scoped3A_87 : memref<!tpu.dma_semaphore, #tpu.memory_space<semaphore_mem>>)
        %dma_wait3A_99 = arith.constant 0 : i32
        %dma_wait3A_100 = arith.constant 0 : i32
        %dma_wait3A_101 = tpu.memref_slice %arg21[%dma_wait3A_99, %dma_wait3A_100] : memref<400x64xf32, #tpu.memory_space<vmem>> -> memref<320x64xf32, #tpu.memory_space<vmem>>
        %dma_wait3A_102 = arith.constant 0 : i32
        %dma_wait3A_103 = tpu.memref_slice %arg9[%select_n3A, %add3A_39, %mul3A_2, %dma_wait3A_102] : memref<2x4x10240x64xf32, #tpu.memory_space<hbm>> -> memref<1x1x320x64xf32, #tpu.memory_space<hbm>>
        %dma_wait3A_104 = tpu.memref_squeeze %dma_wait3A_103 : memref<1x1x320x64xf32, #tpu.memory_space<hbm>> -> memref<320x64xf32, #tpu.memory_space<hbm>>
        %dma_wait3A_105 = arith.constant 0 : i32
        %dma_wait3A_106 = tpu.memref_slice %arg9[%select_n3A, %add3A_39, %mul3A_2, %dma_wait3A_105] : memref<2x4x10240x64xf32, #tpu.memory_space<hbm>> -> memref<1x1x320x64xf32, #tpu.memory_space<hbm>>
        %dma_wait3A_107 = tpu.memref_squeeze %dma_wait3A_106 : memref<1x1x320x64xf32, #tpu.memory_space<hbm>> -> memref<320x64xf32, #tpu.memory_space<hbm>>
        %dma_wait3A_108 = arith.constant 0 : i32
        %dma_wait3A_109 = arith.constant 0 : i32
        %dma_wait3A_110 = tpu.memref_slice %arg21[%dma_wait3A_108, %dma_wait3A_109] : memref<400x64xf32, #tpu.memory_space<vmem>> -> memref<320x64xf32, #tpu.memory_space<vmem>>
        tpu.wait_dma2 semaphore(%run_scoped3A_87 : memref<!tpu.dma_semaphore, #tpu.memory_space<semaphore_mem>>) src(%dma_wait3A_110 : memref<320x64xf32, #tpu.memory_space<vmem>>) dst(%dma_wait3A_107 : memref<320x64xf32, #tpu.memory_space<hbm>>)
        tpu.yield
      }) : () -> ()
      %add3A_83 = arith.constant 320 : i32
      %add3A_84 = arith.addi %mul3A_2, %add3A_83 : i32
      "tpu.region"() ({
        %run_scoped3A_87 = tpu.sem_alloc : memref<!tpu.dma_semaphore, #tpu.memory_space<semaphore_mem>>
        %dma_start3A = arith.constant 0 : i32
        %dma_start3A_88 = arith.constant 0 : i32
        %dma_start3A_89 = tpu.memref_slice %arg21[%dma_start3A, %dma_start3A_88] : memref<400x64xf32, #tpu.memory_space<vmem>> -> memref<320x64xf32, #tpu.memory_space<vmem>>
        %dma_start3A_90 = arith.constant 0 : i32
        %dma_start3A_91 = tpu.memref_slice %arg10[%add3A_84, %dma_start3A_90] : memref<10240x64xf32, #tpu.memory_space<vmem_shared>> -> memref<320x64xf32, #tpu.memory_space<vmem_shared>>
        %dma_start3A_92 = arith.constant 0 : i32
        %dma_start3A_93 = arith.constant 0 : i32
        %dma_start3A_94 = tpu.memref_slice %arg21[%dma_start3A_92, %dma_start3A_93] : memref<400x64xf32, #tpu.memory_space<vmem>> -> memref<320x64xf32, #tpu.memory_space<vmem>>
        %dma_start3A_95 = arith.constant 0 : i32
        %dma_start3A_96 = tpu.memref_slice %arg10[%add3A_84, %dma_start3A_95] : memref<10240x64xf32, #tpu.memory_space<vmem_shared>> -> memref<320x64xf32, #tpu.memory_space<vmem_shared>>
        tpu.enqueue_dma source(%dma_start3A_96 : memref<320x64xf32, #tpu.memory_space<vmem_shared>>) target(%dma_start3A_94 : memref<320x64xf32, #tpu.memory_space<vmem>>) target_semaphore(%run_scoped3A_87 : memref<!tpu.dma_semaphore, #tpu.memory_space<semaphore_mem>>)
        %dma_wait3A_97 = arith.constant 0 : i32
        %dma_wait3A_98 = arith.constant 0 : i32
        %dma_wait3A_99 = tpu.memref_slice %arg21[%dma_wait3A_97, %dma_wait3A_98] : memref<400x64xf32, #tpu.memory_space<vmem>> -> memref<320x64xf32, #tpu.memory_space<vmem>>
        %dma_wait3A_100 = arith.constant 0 : i32
        %dma_wait3A_101 = tpu.memref_slice %arg10[%add3A_84, %dma_wait3A_100] : memref<10240x64xf32, #tpu.memory_space<vmem_shared>> -> memref<320x64xf32, #tpu.memory_space<vmem_shared>>
        %dma_wait3A_102 = arith.constant 0 : i32
        %dma_wait3A_103 = arith.constant 0 : i32
        %dma_wait3A_104 = tpu.memref_slice %arg21[%dma_wait3A_102, %dma_wait3A_103] : memref<400x64xf32, #tpu.memory_space<vmem>> -> memref<320x64xf32, #tpu.memory_space<vmem>>
        %dma_wait3A_105 = arith.constant 0 : i32
        %dma_wait3A_106 = tpu.memref_slice %arg10[%add3A_84, %dma_wait3A_105] : memref<10240x64xf32, #tpu.memory_space<vmem_shared>> -> memref<320x64xf32, #tpu.memory_space<vmem_shared>>
        tpu.wait_dma2 semaphore(%run_scoped3A_87 : memref<!tpu.dma_semaphore, #tpu.memory_space<semaphore_mem>>) src(%dma_wait3A_106 : memref<320x64xf32, #tpu.memory_space<vmem_shared>>) dst(%dma_wait3A_104 : memref<320x64xf32, #tpu.memory_space<vmem>>)
        tpu.yield
      }) : () -> ()
      %add3A_85 = arith.constant 320 : i32
      %add3A_86 = arith.addi %mul3A_2, %add3A_85 : i32
      "tpu.region"() ({
        %run_scoped3A_87 = tpu.sem_alloc : memref<!tpu.dma_semaphore, #tpu.memory_space<semaphore_mem>>
        %dma_start3A = arith.constant 0 : i32
        %dma_start3A_88 = arith.constant 0 : i32
        %dma_start3A_89 = tpu.memref_slice %arg21[%dma_start3A, %dma_start3A_88] : memref<400x64xf32, #tpu.memory_space<vmem>> -> memref<320x64xf32, #tpu.memory_space<vmem>>
        %dma_start3A_90 = arith.constant 0 : i32
        %dma_start3A_91 = tpu.memref_slice %arg9[%select_n3A, %add3A_39, %add3A_86, %dma_start3A_90] : memref<2x4x10240x64xf32, #tpu.memory_space<hbm>> -> memref<1x1x320x64xf32, #tpu.memory_space<hbm>>
        %dma_start3A_92 = tpu.memref_squeeze %dma_start3A_91 : memref<1x1x320x64xf32, #tpu.memory_space<hbm>> -> memref<320x64xf32, #tpu.memory_space<hbm>>
        %dma_start3A_93 = arith.constant 0 : i32
        %dma_start3A_94 = tpu.memref_slice %arg9[%select_n3A, %add3A_39, %add3A_86, %dma_start3A_93] : memref<2x4x10240x64xf32, #tpu.memory_space<hbm>> -> memref<1x1x320x64xf32, #tpu.memory_space<hbm>>
        %dma_start3A_95 = tpu.memref_squeeze %dma_start3A_94 : memref<1x1x320x64xf32, #tpu.memory_space<hbm>> -> memref<320x64xf32, #tpu.memory_space<hbm>>
        %dma_start3A_96 = arith.constant 0 : i32
        %dma_start3A_97 = arith.constant 0 : i32
        %dma_start3A_98 = tpu.memref_slice %arg21[%dma_start3A_96, %dma_start3A_97] : memref<400x64xf32, #tpu.memory_space<vmem>> -> memref<320x64xf32, #tpu.memory_space<vmem>>
        tpu.enqueue_dma source(%dma_start3A_98 : memref<320x64xf32, #tpu.memory_space<vmem>>) target(%dma_start3A_95 : memref<320x64xf32, #tpu.memory_space<hbm>>) target_semaphore(%run_scoped3A_87 : memref<!tpu.dma_semaphore, #tpu.memory_space<semaphore_mem>>)
        %dma_wait3A_99 = arith.constant 0 : i32
        %dma_wait3A_100 = arith.constant 0 : i32
        %dma_wait3A_101 = tpu.memref_slice %arg21[%dma_wait3A_99, %dma_wait3A_100] : memref<400x64xf32, #tpu.memory_space<vmem>> -> memref<320x64xf32, #tpu.memory_space<vmem>>
        %dma_wait3A_102 = arith.constant 0 : i32
        %dma_wait3A_103 = tpu.memref_slice %arg9[%select_n3A, %add3A_39, %add3A_86, %dma_wait3A_102] : memref<2x4x10240x64xf32, #tpu.memory_space<hbm>> -> memref<1x1x320x64xf32, #tpu.memory_space<hbm>>
        %dma_wait3A_104 = tpu.memref_squeeze %dma_wait3A_103 : memref<1x1x320x64xf32, #tpu.memory_space<hbm>> -> memref<320x64xf32, #tpu.memory_space<hbm>>
        %dma_wait3A_105 = arith.constant 0 : i32
        %dma_wait3A_106 = tpu.memref_slice %arg9[%select_n3A, %add3A_39, %add3A_86, %dma_wait3A_105] : memref<2x4x10240x64xf32, #tpu.memory_space<hbm>> -> memref<1x1x320x64xf32, #tpu.memory_space<hbm>>
        %dma_wait3A_107 = tpu.memref_squeeze %dma_wait3A_106 : memref<1x1x320x64xf32, #tpu.memory_space<hbm>> -> memref<320x64xf32, #tpu.memory_space<hbm>>
        %dma_wait3A_108 = arith.constant 0 : i32
        %dma_wait3A_109 = arith.constant 0 : i32
        %dma_wait3A_110 = tpu.memref_slice %arg21[%dma_wait3A_108, %dma_wait3A_109] : memref<400x64xf32, #tpu.memory_space<vmem>> -> memref<320x64xf32, #tpu.memory_space<vmem>>
        tpu.wait_dma2 semaphore(%run_scoped3A_87 : memref<!tpu.dma_semaphore, #tpu.memory_space<semaphore_mem>>) src(%dma_wait3A_110 : memref<320x64xf32, #tpu.memory_space<vmem>>) dst(%dma_wait3A_107 : memref<320x64xf32, #tpu.memory_space<hbm>>)
        tpu.yield
      }) : () -> ()
    }
    %scan3A_6 = arith.constant 4 : i32
    return
  }
}

module attributes {stable_mosaic.version = 14 : i64} {
  func.func @_pre_body(%arg0: i32, %arg1: memref<1000x256xf32, #tpu.memory_space<vmem>>, %arg2: memref<1000x256xf32, #tpu.memory_space<vmem>>, %arg3: memref<2x256x256xf32, #tpu.memory_space<vmem>>, %arg4: memref<2x256x256xf32, #tpu.memory_space<vmem>>, %arg5: memref<2x256x256xf32, #tpu.memory_space<vmem>>, %arg6: memref<2x257x4xf32, #tpu.memory_space<vmem>>, %arg7: memref<2x257x4xf32, #tpu.memory_space<vmem>>, %arg8: memref<1000x256xf32, #tpu.memory_space<vmem>>, %arg9: memref<1000x256xf32, #tpu.memory_space<vmem>>, %arg10: memref<1000x256xf32, #tpu.memory_space<vmem>>, %arg11: memref<1000x16xf32, #tpu.memory_space<vmem>>, %arg12: memref<1x16xf32, #tpu.memory_space<vmem>>) attributes {dimension_semantics = [#tpu.dimension_semantics<arbitrary>], iteration_bounds = array<i64: 10>, scalar_prefetch = 0 : i64, scratch_operands = 0 : i64, tpu.core_type = #tpu.core_type<tc>, window_params = [{transform_indices = @transform_0, window_bounds = array<i64: 1000, 256>}, {transform_indices = @transform_1, window_bounds = array<i64: 1000, 256>}, {pipeline_mode = #tpu.pipeline_mode<synchronous>, transform_indices = @transform_2, window_bounds = array<i64: 2, 256, 256>}, {pipeline_mode = #tpu.pipeline_mode<synchronous>, transform_indices = @transform_3, window_bounds = array<i64: 2, 256, 256>}, {pipeline_mode = #tpu.pipeline_mode<synchronous>, transform_indices = @transform_4, window_bounds = array<i64: 2, 256, 256>}, {pipeline_mode = #tpu.pipeline_mode<synchronous>, transform_indices = @transform_5, window_bounds = array<i64: 2, 257, 4>}, {pipeline_mode = #tpu.pipeline_mode<synchronous>, transform_indices = @transform_6, window_bounds = array<i64: 2, 257, 4>}, {transform_indices = @transform_7, window_bounds = array<i64: 1000, 256>}, {transform_indices = @transform_8, window_bounds = array<i64: 1000, 256>}, {transform_indices = @transform_9, window_bounds = array<i64: 1000, 256>}, {transform_indices = @transform_10, window_bounds = array<i64: 1000, 16>}, {pipeline_mode = #tpu.pipeline_mode<synchronous>, transform_indices = @transform_11, window_bounds = array<i64: 1, 16>}]} {
    %get3A = arith.constant 0 : index
    %get3A_0 = arith.constant 0 : index
    %get3A_1 = vector.load %arg1[%get3A, %get3A_0] : memref<1000x256xf32, #tpu.memory_space<vmem>>, vector<1000x256xf32>
    %get3A_2 = arith.constant 0 : index
    %get3A_3 = arith.constant 0 : index
    %get3A_4 = vector.load %arg2[%get3A_2, %get3A_3] : memref<1000x256xf32, #tpu.memory_space<vmem>>, vector<1000x256xf32>
    %get3A_5 = arith.constant 0 : index
    %get3A_6 = arith.constant 0 : index
    %get3A_7 = arith.constant 0 : index
    %get3A_8 = vector.load %arg3[%get3A_5, %get3A_6, %get3A_7] : memref<2x256x256xf32, #tpu.memory_space<vmem>>, vector<1x256x256xf32>
    %get3A_9 = vector.shape_cast %get3A_8 : vector<1x256x256xf32> to vector<256x256xf32>
    %dot_general3A = arith.constant dense<0.000000e+00> : vector<1000x256xf32>
    %dot_general3A_10 = tpu.matmul %get3A_4, %get3A_9, %dot_general3A {dimension_numbers = #tpu.dot_dimension_numbers<[1], [0], [0], [1], [0, 0, 1, 1], [], []>, transpose_lhs_hint = false} : vector<1000x256xf32>, vector<256x256xf32>, vector<1000x256xf32> -> vector<1000x256xf32>
    %get3A_11 = arith.constant 1 : index
    %get3A_12 = arith.constant 0 : index
    %get3A_13 = arith.constant 0 : index
    %get3A_14 = vector.load %arg3[%get3A_11, %get3A_12, %get3A_13] : memref<2x256x256xf32, #tpu.memory_space<vmem>>, vector<1x1x256xf32>
    %get3A_15 = vector.shape_cast %get3A_14 : vector<1x1x256xf32> to vector<1x256xf32>
    %add3A = vector.broadcast %get3A_15 : vector<1x256xf32> to vector<1000x256xf32>
    %add3A_16 = arith.addf %dot_general3A_10, %add3A : vector<1000x256xf32>
    %get3A_17 = arith.constant 0 : index
    %get3A_18 = arith.constant 0 : index
    %get3A_19 = arith.constant 0 : index
    %get3A_20 = vector.load %arg4[%get3A_17, %get3A_18, %get3A_19] : memref<2x256x256xf32, #tpu.memory_space<vmem>>, vector<1x256x256xf32>
    %get3A_21 = vector.shape_cast %get3A_20 : vector<1x256x256xf32> to vector<256x256xf32>
    %dot_general3A_22 = arith.constant dense<0.000000e+00> : vector<1000x256xf32>
    %dot_general3A_23 = tpu.matmul %get3A_1, %get3A_21, %dot_general3A_22 {dimension_numbers = #tpu.dot_dimension_numbers<[1], [0], [0], [1], [0, 0, 1, 1], [], []>, transpose_lhs_hint = false} : vector<1000x256xf32>, vector<256x256xf32>, vector<1000x256xf32> -> vector<1000x256xf32>
    %get3A_24 = arith.constant 1 : index
    %get3A_25 = arith.constant 0 : index
    %get3A_26 = arith.constant 0 : index
    %get3A_27 = vector.load %arg4[%get3A_24, %get3A_25, %get3A_26] : memref<2x256x256xf32, #tpu.memory_space<vmem>>, vector<1x1x256xf32>
    %get3A_28 = vector.shape_cast %get3A_27 : vector<1x1x256xf32> to vector<1x256xf32>
    %add3A_29 = vector.broadcast %get3A_28 : vector<1x256xf32> to vector<1000x256xf32>
    %add3A_30 = arith.addf %dot_general3A_23, %add3A_29 : vector<1000x256xf32>
    %get3A_31 = arith.constant 0 : index
    %get3A_32 = arith.constant 0 : index
    %get3A_33 = arith.constant 0 : index
    %get3A_34 = vector.load %arg5[%get3A_31, %get3A_32, %get3A_33] : memref<2x256x256xf32, #tpu.memory_space<vmem>>, vector<1x256x256xf32>
    %get3A_35 = vector.shape_cast %get3A_34 : vector<1x256x256xf32> to vector<256x256xf32>
    %dot_general3A_36 = arith.constant dense<0.000000e+00> : vector<1000x256xf32>
    %dot_general3A_37 = tpu.matmul %get3A_1, %get3A_35, %dot_general3A_36 {dimension_numbers = #tpu.dot_dimension_numbers<[1], [0], [0], [1], [0, 0, 1, 1], [], []>, transpose_lhs_hint = false} : vector<1000x256xf32>, vector<256x256xf32>, vector<1000x256xf32> -> vector<1000x256xf32>
    %get3A_38 = arith.constant 1 : index
    %get3A_39 = arith.constant 0 : index
    %get3A_40 = arith.constant 0 : index
    %get3A_41 = vector.load %arg5[%get3A_38, %get3A_39, %get3A_40] : memref<2x256x256xf32, #tpu.memory_space<vmem>>, vector<1x1x256xf32>
    %get3A_42 = vector.shape_cast %get3A_41 : vector<1x1x256xf32> to vector<1x256xf32>
    %add3A_43 = vector.broadcast %get3A_42 : vector<1x256xf32> to vector<1000x256xf32>
    %add3A_44 = arith.addf %dot_general3A_37, %add3A_43 : vector<1000x256xf32>
    %swap3A = arith.constant 0 : index
    %swap3A_45 = arith.constant 0 : index
    %swap3A_46 = vector.load %arg8[%swap3A, %swap3A_45] : memref<1000x256xf32, #tpu.memory_space<vmem>>, vector<1000x256xf32>
    tpu.vector_store %arg8[%swap3A, %swap3A_45], %add3A_16 {strides = array<i32>} : memref<1000x256xf32, #tpu.memory_space<vmem>>, vector<1000x256xf32>,
    %swap3A_47 = arith.constant 0 : index
    %swap3A_48 = arith.constant 0 : index
    %swap3A_49 = vector.load %arg9[%swap3A_47, %swap3A_48] : memref<1000x256xf32, #tpu.memory_space<vmem>>, vector<1000x256xf32>
    tpu.vector_store %arg9[%swap3A_47, %swap3A_48], %add3A_30 {strides = array<i32>} : memref<1000x256xf32, #tpu.memory_space<vmem>>, vector<1000x256xf32>,
    %swap3A_50 = arith.constant 0 : index
    %swap3A_51 = arith.constant 0 : index
    %swap3A_52 = vector.load %arg10[%swap3A_50, %swap3A_51] : memref<1000x256xf32, #tpu.memory_space<vmem>>, vector<1000x256xf32>
    tpu.vector_store %arg10[%swap3A_50, %swap3A_51], %add3A_44 {strides = array<i32>} : memref<1000x256xf32, #tpu.memory_space<vmem>>, vector<1000x256xf32>,
    %get3A_53 = arith.constant 0 : index
    %get3A_54 = arith.constant 0 : index
    %get3A_55 = arith.constant 0 : index
    %get3A_56 = vector.load %arg6[%get3A_53, %get3A_54, %get3A_55] : memref<2x257x4xf32, #tpu.memory_space<vmem>>, vector<2x257x4xf32>
    %get3A_57 = arith.constant 0 : index
    %get3A_58 = arith.constant 0 : index
    %get3A_59 = arith.constant 0 : index
    %get3A_60 = vector.load %arg7[%get3A_57, %get3A_58, %get3A_59] : memref<2x257x4xf32, #tpu.memory_space<vmem>>, vector<2x257x4xf32>
    %slice3A = vector.extract_strided_slice %get3A_56 {offsets = [0, 0, 0], sizes = [1, 256, 4], strides = [1, 1, 1]} : vector<2x257x4xf32> to vector<1x256x4xf32>
    %squeeze3A = vector.shape_cast %slice3A : vector<1x256x4xf32> to vector<256x4xf32>
    %dot_general3A_61 = arith.constant dense<0.000000e+00> : vector<1000x4xf32>
    %dot_general3A_62 = tpu.matmul %add3A_16, %squeeze3A, %dot_general3A_61 {dimension_numbers = #tpu.dot_dimension_numbers<[1], [0], [0], [1], [0, 0, 1, 1], [], []>, transpose_lhs_hint = false} : vector<1000x256xf32>, vector<256x4xf32>, vector<1000x4xf32> -> vector<1000x4xf32>
    %slice3A_63 = vector.extract_strided_slice %get3A_56 {offsets = [0, 256, 0], sizes = [1, 1, 4], strides = [1, 1, 1]} : vector<2x257x4xf32> to vector<1x1x4xf32>
    %squeeze3A_64 = vector.shape_cast %slice3A_63 : vector<1x1x4xf32> to vector<4xf32>
    %broadcast_in_dim3A = vector.shape_cast %squeeze3A_64 : vector<4xf32> to vector<1x4xf32>
    %add3A_65 = vector.broadcast %broadcast_in_dim3A : vector<1x4xf32> to vector<1000x4xf32>
    %add3A_66 = arith.addf %dot_general3A_62, %add3A_65 : vector<1000x4xf32>
    %slice3A_67 = vector.extract_strided_slice %get3A_56 {offsets = [1, 0, 0], sizes = [1, 256, 4], strides = [1, 1, 1]} : vector<2x257x4xf32> to vector<1x256x4xf32>
    %squeeze3A_68 = vector.shape_cast %slice3A_67 : vector<1x256x4xf32> to vector<256x4xf32>
    %dot_general3A_69 = arith.constant dense<0.000000e+00> : vector<1000x4xf32>
    %dot_general3A_70 = tpu.matmul %add3A_30, %squeeze3A_68, %dot_general3A_69 {dimension_numbers = #tpu.dot_dimension_numbers<[1], [0], [0], [1], [0, 0, 1, 1], [], []>, transpose_lhs_hint = false} : vector<1000x256xf32>, vector<256x4xf32>, vector<1000x4xf32> -> vector<1000x4xf32>
    %slice3A_71 = vector.extract_strided_slice %get3A_56 {offsets = [1, 256, 0], sizes = [1, 1, 4], strides = [1, 1, 1]} : vector<2x257x4xf32> to vector<1x1x4xf32>
    %squeeze3A_72 = vector.shape_cast %slice3A_71 : vector<1x1x4xf32> to vector<4xf32>
    %broadcast_in_dim3A_73 = vector.shape_cast %squeeze3A_72 : vector<4xf32> to vector<1x4xf32>
    %add3A_74 = vector.broadcast %broadcast_in_dim3A_73 : vector<1x4xf32> to vector<1000x4xf32>
    %add3A_75 = arith.addf %dot_general3A_70, %add3A_74 : vector<1000x4xf32>
    %slice3A_76 = vector.extract_strided_slice %get3A_60 {offsets = [0, 0, 0], sizes = [1, 256, 4], strides = [1, 1, 1]} : vector<2x257x4xf32> to vector<1x256x4xf32>
    %squeeze3A_77 = vector.shape_cast %slice3A_76 : vector<1x256x4xf32> to vector<256x4xf32>
    %dot_general3A_78 = arith.constant dense<0.000000e+00> : vector<1000x4xf32>
    %dot_general3A_79 = tpu.matmul %add3A_44, %squeeze3A_77, %dot_general3A_78 {dimension_numbers = #tpu.dot_dimension_numbers<[1], [0], [0], [1], [0, 0, 1, 1], [], []>, transpose_lhs_hint = false} : vector<1000x256xf32>, vector<256x4xf32>, vector<1000x4xf32> -> vector<1000x4xf32>
    %slice3A_80 = vector.extract_strided_slice %get3A_60 {offsets = [0, 256, 0], sizes = [1, 1, 4], strides = [1, 1, 1]} : vector<2x257x4xf32> to vector<1x1x4xf32>
    %squeeze3A_81 = vector.shape_cast %slice3A_80 : vector<1x1x4xf32> to vector<4xf32>
    %broadcast_in_dim3A_82 = vector.shape_cast %squeeze3A_81 : vector<4xf32> to vector<1x4xf32>
    %add3A_83 = vector.broadcast %broadcast_in_dim3A_82 : vector<1x4xf32> to vector<1000x4xf32>
    %add3A_84 = arith.addf %dot_general3A_79, %add3A_83 : vector<1000x4xf32>
    %slice3A_85 = vector.extract_strided_slice %get3A_60 {offsets = [1, 0, 0], sizes = [1, 256, 4], strides = [1, 1, 1]} : vector<2x257x4xf32> to vector<1x256x4xf32>
    %squeeze3A_86 = vector.shape_cast %slice3A_85 : vector<1x256x4xf32> to vector<256x4xf32>
    %dot_general3A_87 = arith.constant dense<0.000000e+00> : vector<1000x4xf32>
    %dot_general3A_88 = tpu.matmul %add3A_44, %squeeze3A_86, %dot_general3A_87 {dimension_numbers = #tpu.dot_dimension_numbers<[1], [0], [0], [1], [0, 0, 1, 1], [], []>, transpose_lhs_hint = false} : vector<1000x256xf32>, vector<256x4xf32>, vector<1000x4xf32> -> vector<1000x4xf32>
    %slice3A_89 = vector.extract_strided_slice %get3A_60 {offsets = [1, 256, 0], sizes = [1, 1, 4], strides = [1, 1, 1]} : vector<2x257x4xf32> to vector<1x1x4xf32>
    %squeeze3A_90 = vector.shape_cast %slice3A_89 : vector<1x1x4xf32> to vector<4xf32>
    %broadcast_in_dim3A_91 = vector.shape_cast %squeeze3A_90 : vector<4xf32> to vector<1x4xf32>
    %add3A_92 = vector.broadcast %broadcast_in_dim3A_91 : vector<1x4xf32> to vector<1000x4xf32>
    %add3A_93 = arith.addf %dot_general3A_88, %add3A_92 : vector<1000x4xf32>
    %concatenate3A = tpu.concatenate %add3A_66, %add3A_75, %add3A_84, %add3A_93 in 1 : vector<1000x4xf32>, vector<1000x4xf32>, vector<1000x4xf32>, vector<1000x4xf32> -> vector<1000x16xf32>
    %swap3A_94 = arith.constant 0 : index
    %swap3A_95 = arith.constant 0 : index
    %swap3A_96 = vector.load %arg11[%swap3A_94, %swap3A_95] : memref<1000x16xf32, #tpu.memory_space<vmem>>, vector<1000x16xf32>
    tpu.vector_store %arg11[%swap3A_94, %swap3A_95], %concatenate3A {strides = array<i32>} : memref<1000x16xf32, #tpu.memory_space<vmem>>, vector<1000x16xf32>,
    %reduce_max3A = arith.constant dense<0xFF800000> : vector<16xf32>
    %reduce_max3A_97 = vector.multi_reduction <maximumf>, %concatenate3A, %reduce_max3A [0] : vector<1000x16xf32> to vector<16xf32>
    %broadcast_in_dim3A_98 = vector.shape_cast %reduce_max3A_97 : vector<16xf32> to vector<1x16xf32>
    %eq3A = arith.constant 0 : i32
    %eq3A_99 = arith.cmpi eq, %arg0, %eq3A : i32
    %convert_element_type3A = arith.extui %eq3A_99 : i1 to i32
    %cond3A = arith.constant 0 : i32
    %cond3A_100 = arith.cmpi ne, %convert_element_type3A, %cond3A : i32
    scf.if %cond3A_100 {
      %swap3A_105 = arith.constant 0 : index
      %swap3A_106 = arith.constant 0 : index
      %swap3A_107 = vector.load %arg12[%swap3A_105, %swap3A_106] : memref<1x16xf32, #tpu.memory_space<vmem>>, vector<1x16xf32>
      tpu.vector_store %arg12[%swap3A_105, %swap3A_106], %broadcast_in_dim3A_98 {strides = array<i32>} : memref<1x16xf32, #tpu.memory_space<vmem>>, vector<1x16xf32>,
    } else {
    }
    %gt3A = arith.constant 0 : i32
    %gt3A_101 = arith.cmpi sgt, %arg0, %gt3A : i32
    %convert_element_type3A_102 = arith.extui %gt3A_101 : i1 to i32
    %cond3A_103 = arith.constant 0 : i32
    %cond3A_104 = arith.cmpi ne, %convert_element_type3A_102, %cond3A_103 : i32
    scf.if %cond3A_104 {
      %get3A_105 = arith.constant 0 : index
      %get3A_106 = arith.constant 0 : index
      %get3A_107 = vector.load %arg12[%get3A_105, %get3A_106] : memref<1x16xf32, #tpu.memory_space<vmem>>, vector<1x16xf32>
      %max3A = arith.maximumf %get3A_107, %broadcast_in_dim3A_98 : vector<1x16xf32>
      %swap3A_108 = arith.constant 0 : index
      %swap3A_109 = arith.constant 0 : index
      %swap3A_110 = vector.load %arg12[%swap3A_108, %swap3A_109] : memref<1x16xf32, #tpu.memory_space<vmem>>, vector<1x16xf32>
      tpu.vector_store %arg12[%swap3A_108, %swap3A_109], %max3A {strides = array<i32>} : memref<1x16xf32, #tpu.memory_space<vmem>>, vector<1x16xf32>,
    } else {
    }
    return
  }
  func.func @transform_0(%arg0: i32) -> (i32, i32) {
    %c0_i32 = arith.constant 0 : i32
    %c0_i32_0 = arith.constant 0 : i32
    return %arg0, %c0_i32 : i32, i32
  }
  func.func @transform_1(%arg0: i32) -> (i32, i32) {
    %c0_i32 = arith.constant 0 : i32
    %c0_i32_0 = arith.constant 0 : i32
    return %arg0, %c0_i32 : i32, i32
  }
  func.func @transform_2(%arg0: i32) -> (i32, i32, i32) {
    %c0_i32 = arith.constant 0 : i32
    %c0_i32_0 = arith.constant 0 : i32
    %c0_i32_1 = arith.constant 0 : i32
    %c0_i32_2 = arith.constant 0 : i32
    return %c0_i32, %c0_i32_0, %c0_i32_1 : i32, i32, i32
  }
  func.func @transform_3(%arg0: i32) -> (i32, i32, i32) {
    %c0_i32 = arith.constant 0 : i32
    %c0_i32_0 = arith.constant 0 : i32
    %c0_i32_1 = arith.constant 0 : i32
    %c0_i32_2 = arith.constant 0 : i32
    return %c0_i32, %c0_i32_0, %c0_i32_1 : i32, i32, i32
  }
  func.func @transform_4(%arg0: i32) -> (i32, i32, i32) {
    %c0_i32 = arith.constant 0 : i32
    %c0_i32_0 = arith.constant 0 : i32
    %c0_i32_1 = arith.constant 0 : i32
    %c0_i32_2 = arith.constant 0 : i32
    return %c0_i32, %c0_i32_0, %c0_i32_1 : i32, i32, i32
  }
  func.func @transform_5(%arg0: i32) -> (i32, i32, i32) {
    %c0_i32 = arith.constant 0 : i32
    %c0_i32_0 = arith.constant 0 : i32
    %c0_i32_1 = arith.constant 0 : i32
    %c0_i32_2 = arith.constant 0 : i32
    return %c0_i32, %c0_i32_0, %c0_i32_1 : i32, i32, i32
  }
  func.func @transform_6(%arg0: i32) -> (i32, i32, i32) {
    %c0_i32 = arith.constant 0 : i32
    %c0_i32_0 = arith.constant 0 : i32
    %c0_i32_1 = arith.constant 0 : i32
    %c0_i32_2 = arith.constant 0 : i32
    return %c0_i32, %c0_i32_0, %c0_i32_1 : i32, i32, i32
  }
  func.func @transform_7(%arg0: i32) -> (i32, i32) {
    %c0_i32 = arith.constant 0 : i32
    %c0_i32_0 = arith.constant 0 : i32
    return %arg0, %c0_i32 : i32, i32
  }
  func.func @transform_8(%arg0: i32) -> (i32, i32) {
    %c0_i32 = arith.constant 0 : i32
    %c0_i32_0 = arith.constant 0 : i32
    return %arg0, %c0_i32 : i32, i32
  }
  func.func @transform_9(%arg0: i32) -> (i32, i32) {
    %c0_i32 = arith.constant 0 : i32
    %c0_i32_0 = arith.constant 0 : i32
    return %arg0, %c0_i32 : i32, i32
  }
  func.func @transform_10(%arg0: i32) -> (i32, i32) {
    %c0_i32 = arith.constant 0 : i32
    %c0_i32_0 = arith.constant 0 : i32
    return %arg0, %c0_i32 : i32, i32
  }
  func.func @transform_11(%arg0: i32) -> (i32, i32) {
    %c0_i32 = arith.constant 0 : i32
    %c0_i32_0 = arith.constant 0 : i32
    %c0_i32_1 = arith.constant 0 : i32
    return %c0_i32, %c0_i32_0 : i32, i32
  }
}

module attributes {stable_mosaic.version = 14 : i64} {
  func.func @_post_body(%arg0: i32, %arg1: memref<1000x256xf32, #tpu.memory_space<vmem>>, %arg2: memref<1000x256xf32, #tpu.memory_space<vmem>>, %arg3: memref<1000x256xf32, #tpu.memory_space<vmem>>, %arg4: memref<1000x256xf32, #tpu.memory_space<vmem>>, %arg5: memref<1000x256xf32, #tpu.memory_space<vmem>>, %arg6: memref<2x256x256xf32, #tpu.memory_space<vmem>>, %arg7: memref<4x257x4xf32, #tpu.memory_space<vmem>>, %arg8: memref<2x4xf32, #tpu.memory_space<vmem>>, %arg9: memref<1000x256xf32, #tpu.memory_space<vmem>>, %arg10: memref<1000x256xf32, #tpu.memory_space<vmem>>, %arg11: memref<1000x8xf32, #tpu.memory_space<vmem>>) attributes {dimension_semantics = [#tpu.dimension_semantics<arbitrary>], iteration_bounds = array<i64: 10>, scalar_prefetch = 0 : i64, scratch_operands = 0 : i64, tpu.core_type = #tpu.core_type<tc>, window_params = [{transform_indices = @transform_0, window_bounds = array<i64: 1000, 256>}, {transform_indices = @transform_1, window_bounds = array<i64: 1000, 256>}, {transform_indices = @transform_2, window_bounds = array<i64: 1000, 256>}, {transform_indices = @transform_3, window_bounds = array<i64: 1000, 256>}, {transform_indices = @transform_4, window_bounds = array<i64: 1000, 256>}, {pipeline_mode = #tpu.pipeline_mode<synchronous>, transform_indices = @transform_5, window_bounds = array<i64: 2, 256, 256>}, {pipeline_mode = #tpu.pipeline_mode<synchronous>, transform_indices = @transform_6, window_bounds = array<i64: 4, 257, 4>}, {pipeline_mode = #tpu.pipeline_mode<synchronous>, transform_indices = @transform_7, window_bounds = array<i64: 2, 4>}, {transform_indices = @transform_8, window_bounds = array<i64: 1000, 256>}, {transform_indices = @transform_9, window_bounds = array<i64: 1000, 256>}, {transform_indices = @transform_10, window_bounds = array<i64: 1000, 8>}]} {
    %get3A = arith.constant 0 : index
    %get3A_0 = arith.constant 0 : index
    %get3A_1 = vector.load %arg1[%get3A, %get3A_0] : memref<1000x256xf32, #tpu.memory_space<vmem>>, vector<1000x256xf32>
    %get3A_2 = arith.constant 0 : index
    %get3A_3 = arith.constant 0 : index
    %get3A_4 = vector.load %arg2[%get3A_2, %get3A_3] : memref<1000x256xf32, #tpu.memory_space<vmem>>, vector<1000x256xf32>
    %get3A_5 = arith.constant 0 : index
    %get3A_6 = arith.constant 0 : index
    %get3A_7 = vector.load %arg3[%get3A_5, %get3A_6] : memref<1000x256xf32, #tpu.memory_space<vmem>>, vector<1000x256xf32>
    %get3A_8 = arith.constant 0 : index
    %get3A_9 = arith.constant 0 : index
    %get3A_10 = vector.load %arg4[%get3A_8, %get3A_9] : memref<1000x256xf32, #tpu.memory_space<vmem>>, vector<1000x256xf32>
    %get3A_11 = arith.constant 0 : index
    %get3A_12 = arith.constant 0 : index
    %get3A_13 = vector.load %arg5[%get3A_11, %get3A_12] : memref<1000x256xf32, #tpu.memory_space<vmem>>, vector<1000x256xf32>
    %mul3A = arith.mulf %get3A_7, %get3A_7 : vector<1000x256xf32>
    %reduce_sum3A = arith.constant dense<0.000000e+00> : vector<1000xf32>
    %reduce_sum3A_14 = vector.multi_reduction <add>, %mul3A, %reduce_sum3A [1] : vector<1000x256xf32> to vector<1000xf32>
    %broadcast_in_dim3A = vector.shape_cast %reduce_sum3A_14 : vector<1000xf32> to vector<1000x1xf32>
    %sqrt3A = math.sqrt %broadcast_in_dim3A : vector<1000x1xf32>
    %max3A = arith.constant 9.99999971E-10 : f32
    %max3A_15 = vector.broadcast %max3A : f32 to vector<1000x1xf32>
    %max3A_16 = arith.maximumf %sqrt3A, %max3A_15 : vector<1000x1xf32>
    %div3A = vector.broadcast %max3A_16 : vector<1000x1xf32> to vector<1000x256xf32>
    %div3A_17 = arith.divf %get3A_7, %div3A : vector<1000x256xf32>
    %mul3A_18 = arith.mulf %get3A_1, %get3A_1 : vector<1000x256xf32>
    %reduce_sum3A_19 = arith.constant dense<0.000000e+00> : vector<1000xf32>
    %reduce_sum3A_20 = vector.multi_reduction <add>, %mul3A_18, %reduce_sum3A_19 [1] : vector<1000x256xf32> to vector<1000xf32>
    %broadcast_in_dim3A_21 = vector.shape_cast %reduce_sum3A_20 : vector<1000xf32> to vector<1000x1xf32>
    %sqrt3A_22 = math.sqrt %broadcast_in_dim3A_21 : vector<1000x1xf32>
    %max3A_23 = arith.constant 9.99999971E-10 : f32
    %max3A_24 = vector.broadcast %max3A_23 : f32 to vector<1000x1xf32>
    %max3A_25 = arith.maximumf %sqrt3A_22, %max3A_24 : vector<1000x1xf32>
    %div3A_26 = vector.broadcast %max3A_25 : vector<1000x1xf32> to vector<1000x256xf32>
    %div3A_27 = arith.divf %get3A_1, %div3A_26 : vector<1000x256xf32>
    %mul3A_28 = arith.mulf %get3A_4, %get3A_4 : vector<1000x256xf32>
    %reduce_sum3A_29 = arith.constant dense<0.000000e+00> : vector<1000xf32>
    %reduce_sum3A_30 = vector.multi_reduction <add>, %mul3A_28, %reduce_sum3A_29 [1] : vector<1000x256xf32> to vector<1000xf32>
    %broadcast_in_dim3A_31 = vector.shape_cast %reduce_sum3A_30 : vector<1000xf32> to vector<1000x1xf32>
    %sqrt3A_32 = math.sqrt %broadcast_in_dim3A_31 : vector<1000x1xf32>
    %max3A_33 = arith.constant 9.99999971E-10 : f32
    %max3A_34 = vector.broadcast %max3A_33 : f32 to vector<1000x1xf32>
    %max3A_35 = arith.maximumf %sqrt3A_32, %max3A_34 : vector<1000x1xf32>
    %div3A_36 = vector.broadcast %max3A_35 : vector<1000x1xf32> to vector<1000x256xf32>
    %div3A_37 = arith.divf %get3A_4, %div3A_36 : vector<1000x256xf32>
    %get3A_38 = arith.constant 0 : index
    %get3A_39 = arith.constant 0 : index
    %get3A_40 = arith.constant 0 : index
    %get3A_41 = vector.load %arg7[%get3A_38, %get3A_39, %get3A_40] : memref<4x257x4xf32, #tpu.memory_space<vmem>>, vector<4x257x4xf32>
    %slice3A = vector.extract_strided_slice %get3A_41 {offsets = [0, 0, 0], sizes = [1, 256, 4], strides = [1, 1, 1]} : vector<4x257x4xf32> to vector<1x256x4xf32>
    %squeeze3A = vector.shape_cast %slice3A : vector<1x256x4xf32> to vector<256x4xf32>
    %dot_general3A = arith.constant dense<0.000000e+00> : vector<1000x4xf32>
    %dot_general3A_42 = tpu.matmul %div3A_27, %squeeze3A, %dot_general3A {dimension_numbers = #tpu.dot_dimension_numbers<[1], [0], [0], [1], [0, 0, 1, 1], [], []>, transpose_lhs_hint = false} : vector<1000x256xf32>, vector<256x4xf32>, vector<1000x4xf32> -> vector<1000x4xf32>
    %slice3A_43 = vector.extract_strided_slice %get3A_41 {offsets = [0, 256, 0], sizes = [1, 1, 4], strides = [1, 1, 1]} : vector<4x257x4xf32> to vector<1x1x4xf32>
    %squeeze3A_44 = vector.shape_cast %slice3A_43 : vector<1x1x4xf32> to vector<4xf32>
    %broadcast_in_dim3A_45 = vector.shape_cast %squeeze3A_44 : vector<4xf32> to vector<1x4xf32>
    %add3A = vector.broadcast %broadcast_in_dim3A_45 : vector<1x4xf32> to vector<1000x4xf32>
    %add3A_46 = arith.addf %dot_general3A_42, %add3A : vector<1000x4xf32>
    %slice3A_47 = vector.extract_strided_slice %get3A_41 {offsets = [2, 0, 0], sizes = [1, 256, 4], strides = [1, 1, 1]} : vector<4x257x4xf32> to vector<1x256x4xf32>
    %squeeze3A_48 = vector.shape_cast %slice3A_47 : vector<1x256x4xf32> to vector<256x4xf32>
    %dot_general3A_49 = arith.constant dense<0.000000e+00> : vector<1000x4xf32>
    %dot_general3A_50 = tpu.matmul %div3A_17, %squeeze3A_48, %dot_general3A_49 {dimension_numbers = #tpu.dot_dimension_numbers<[1], [0], [0], [1], [0, 0, 1, 1], [], []>, transpose_lhs_hint = false} : vector<1000x256xf32>, vector<256x4xf32>, vector<1000x4xf32> -> vector<1000x4xf32>
    %add3A_51 = arith.addf %add3A_46, %dot_general3A_50 : vector<1000x4xf32>
    %slice3A_52 = vector.extract_strided_slice %get3A_41 {offsets = [2, 256, 0], sizes = [1, 1, 4], strides = [1, 1, 1]} : vector<4x257x4xf32> to vector<1x1x4xf32>
    %squeeze3A_53 = vector.shape_cast %slice3A_52 : vector<1x1x4xf32> to vector<4xf32>
    %broadcast_in_dim3A_54 = vector.shape_cast %squeeze3A_53 : vector<4xf32> to vector<1x4xf32>
    %add3A_55 = vector.broadcast %broadcast_in_dim3A_54 : vector<1x4xf32> to vector<1000x4xf32>
    %add3A_56 = arith.addf %add3A_51, %add3A_55 : vector<1000x4xf32>
    %slice3A_57 = vector.extract_strided_slice %get3A_41 {offsets = [1, 0, 0], sizes = [1, 256, 4], strides = [1, 1, 1]} : vector<4x257x4xf32> to vector<1x256x4xf32>
    %squeeze3A_58 = vector.shape_cast %slice3A_57 : vector<1x256x4xf32> to vector<256x4xf32>
    %dot_general3A_59 = arith.constant dense<0.000000e+00> : vector<1000x4xf32>
    %dot_general3A_60 = tpu.matmul %div3A_37, %squeeze3A_58, %dot_general3A_59 {dimension_numbers = #tpu.dot_dimension_numbers<[1], [0], [0], [1], [0, 0, 1, 1], [], []>, transpose_lhs_hint = false} : vector<1000x256xf32>, vector<256x4xf32>, vector<1000x4xf32> -> vector<1000x4xf32>
    %slice3A_61 = vector.extract_strided_slice %get3A_41 {offsets = [1, 256, 0], sizes = [1, 1, 4], strides = [1, 1, 1]} : vector<4x257x4xf32> to vector<1x1x4xf32>
    %squeeze3A_62 = vector.shape_cast %slice3A_61 : vector<1x1x4xf32> to vector<4xf32>
    %broadcast_in_dim3A_63 = vector.shape_cast %squeeze3A_62 : vector<4xf32> to vector<1x4xf32>
    %add3A_64 = vector.broadcast %broadcast_in_dim3A_63 : vector<1x4xf32> to vector<1000x4xf32>
    %add3A_65 = arith.addf %dot_general3A_60, %add3A_64 : vector<1000x4xf32>
    %slice3A_66 = vector.extract_strided_slice %get3A_41 {offsets = [3, 0, 0], sizes = [1, 256, 4], strides = [1, 1, 1]} : vector<4x257x4xf32> to vector<1x256x4xf32>
    %squeeze3A_67 = vector.shape_cast %slice3A_66 : vector<1x256x4xf32> to vector<256x4xf32>
    %dot_general3A_68 = arith.constant dense<0.000000e+00> : vector<1000x4xf32>
    %dot_general3A_69 = tpu.matmul %div3A_17, %squeeze3A_67, %dot_general3A_68 {dimension_numbers = #tpu.dot_dimension_numbers<[1], [0], [0], [1], [0, 0, 1, 1], [], []>, transpose_lhs_hint = false} : vector<1000x256xf32>, vector<256x4xf32>, vector<1000x4xf32> -> vector<1000x4xf32>
    %add3A_70 = arith.addf %add3A_65, %dot_general3A_69 : vector<1000x4xf32>
    %slice3A_71 = vector.extract_strided_slice %get3A_41 {offsets = [3, 256, 0], sizes = [1, 1, 4], strides = [1, 1, 1]} : vector<4x257x4xf32> to vector<1x1x4xf32>
    %squeeze3A_72 = vector.shape_cast %slice3A_71 : vector<1x1x4xf32> to vector<4xf32>
    %broadcast_in_dim3A_73 = vector.shape_cast %squeeze3A_72 : vector<4xf32> to vector<1x4xf32>
    %add3A_74 = vector.broadcast %broadcast_in_dim3A_73 : vector<1x4xf32> to vector<1000x4xf32>
    %add3A_75 = arith.addf %add3A_70, %add3A_74 : vector<1000x4xf32>
    %mul3A_76 = arith.constant 0.00999999977 : f32
    %mul3A_77 = vector.broadcast %mul3A_76 : f32 to vector<1000x4xf32>
    %mul3A_78 = arith.mulf %mul3A_77, %add3A_56 : vector<1000x4xf32>
    %max3A_79 = arith.maximumf %add3A_56, %mul3A_78 : vector<1000x4xf32>
    %mul3A_80 = arith.constant 0.00999999977 : f32
    %mul3A_81 = vector.broadcast %mul3A_80 : f32 to vector<1000x4xf32>
    %mul3A_82 = arith.mulf %mul3A_81, %add3A_75 : vector<1000x4xf32>
    %max3A_83 = arith.maximumf %add3A_75, %mul3A_82 : vector<1000x4xf32>
    %max3A_84 = arith.maximumf %max3A_79, %max3A_83 : vector<1000x4xf32>
    %sub3A = arith.subf %max3A_79, %max3A_84 : vector<1000x4xf32>
    %exp3A = math.exp %sub3A : vector<1000x4xf32>
    %sub3A_85 = arith.subf %max3A_83, %max3A_84 : vector<1000x4xf32>
    %exp3A_86 = math.exp %sub3A_85 : vector<1000x4xf32>
    %add3A_87 = arith.addf %exp3A, %exp3A_86 : vector<1000x4xf32>
    %div3A_88 = arith.divf %exp3A, %add3A_87 : vector<1000x4xf32>
    %div3A_89 = arith.divf %exp3A_86, %add3A_87 : vector<1000x4xf32>
    %get3A_90 = arith.constant 0 : index
    %get3A_91 = arith.constant 0 : index
    %get3A_92 = vector.load %arg8[%get3A_90, %get3A_91] : memref<2x4xf32, #tpu.memory_space<vmem>>, vector<2x4xf32>
    %mul3A_93 = arith.constant 5.000000e-01 : f32
    %mul3A_94 = vector.broadcast %mul3A_93 : f32 to vector<1000x4xf32>
    %mul3A_95 = arith.mulf %mul3A_94, %div3A_88 : vector<1000x4xf32>
    %slice3A_96 = vector.extract_strided_slice %get3A_92 {offsets = [0, 0], sizes = [1, 4], strides = [1, 1]} : vector<2x4xf32> to vector<1x4xf32>
    %squeeze3A_97 = vector.shape_cast %slice3A_96 : vector<1x4xf32> to vector<4xf32>
    %mul3A_98 = arith.constant 5.000000e-01 : f32
    %mul3A_99 = vector.broadcast %mul3A_98 : f32 to vector<4xf32>
    %mul3A_100 = arith.mulf %mul3A_99, %squeeze3A_97 : vector<4xf32>
    %broadcast_in_dim3A_101 = vector.shape_cast %mul3A_100 : vector<4xf32> to vector<1x4xf32>
    %add3A_102 = vector.broadcast %broadcast_in_dim3A_101 : vector<1x4xf32> to vector<1000x4xf32>
    %add3A_103 = arith.addf %mul3A_95, %add3A_102 : vector<1000x4xf32>
    %mul3A_104 = arith.constant 5.000000e-01 : f32
    %mul3A_105 = vector.broadcast %mul3A_104 : f32 to vector<1000x4xf32>
    %mul3A_106 = arith.mulf %mul3A_105, %div3A_89 : vector<1000x4xf32>
    %slice3A_107 = vector.extract_strided_slice %get3A_92 {offsets = [1, 0], sizes = [1, 4], strides = [1, 1]} : vector<2x4xf32> to vector<1x4xf32>
    %squeeze3A_108 = vector.shape_cast %slice3A_107 : vector<1x4xf32> to vector<4xf32>
    %mul3A_109 = arith.constant 5.000000e-01 : f32
    %mul3A_110 = vector.broadcast %mul3A_109 : f32 to vector<4xf32>
    %mul3A_111 = arith.mulf %mul3A_110, %squeeze3A_108 : vector<4xf32>
    %broadcast_in_dim3A_112 = vector.shape_cast %mul3A_111 : vector<4xf32> to vector<1x4xf32>
    %add3A_113 = vector.broadcast %broadcast_in_dim3A_112 : vector<1x4xf32> to vector<1000x4xf32>
    %add3A_114 = arith.addf %mul3A_106, %add3A_113 : vector<1000x4xf32>
    %concatenate3A = tpu.concatenate %add3A_103, %add3A_114 in 1 : vector<1000x4xf32>, vector<1000x4xf32> -> vector<1000x8xf32>
    %swap3A = arith.constant 0 : index
    %swap3A_115 = arith.constant 0 : index
    %swap3A_116 = vector.load %arg11[%swap3A, %swap3A_115] : memref<1000x8xf32, #tpu.memory_space<vmem>>, vector<1000x8xf32>
    tpu.vector_store %arg11[%swap3A, %swap3A_115], %concatenate3A {strides = array<i32>} : memref<1000x8xf32, #tpu.memory_space<vmem>>, vector<1000x8xf32>,
    %reshape3A = vector.shape_cast %get3A_1 : vector<1000x256xf32> to vector<1000x4x64xf32>
    %broadcast_in_dim3A_117 = vector.shape_cast %add3A_103 : vector<1000x4xf32> to vector<1000x4x1xf32>
    %mul3A_118 = vector.broadcast %broadcast_in_dim3A_117 : vector<1000x4x1xf32> to vector<1000x4x64xf32>
    %mul3A_119 = arith.mulf %reshape3A, %mul3A_118 : vector<1000x4x64xf32>
    %reshape3A_120 = vector.shape_cast %get3A_4 : vector<1000x256xf32> to vector<1000x4x64xf32>
    %broadcast_in_dim3A_121 = vector.shape_cast %add3A_114 : vector<1000x4xf32> to vector<1000x4x1xf32>
    %mul3A_122 = vector.broadcast %broadcast_in_dim3A_121 : vector<1000x4x1xf32> to vector<1000x4x64xf32>
    %mul3A_123 = arith.mulf %reshape3A_120, %mul3A_122 : vector<1000x4x64xf32>
    %add3A_124 = arith.addf %mul3A_119, %mul3A_123 : vector<1000x4x64xf32>
    %reshape3A_125 = vector.shape_cast %add3A_124 : vector<1000x4x64xf32> to vector<1000x256xf32>
    %add3A_126 = arith.addf %reshape3A_125, %get3A_10 : vector<1000x256xf32>
    %mul3A_127 = arith.constant 5.000000e-01 : f32
    %mul3A_128 = vector.broadcast %mul3A_127 : f32 to vector<1000x256xf32>
    %mul3A_129 = arith.mulf %add3A_126, %mul3A_128 : vector<1000x256xf32>
    %sqrt3A_130 = arith.constant 2.000000e+00 : f32
    %sqrt3A_131 = math.sqrt %sqrt3A_130 : f32
    %div3A_132 = vector.broadcast %sqrt3A_131 : f32 to vector<1000x256xf32>
    %div3A_133 = arith.divf %add3A_126, %div3A_132 : vector<1000x256xf32>
    %erf3A = math.erf %div3A_133 : vector<1000x256xf32>
    %add3A_134 = arith.constant 1.000000e+00 : f32
    %add3A_135 = vector.broadcast %add3A_134 : f32 to vector<1000x256xf32>
    %add3A_136 = arith.addf %add3A_135, %erf3A : vector<1000x256xf32>
    %mul3A_137 = arith.mulf %mul3A_129, %add3A_136 : vector<1000x256xf32>
    %mul3A_138 = arith.mulf %mul3A_137, %mul3A_137 : vector<1000x256xf32>
    %reduce_sum3A_139 = arith.constant dense<0.000000e+00> : vector<1000xf32>
    %reduce_sum3A_140 = vector.multi_reduction <add>, %mul3A_138, %reduce_sum3A_139 [1] : vector<1000x256xf32> to vector<1000xf32>
    %broadcast_in_dim3A_141 = vector.shape_cast %reduce_sum3A_140 : vector<1000xf32> to vector<1000x1xf32>
    %sqrt3A_142 = math.sqrt %broadcast_in_dim3A_141 : vector<1000x1xf32>
    %max3A_143 = arith.constant 9.99999971E-10 : f32
    %max3A_144 = vector.broadcast %max3A_143 : f32 to vector<1000x1xf32>
    %max3A_145 = arith.maximumf %sqrt3A_142, %max3A_144 : vector<1000x1xf32>
    %div3A_146 = vector.broadcast %max3A_145 : vector<1000x1xf32> to vector<1000x256xf32>
    %div3A_147 = arith.divf %mul3A_137, %div3A_146 : vector<1000x256xf32>
    %swap3A_148 = arith.constant 0 : index
    %swap3A_149 = arith.constant 0 : index
    %swap3A_150 = vector.load %arg9[%swap3A_148, %swap3A_149] : memref<1000x256xf32, #tpu.memory_space<vmem>>, vector<1000x256xf32>
    tpu.vector_store %arg9[%swap3A_148, %swap3A_149], %div3A_147 {strides = array<i32>} : memref<1000x256xf32, #tpu.memory_space<vmem>>, vector<1000x256xf32>,
    %get3A_151 = arith.constant 0 : index
    %get3A_152 = arith.constant 0 : index
    %get3A_153 = arith.constant 0 : index
    %get3A_154 = vector.load %arg6[%get3A_151, %get3A_152, %get3A_153] : memref<2x256x256xf32, #tpu.memory_space<vmem>>, vector<1x256x256xf32>
    %get3A_155 = vector.shape_cast %get3A_154 : vector<1x256x256xf32> to vector<256x256xf32>
    %dot_general3A_156 = arith.constant dense<0.000000e+00> : vector<1000x256xf32>
    %dot_general3A_157 = tpu.matmul %get3A_13, %get3A_155, %dot_general3A_156 {dimension_numbers = #tpu.dot_dimension_numbers<[1], [0], [0], [1], [0, 0, 1, 1], [], []>, transpose_lhs_hint = false} : vector<1000x256xf32>, vector<256x256xf32>, vector<1000x256xf32> -> vector<1000x256xf32>
    %get3A_158 = arith.constant 1 : index
    %get3A_159 = arith.constant 0 : index
    %get3A_160 = arith.constant 0 : index
    %get3A_161 = vector.load %arg6[%get3A_158, %get3A_159, %get3A_160] : memref<2x256x256xf32, #tpu.memory_space<vmem>>, vector<1x1x256xf32>
    %get3A_162 = vector.shape_cast %get3A_161 : vector<1x1x256xf32> to vector<1x256xf32>
    %add3A_163 = vector.broadcast %get3A_162 : vector<1x256xf32> to vector<1000x256xf32>
    %add3A_164 = arith.addf %dot_general3A_157, %add3A_163 : vector<1000x256xf32>
    %add3A_165 = arith.addf %add3A_164, %get3A_13 : vector<1000x256xf32>
    %mul3A_166 = arith.constant 5.000000e-01 : f32
    %mul3A_167 = vector.broadcast %mul3A_166 : f32 to vector<1000x256xf32>
    %mul3A_168 = arith.mulf %add3A_165, %mul3A_167 : vector<1000x256xf32>
    %sqrt3A_169 = arith.constant 2.000000e+00 : f32
    %sqrt3A_170 = math.sqrt %sqrt3A_169 : f32
    %div3A_171 = vector.broadcast %sqrt3A_170 : f32 to vector<1000x256xf32>
    %div3A_172 = arith.divf %add3A_165, %div3A_171 : vector<1000x256xf32>
    %erf3A_173 = math.erf %div3A_172 : vector<1000x256xf32>
    %add3A_174 = arith.constant 1.000000e+00 : f32
    %add3A_175 = vector.broadcast %add3A_174 : f32 to vector<1000x256xf32>
    %add3A_176 = arith.addf %add3A_175, %erf3A_173 : vector<1000x256xf32>
    %mul3A_177 = arith.mulf %mul3A_168, %add3A_176 : vector<1000x256xf32>
    %mul3A_178 = arith.mulf %mul3A_177, %mul3A_177 : vector<1000x256xf32>
    %reduce_sum3A_179 = arith.constant dense<0.000000e+00> : vector<1000xf32>
    %reduce_sum3A_180 = vector.multi_reduction <add>, %mul3A_178, %reduce_sum3A_179 [1] : vector<1000x256xf32> to vector<1000xf32>
    %broadcast_in_dim3A_181 = vector.shape_cast %reduce_sum3A_180 : vector<1000xf32> to vector<1000x1xf32>
    %sqrt3A_182 = math.sqrt %broadcast_in_dim3A_181 : vector<1000x1xf32>
    %max3A_183 = arith.constant 9.99999971E-10 : f32
    %max3A_184 = vector.broadcast %max3A_183 : f32 to vector<1000x1xf32>
    %max3A_185 = arith.maximumf %sqrt3A_182, %max3A_184 : vector<1000x1xf32>
    %div3A_186 = vector.broadcast %max3A_185 : vector<1000x1xf32> to vector<1000x256xf32>
    %div3A_187 = arith.divf %mul3A_177, %div3A_186 : vector<1000x256xf32>
    %swap3A_188 = arith.constant 0 : index
    %swap3A_189 = arith.constant 0 : index
    %swap3A_190 = vector.load %arg10[%swap3A_188, %swap3A_189] : memref<1000x256xf32, #tpu.memory_space<vmem>>, vector<1000x256xf32>
    tpu.vector_store %arg10[%swap3A_188, %swap3A_189], %div3A_187 {strides = array<i32>} : memref<1000x256xf32, #tpu.memory_space<vmem>>, vector<1000x256xf32>,
    return
  }
  func.func @transform_0(%arg0: i32) -> (i32, i32) {
    %c0_i32 = arith.constant 0 : i32
    %c0_i32_0 = arith.constant 0 : i32
    return %arg0, %c0_i32 : i32, i32
  }
  func.func @transform_1(%arg0: i32) -> (i32, i32) {
    %c0_i32 = arith.constant 0 : i32
    %c0_i32_0 = arith.constant 0 : i32
    return %arg0, %c0_i32 : i32, i32
  }
  func.func @transform_2(%arg0: i32) -> (i32, i32) {
    %c0_i32 = arith.constant 0 : i32
    %c0_i32_0 = arith.constant 0 : i32
    return %arg0, %c0_i32 : i32, i32
  }
  func.func @transform_3(%arg0: i32) -> (i32, i32) {
    %c0_i32 = arith.constant 0 : i32
    %c0_i32_0 = arith.constant 0 : i32
    return %arg0, %c0_i32 : i32, i32
  }
  func.func @transform_4(%arg0: i32) -> (i32, i32) {
    %c0_i32 = arith.constant 0 : i32
    %c0_i32_0 = arith.constant 0 : i32
    return %arg0, %c0_i32 : i32, i32
  }
  func.func @transform_5(%arg0: i32) -> (i32, i32, i32) {
    %c0_i32 = arith.constant 0 : i32
    %c0_i32_0 = arith.constant 0 : i32
    %c0_i32_1 = arith.constant 0 : i32
    %c0_i32_2 = arith.constant 0 : i32
    return %c0_i32, %c0_i32_0, %c0_i32_1 : i32, i32, i32
  }
  func.func @transform_6(%arg0: i32) -> (i32, i32, i32) {
    %c0_i32 = arith.constant 0 : i32
    %c0_i32_0 = arith.constant 0 : i32
    %c0_i32_1 = arith.constant 0 : i32
    %c0_i32_2 = arith.constant 0 : i32
    return %c0_i32, %c0_i32_0, %c0_i32_1 : i32, i32, i32
  }
  func.func @transform_7(%arg0: i32) -> (i32, i32) {
    %c0_i32 = arith.constant 0 : i32
    %c0_i32_0 = arith.constant 0 : i32
    %c0_i32_1 = arith.constant 0 : i32
    return %c0_i32, %c0_i32_0 : i32, i32
  }
  func.func @transform_8(%arg0: i32) -> (i32, i32) {
    %c0_i32 = arith.constant 0 : i32
    %c0_i32_0 = arith.constant 0 : i32
    return %arg0, %c0_i32 : i32, i32
  }
  func.func @transform_9(%arg0: i32) -> (i32, i32) {
    %c0_i32 = arith.constant 0 : i32
    %c0_i32_0 = arith.constant 0 : i32
    return %arg0, %c0_i32 : i32, i32
  }
  func.func @transform_10(%arg0: i32) -> (i32, i32) {
    %c0_i32 = arith.constant 0 : i32
    %c0_i32_0 = arith.constant 0 : i32
    return %arg0, %c0_i32 : i32, i32
  }
}

</mosaic_0001>

<sc_bundles>
// kernel: kernel.5.cloned.1.call-start
scs
__scs_entry_jumppad:
0x0: {  	(pc) =	sbr.rel $0x88, $3  }
0x1: {  	(tag) =	ssettag $0x0;
	lr =	simm.s32 $0x1  }
0x2: {  	[smem:$0x3F8E] =	sst lr;
	_ =	strace $0xD0000000  }
0x3: {  	_ = 	snop  }
0x4: {  	_ = 	snop  }
0x5: {  	_ = 	snop  }
0x6: {  	_ = 	snop  }
0x7: {  	_ = 	snop  }
__scs_overlays_trampoline_lowered:
0x8: {  	[smem:$0x3F9D] =	sst s0  }
0x9: {  	[smem:$0x3F9E] =	sst s1  }
0xa: {  	[smem:$0x3F9F] =	sst s2  }
0xb: {  	[smem:$0x3FA0] =	sst s3  }
0xc: {  	[smem:$0x3FA1] =	sst s4  }
0xd: {  	[smem:$0x3FA2] =	sst s5  }
0xe: {  	[smem:$0x3FA3] =	sst s6  }
0xf: {  	[smem:$0x3FA4] =	sst s7  }
0x10: {  	[smem:$0x3FA5] =	sst s8  }
0x11: {  	[smem:$0x3FA6] =	sst s9;
	s0 =	simm.s32 @!p0 $0x0  }
0x12: {  	s1 =	sld [smem:$0x3F8C];
	s0 =	simm.s32 @p0 $0x1  }
0x13: {  	[smem:$0x3FA7] =	sst s0;
	s0 =	simm.s32 @!p1 $0x0  }
0x14: {  	s2 =	sld [smem:$0x3F8B];
	s0 =	simm.s32 @p1 $0x1  }
0x15: {  	[smem:$0x3FA8] =	sst s0;
	s0 =	simm.s32 @!p2 $0x0  }
0x16: {  	s3 =	sld [smem:$0x3FDB];
	s0 =	simm.s32 @p2 $0x1  }
0x17: {  	s4 =	simm.s32 $0x1BF5;
	[smem:$0x3FAA] =	sst s0  }
0x18: {  	s0 =	sld [smem:$0x3F8D];
	_ =	swait.ge [sflag:s4], $0x0  }
0x19: {  	s7 =	sld [smem:$0x3F8E]  }
0x1a: {  	s8 =	sadd.s32 $0xFFFFE003, lr  }
0x1b: {  	s9 =	sadd.s32 $0xFFFFFEF7, lr;
	s5 =	simm.s32 $0xFFFFFFFF;
	p2 =	slt.u32 s8, $0xFFFFF086  }
0x1c: {  	p1 =	slt.u32 s9, $0xF7A;
	s5 =	simm.s32 @!p2 $0x0  }
0x1d: {  	s5 =	simm.s32 @p1 $0x1;
	p0 =	seq.s32 s7, s2  }
0x1e: {  	s7 =	smul.u32 @!p0 $0xF7A, s2;
	p2 =	seq.s32 @!p0 s5, $0x0  }
0x1f: {  	s9 =	smul.u32 $0xF7A, s1;
	s8 =	simm.s32 @!p0 $0x1BF5;
	p2 =	por !p2, p0  }
0x20: {  	[sflag:s8] =	ssyncset.s32 @!p0 $0xFFFFF086;
	s6 =	sadd.s32 @!p0 s3, s7;
	s7 =	simm.s32 @!p0 $0x108  }
0x21: {  	s3 =	sadd.s32 s3, s9;
	s6 =	sadd.s32 @!p0 $0x88, s6;
	s7 =	simm.s32 @p2 $0x1082  }
0x22: {  	[simem:s7], [sflag:s8] =	dma.local @!p0 [hbm:s6], $0xF7A  }
0x23: {  	s9 =	sor.u32 $0xD0000000, s2;
	s6 =	simm.s32 $0x108;
	_ =	swait.ge @!p0 [sflag:s8], $0x0  }
0x24: {  	s3 =	sadd.s32 $0x88, s3;
	s6 =	simm.s32 @!p1 $0x1082;
	[sflag:s4] =	ssyncset.s32 $0xFFFFF086  }
0x25: {  	[simem:s6], [sflag:s4] =	dma.local [hbm:s3], $0xF7A  }
0x26: {  	[smem:$0x3F8E] =	sst s1;
	(tag) =	ssettag s2;
	_ =	strace s9  }
0x27: {  	s1 =	sld [smem:$0x3F9E]  }
0x28: {  	s2 =	sld [smem:$0x3F9F]  }
0x29: {  	s4 =	sld [smem:$0x3FA1]  }
0x2a: {  	p0 =	seq.s32 s5, $0x0;
	s5 =	sld [smem:$0x3FA2]  }
0x2b: {  	s6 =	sld [smem:$0x3FA3]  }
0x2c: {  	s7 =	sld [smem:$0x3FA4]  }
0x2d: {  	s3 =	simm.s32 $0x108;
	s8 =	sld [smem:$0x3FA5]  }
0x2e: {  	s3 =	simm.s32 @!p0 $0x1082;
	s9 =	sld [smem:$0x3FA6]  }
0x2f: {  	lr =	sadd.s32 s0, s3;
	s0 =	sld [smem:$0x3F9D]  }
0x30: {  	s3 =	sld [smem:$0x3FA0]  }
0x31: {  	[smem:$0x3FA9] =	sst s10  }
0x32: {  	s10 =	sld [smem:$0x3FA7];
	_ =	sdelay $0x3  }
0x33: {  	p0 =	seq.s32 s10, $0x1;
	s10 =	sld [smem:$0x3FA9];
	_ =	sdelay $0x3  }
0x34: {  	[smem:$0x3FA9] =	sst s10  }
0x35: {  	s10 =	sld [smem:$0x3FA8];
	_ =	sdelay $0x3  }
0x36: {  	p1 =	seq.s32 s10, $0x1;
	s10 =	sld [smem:$0x3FA9];
	_ =	sdelay $0x3  }
0x37: {  	[smem:$0x3FA9] =	sst s10  }
0x38: {  	s10 =	sld [smem:$0x3FAA]  }
0x39: {  	_ = 	snop;
	(pc) =	sbr.ind lr, $3  }
0x3a: {  	_ = 	snop  }
0x3b: {  	_ = 	snop  }
0x3c: {  	p2 =	seq.s32 s10, $0x1;
	s10 =	sld [smem:$0x3FA9]  }
0x3d: {  	_ =	shalt  }
0x3e: {  	_ =	shalt  }
0x3f: {  	_ =	shalt  }
0x40: {  	_ =	shalt  }
0x41: {  	_ =	shalt  }
0x42: {  	_ =	shalt  }
0x43: {  	_ =	shalt  }
0x44: {  	_ =	shalt  }
0x45: {  	_ =	shalt  }
0x46: {  	_ =	shalt  }
0x47: {  	_ =	shalt  }
0x48: {  	_ =	shalt  }
0x49: {  	_ =	shalt  }
0x4a: {  	_ =	shalt  }
0x4b: {  	_ =	shalt  }
0x4c: {  	_ =	shalt  }
0x4d: {  	_ =	shalt  }
0x4e: {  	_ =	shalt  }
0x4f: {  	_ =	shalt  }
0x50: {  	_ =	shalt  }
0x51: {  	_ =	shalt  }
0x52: {  	_ =	shalt  }
0x53: {  	_ =	shalt  }
0x54: {  	_ =	shalt  }
0x55: {  	_ =	shalt  }
0x56: {  	_ =	shalt  }
0x57: {  	_ =	shalt  }
0x58: {  	_ =	shalt  }
0x59: {  	_ =	shalt  }
0x5a: {  	_ =	shalt  }
0x5b: {  	_ =	shalt  }
0x5c: {  	_ =	shalt  }
0x5d: {  	_ =	shalt  }
0x5e: {  	_ =	shalt  }
0x5f: {  	_ =	shalt  }
0x60: {  	_ =	shalt  }
0x61: {  	_ =	shalt  }
0x62: {  	_ =	shalt  }
0x63: {  	_ =	shalt  }
0x64: {  	_ =	shalt  }
0x65: {  	_ =	shalt  }
0x66: {  	_ =	shalt  }
0x67: {  	_ =	shalt  }
0x68: {  	_ =	shalt  }
0x69: {  	_ =	shalt  }
0x6a: {  	_ =	shalt  }
0x6b: {  	_ =	shalt  }
0x6c: {  	_ =	shalt  }
0x6d: {  	_ =	shalt  }
0x6e: {  	_ =	shalt  }
0x6f: {  	_ =	shalt  }
0x70: {  	_ =	shalt  }
0x71: {  	_ =	shalt  }
0x72: {  	_ =	shalt  }
0x73: {  	_ =	shalt  }
0x74: {  	_ =	shalt  }
0x75: {  	_ =	shalt  }
0x76: {  	_ =	shalt  }
0x77: {  	_ =	shalt  }
0x78: {  	_ =	shalt  }
0x79: {  	_ =	shalt  }
0x7a: {  	_ =	shalt  }
0x7b: {  	_ =	shalt  }
0x7c: {  	_ =	shalt  }
0x7d: {  	_ =	shalt  }
0x7e: {  	_ =	shalt  }
0x7f: {  	_ =	shalt  }
0x80: {  	_ =	shalt  }
0x81: {  	_ =	shalt  }
0x82: {  	_ =	shalt  }
0x83: {  	_ =	shalt  }
0x84: {  	_ =	shalt  }
0x85: {  	_ =	shalt  }
0x86: {  	_ =	shalt  }
0x87: {  	_ =	shalt  }
.Lfunc_end0:
.L_simem_size_0:
called_computation_lowered:
.L_overlay_start_0:
0x88: {  	s2 =	sld [smem:$0x3FD9]  }
0x89: {  	s3 =	sld [smem:$0x3FFE];
	_ =	sdelay $0x1  }
0x8a: {  	s1 =	srdreg.scid  }
0x8b: {  	s0 =	sand.u32 $0x1, s1  }
0x8c: {  	s14 =	sshll.u32 s0, $0xA;
	s2 =	sadd.s32 s3, s2  }
0x8d: {  	s2 =	sadd.s32 s2, s14  }
0x8e: {  	[smem:$0x3FB5] =	sst s2  }
0x8f: {  	_ = 	snop  }
0x90: {  	s2 =	sld [smem:$0x3FD0];
	_ =	sdelay $0x2  }
0x91: {  	s15 =	simm.s32 $0xA;
	s4 =	simm.s32 $0x10  }
0x92: {  	[smem:s4], [sflag:s15] =	dma.local [hbm:s2], $0x1  }
0x93: {  	_ =	swait.eq [sflag:s15], $0x1  }
0x94: {  	[sflag:s15] =	ssyncset.done $0x0  }
0x95: {  	s16 =	sld [smem:$0x11];
	[sflag:s15] =	ssyncadd.s32 $0xFFFFFFFF  }
0x96: {  	s17 =	sld [smem:$0x12];
	(tm) =	ssettm $0x1  }
0x97: {  	s18 =	sld [smem:$0x3FFB];
	_ =	sdelay $0x3  }
0x98: {  	_ =	strace s18  }
0x99: {  	s4 =	sld [smem:$0x3FFC];
	_ =	sdelay $0x3  }
0x9a: {  	_ =	strace s4  }
0x9b: {  	s4 =	sld [smem:$0x3FFD];
	_ =	sdelay $0x3  }
0x9c: {  	_ =	strace s4  }
0x9d: {  	_ =	strace $0x8FFFFFFF  }
0x9e: {  	s19 =	sld [smem:$0x3FDB];
	_ =	sdelay $0x1  }
0x9f: {  	s5 =	simm.s32 $_scs_section_size  }
0xa0: {  	s6 =	simm.s32 $_size__tile_overlayer_lowered;
	s7 =	simm.s32 $_tile_overlayer_lowered  }
0xa1: {  	s22 =	simm.s32 $0x1BFF;
	s21 =	sshll.u32 s7, $0x1;
	s4 =	sadd.s32 s5, s19  }
0xa2: {  	s8 =	simm.s32 $0x0;
	s20 =	sshll.u32 s6, $0x1;
	s6 =	sadd.s32 s21, s4  }
0xa3: {  	[timem:s8], [sflag:s22] =	dma.local [hbm:s6], s20  }
0xa4: {  	_ =	swait.ge [sflag:s22], s20  }
0xa5: {  	s5 =	ssub.s32 $0x0, s20;
	[sflag:s22] =	ssyncset.done $0x0  }
0xa6: {  	[sflag:s22] =	ssyncadd.s32 s5;
	_ =	sdelay $0x1  }
0xa7: {  	s23 =	simm.s32 $0x1B8B  }
0xa8: {  	_ =	swait.ge [sflag:s23], $0x1  }
0xa9: {  	[sflag:s23] =	ssyncset.done $0x0  }
0xaa: {  	s25 =	simm.s32 $0x1B8E;
	s24 =	sld [smem:$0x3FFE];
	[sflag:s23] =	ssyncadd.s32 $0xFFFFFFFF  }
0xab: {  	s26 =	simm.s32 $execute0_lowered;
	[smem:$0x3FD2] =	sst s25  }
0xac: {  	s6 =	sshll.u32 s26, $0x1;
	_ =	strace $0x80000046;
	[dreg:$0x1] =	wrdreg $0xFFFFFFFF  }
0xad: {  	s28 =	simm.s32 $_size_execute0_lowered;
	s4 =	sadd.s32 s4, s6;
	[dreg:$0x0] =	wrdreg $0x0  }
0xae: {  	s6 =	sshll.u32 s28, $0x1;
	[dreg:$0x2] =	wrdreg s4  }
0xaf: {  	[dreg:$0x3] =	wrdreg s6  }
0xb0: {  	[dreg:$0x4] =	wrdreg $0xC0  }
0xb1: {  	_ =	task [dreg:s8], $0x5FFFF  }
0xb2: {  	[dreg:$0x1] =	wrdreg $0xFFFFFFFF  }
0xb3: {  	[dreg:$0x0] =	wrdreg $0x60  }
0xb4: {  	[dreg:$0x2] =	wrdreg s24  }
0xb5: {  	[dreg:$0x3] =	wrdreg s17  }
0xb6: {  	[dreg:$0x4] =	wrdreg s16  }
0xb7: {  	[dreg:$0x5] =	wrdreg $0x0  }
0xb8: {  	[dreg:$0x6] =	wrdreg $0xA0000  }
0xb9: {  	[dreg:$0x7] =	wrdreg $0x9  }
0xba: {  	_ =	task.clear_ibuf [dreg:s8], $0x8FFFF;
	_ =	strace $0x90000046  }
0xbb: {  	s29 =	simm.s32 $0x9;
	_ =	strace $0x80000048  }
0xbc: {  	_ =	swait.ge [sflag:s29], $0x1  }
0xbd: {  	[sflag:s29] =	ssyncadd.s32 $0xFFFFFFFF  }
0xbe: {  	_ =	strace $0x90000048  }
0xbf: {  	_ =	sfence  }
0xc0: {  	s30 =	sld [smem:$0x0];
	_ =	sdelay $0x2  }
0xc1: {  	s31 =	sshll.u32 s1, $0xD;
	s1 =	sshrl.u32 s1, $0x2  }
0xc2: {  	s3 =	sand.u32 $0x4000, s31;
	s1 =	sadd.s32 s1, s30  }
0xc3: {  	s0 =	sor.u32 s3, s0;
	s1 =	sshll.u32 s1, $0x11  }
0xc4: {  	s0 =	sor.u32 s1, s0  }
0xc5: {  	s0 =	sadd.s32 $0x8F2B, s0  }
0xc6: {  	[sflag:s0] =	ssyncadd.remote.s32 $0x1  }
0xc7: {  	_ =	sfence.sel $0xFFFF  }
0xc8: {  	[dreg:$0x0] =	wrdreg $0xFFFFFFFF;
	(pc) =	sbr.abs _section_cstart, $3  }
0xc9: {  	[dreg:$0x1] =	wrdreg $0xFFFFFFFF  }
0xca: {  	_ =	task.clear_ibuf [dreg:s8], $0x2FFFF;
	_ =	strace $0x9FFFFFFF  }
0xcb: {  	(tm) =	ssettm $0x7FFFFFFF  }
tec
execute0_lowered:
.L_overlay_start_1:
0x0: {  	(tag) =	ssettag $0x1  }
0x1: {  	s0 =	rddreg [dreg:$0x0]  }
0x2: {  	s2 =	rddreg [dreg:$0x2]  }
0x3: {  	s3 =	rddreg [dreg:$0x3]  }
0x4: {  	s4 =	rddreg [dreg:$0x4]  }
0x5: {  	s5 =	simm.s32 $0x0;
	s1 =	srdreg.scid;
	s9 =	stileid.u32  }
0x6: {  	s28 =	simm.s32 $0x118A0;
	s29 =	simm.s32 $0x11A30;
	s30 =	simm.s32 $0x190  }
0x7: {  	s31 =	simm.s32 $0x12200;
	s17 =	simm.s32 $0x11BC0;
	s11 =	simm.s32 $0x11D50  }
0x8: {  	[smem:$0x7FF] =	sst s5;
	s6 =	sadd.s32 $0x189200, s0;
	s7 =	sadd.s32 $0x50A00, s0  }
0x9: {  	s18 =	sadd.s32 $0x53200, s0;
	_ =	strace $0x80000047;
	[dreg:$0x6] =	wrdreg s7  }
0xa: {  	s1 =	sand.u32 $0x1, s1;
	s19 =	sadd.s32 $0x53400, s0;
	[dreg:$0x7] =	wrdreg s18  }
0xb: {  	s8 =	sadd.s32 $0x53E00, s0;
	s10 =	smul.u32 $0xA000, s9;
	[dreg:$0x8] =	wrdreg s19  }
0xc: {  	s0 =	sadd.s32 $0x54000, s0;
	s24 =	smul.u32 $0x2710, s9;
	[dreg:$0x9] =	wrdreg s8  }
0xd: {  	s23 =	smul.u32 $0xA00, s9;
	s9 =	simm.s32 $0x12070;
	[dreg:$0xb] =	wrdreg s0  }
0xe: {  	s20 =	ssub.s32 $0x2, s1;
	s1 =	sshll.u32 s1, $0x1;
	[dreg:$0xc] =	wrdreg s24  }
0xf: {  	s7 =	simm.s32 $0xF0A0;
	s8 =	simm.s32 $0x0;
	[dreg:$0xd] =	wrdreg s1  }
0x10: {  	s21 =	sshrl.u32 s20, $0x1;
	s25 =	sadd.s32 $0x5000, s10;
	[dreg:$0xa] =	wrdreg s10  }
0x11: {  	s12 =	sadd.s32 s10, s3;
	s26 =	sshrl.u32 s23, $0x2;
	s24 =	simm.s32 $0x12520  }
0x12: {  	s22 =	ssub.s32 s20, s21;
	[dreg:$0xe] =	wrdreg s25;
	s13 =	sadd.s32 s25, s3  }
0x13: {  	s1 =	sadd.s32 s26, s4;
	s25 =	simm.s32 $0xA280;
	[dreg:$0xf] =	wrdreg s12  }
0x14: {  	s26 =	simm.s32 $0xC990;
	s20 =	simm.s32 $0x18920;
	[dreg:$0x11] =	wrdreg s1  }
0x15: {  	s21 =	simm.s32 $0x11EE0;
	s0 =	smax.u32 s22, $0x1;
	[dreg:$0x10] =	wrdreg s13  }
0x16: {  	s22 =	simm.s32 $0x2;
	s1 =	simm.s32 $0x1;
	[dreg:$0x12] =	wrdreg s0  }
.LBB2_1:
0x17: {  	[dreg:$0x13] =	wrdreg s8  }
0x18: {  	s0 =	rddreg [dreg:$0x7];
	s18 =	simm.s32 $0x1EFA0  }
0x19: {  	[tilespmem:s18], [sflag:$0x2] =	stream.linear.gather [hbm4b:s0+s5], $0x10, $0x38;
	[tilespmem:$0x1EFB0] =	vst v63  }
0x1a: {  	_ =	swait.ge [sflag:s22], $0x10  }
0x1b: {  	[sflag:s22] =	ssyncset.done $0x0  }
0x1c: {  	s23 =	simm.s32 $0x1ED20;
	s19 =	rddreg [dreg:$0x9];
	[sflag:s22] =	ssyncadd.s32 $0xFFFFFFF0  }
0x1d: {  	[tilespmem:s23], [sflag:$0x2] =	stream.linear.gather [hbm4b:s19+s5], $0x280, $0x38;
	[tilespmem:$0x1EFB0] =	vst v63  }
0x1e: {  	_ =	swait.ge [sflag:s22], $0x280  }
0x1f: {  	[sflag:s22] =	ssyncset.done $0x0  }
0x20: {  	s8 =	simm.s32 $0x0;
	[sflag:s22] =	ssyncadd.s32 $0xFFFFFD80  }
.LBB2_2:
0x21: {  	s15 =	simm.s32 $0x0;
	s0 =	rddreg [dreg:$0x8]  }
0x22: {  	[tilespmem:s24], [sflag:$0x2] =	stream.linear.gather [hbm4b:s0+s15], $0x5000, $0x38;
	[tilespmem:$0x1EFB0] =	vst v63  }
0x23: {  	_ =	swait.ge [sflag:s22], $0x5000  }
0x24: {  	[sflag:s22] =	ssyncset.done $0x0  }
0x25: {  	[sflag:s22] =	ssyncadd.s32 $0xFFFFB000  }
0x26: {  	[spmem:s12] =	stream.linear.scatter [tilespmem:s24], [sflag:$0x2], $0x5000, $0x38;
	[tilespmem:$0x1EFB0] =	vst v63  }
0x27: {  	_ =	swait.ge [sflag:s22], $0x5000  }
0x28: {  	[dreg:$0x14] =	wrdreg s8;
	[sflag:s22] =	ssyncset.done $0x0  }
0x29: {  	s12 =	sand.u32 $0x1, s8;
	s16 =	rddreg [dreg:$0xd];
	[sflag:s22] =	ssyncadd.s32 $0xFFFFB000  }
0x2a: {  	[spmem:s13] =	stream.linear.scatter [tilespmem:s24], [sflag:$0x2], $0x5000, $0x38;
	[tilespmem:$0x1EFB0] =	vst v63  }
0x2b: {  	s14 =	sshrl.u32 s8, $0x1;
	s8 =	sor.u32 s16, s12;
	_ =	swait.ge [sflag:s22], $0x5000  }
0x2c: {  	s10 =	simm.s32 $0x1ED20;
	[dreg:$0x16] =	wrdreg s8;
	[sflag:s22] =	ssyncset.done $0x0  }
0x2d: {  	s18 =	sshll.u32 s14, $0x2;
	s19 =	rddreg [dreg:$0x11];
	[sflag:s22] =	ssyncadd.s32 $0xFFFFB000  }
0x2e: {  	[spmem:s19] =	stream.linear.scatter [tilespmem:s10], [sflag:$0x2], $0x280, $0x38;
	[tilespmem:$0x1EFB0] =	vst v63  }
0x2f: {  	s0 =	sor.u32 s8, s18;
	_ =	swait.ge [sflag:s22], $0x280  }
0x30: {  	s12 =	smul.u32 $0x2710, s0;
	[sflag:s22] =	ssyncset.done $0x0  }
0x31: {  	[sflag:s22] =	ssyncadd.s32 $0xFFFFFD80  }
0x32: {  	s23 =	sshrl.u32 s12, $0x3;
	s13 =	rddreg [dreg:$0x1]  }
0x33: {  	s10 =	sadd.s32 s13, s23  }
0x34: {  	[tilespmem:s25], [sflag:$0x2] =	stream.linear.gather [hbm4b:s10+s15], $0x2710, $0x38;
	[tilespmem:$0x1EFB0] =	vst v63  }
0x35: {  	_ =	swait.ge [sflag:s22], $0x2710  }
0x36: {  	[sflag:s22] =	ssyncset.done $0x0;
	s16 =	rddreg [dreg:$0x6]  }
0x37: {  	v0 =	vmov s0;
	[sflag:s22] =	ssyncadd.s32 $0xFFFFD8F0;
	s8 =	sadd.s32 s16, s23  }
0x38: {  	[tilespmem:s26], [sflag:$0x2] =	stream.linear.gather [hbm4b:s8+s15], $0x2710, $0x38;
	[tilespmem:$0x1EFB0] =	vst v63  }
0x39: {  	_ =	swait.ge [sflag:s22], $0x2710  }
0x3a: {  	[sflag:s22] =	ssyncset.done $0x0  }
0x3b: {  	s19 =	simm.s32 $0x1EFA0;
	[sflag:s22] =	ssyncadd.s32 $0xFFFFD8F0  }
0x3c: {  	v0 =	vld.idx.msk [tilespmem:v0+s19+$0x0], $0xffff  }
0x3d: {  	[dreg:$0x15] =	wrdreg s14  }
0x3e: {  	s18 =	smul.u32 $0x4E200, s14;
	[bflag:$0x0] =	sbarrier.arrive $0xFFFF  }
0x3f: {  	s23 =	rddreg [dreg:$0xc]  }
0x40: {  	s13 =	sadd.s32 s23, s18  }
.LBB2_3:
0x41: {  	s0 =	smul.u32 $0x190, s15;
	_ =	sdelay $0x1  }
0x42: {  	s0 =	sadd.s32 s0, s13  }
0x43: {  	s0 =	sshrl.u32 s0, $0x3  }
0x44: {  	s0 =	sadd.s32 s2, s0  }
0x45: {  	[tilespmem:s28], [sflag:$0x2] =	stream.linear.gather [hbm4b:s0+s5], $0x190, $0x38;
	[tilespmem:$0x1EFB0] =	vst v63  }
0x46: {  	_ =	swait.ge [sflag:s22], $0x190  }
0x47: {  	[sflag:s22] =	ssyncset.done $0x0  }
0x48: {  	s0 =	sadd.s32 $0x4E20, s0;
	[sflag:s22] =	ssyncadd.s32 $0xFFFFFE70  }
0x49: {  	[tilespmem:s29], [sflag:$0x2] =	stream.linear.gather [hbm4b:s0+s5], $0x190, $0x38;
	[tilespmem:$0x1EFB0] =	vst v63  }
0x4a: {  	_ =	swait.ge [sflag:s22], $0x190  }
0x4b: {  	[sflag:s22] =	ssyncset.done $0x0  }
0x4c: {  	s16 =	simm.s32 $0x118C0;
	[sflag:s22] =	ssyncadd.s32 $0xFFFFFE70  }
0x4d: {  	s8 =	simm.s32 $0x11A50;
	v1 =	vld [tilespmem:s16+$0x10]  }
0x4e: {  	v9 =	vld [tilespmem:s8+$0x10]  }
0x4f: {  	v12 =	vld [tilespmem:s8+$0xFFFFFFE0]  }
0x50: {  	v2 =	vld [tilespmem:s16+$0xFFFFFFF0]  }
0x51: {  	v10 =	vld [tilespmem:s8+$0xFFFFFFF0]  }
0x52: {  	v3 =	vld [tilespmem:s16+$0x0]  }
0x53: {  	v13 =	vld [tilespmem:s8+$0x0]  }
0x54: {  	s18 =	simm.s32 $0x11900;
	v4 =	vld [tilespmem:s16+$0xFFFFFFE0]  }
0x55: {  	v17 =	vld [tilespmem:s18+$0x10]  }
0x56: {  	v18 =	vld [tilespmem:s18+$0xFFFFFFF0]  }
0x57: {  	v5 =	vld.idx.msk [tilespmem:v1+s25+$0x0], $0xffff  }
0x58: {  	v6 =	vld.idx.msk [tilespmem:v9+s26+$0x0], $0xffff  }
0x59: {  	v7 =	vld.idx.msk [tilespmem:v12+s26+$0x0], $0xffff  }
0x5a: {  	v8 =	vld.idx.msk [tilespmem:v2+s25+$0x0], $0xffff  }
0x5b: {  	v11 =	vld.idx.msk [tilespmem:v10+s26+$0x0], $0xffff  }
0x5c: {  	v14 =	vld.idx.msk [tilespmem:v3+s25+$0x0], $0xffff  }
0x5d: {  	v15 =	vld.idx.msk [tilespmem:v13+s26+$0x0], $0xffff;
	v5 =	vadd.f32 v6, v5  }
0x5e: {  	s19 =	simm.s32 $0x11A90;
	v16 =	vld.idx.msk [tilespmem:v4+s25+$0x0], $0xffff  }
0x5f: {  	v2 =	vld [tilespmem:s19+$0x10];
	v19 =	vmul.f32 $9.999999770e-03, v5  }
0x60: {  	v1 =	vld [tilespmem:s19+$0xFFFFFFE0];
	v8 =	vadd.f32 v11, v8  }
0x61: {  	v4 =	vld [tilespmem:s19+$0xFFFFFFF0];
	v5 =	vmax.f32 v5, v19  }
0x62: {  	v6 =	vld [tilespmem:s18+$0x0];
	v14 =	vadd.f32 v15, v14;
	v54 =	vmul.f32 $9.999999770e-03, v8;
	v5 =	vsub.f32 v5, v0  }
0x63: {  	v11 =	vld [tilespmem:s18+$0xFFFFFFE0];
	v7 =	vadd.f32 v7, v16  }
0x64: {  	v3 =	vld [tilespmem:s19+$0x0];
	v55 =	vmul.f32 $9.999999770e-03, v14;
	v8 =	vmax.f32 v8, v54;
	v5 =	vmul.f32 $1.442695020e+00, v5  }
0x65: {  	v17 =	vld.idx.msk [tilespmem:v17+s25+$0x0], $0xffff;
	v20 =	vmul.f32 $9.999999770e-03, v7;
	v8 =	vsub.f32 v8, v0  }
0x66: {  	v18 =	vld.idx.msk [tilespmem:v18+s25+$0x0], $0xffff;
	v14 =	vmax.f32 v14, v55;
	(erf) = vpow2.f32 v5  }
0x67: {  	v15 =	vld.idx.msk [tilespmem:v2+s26+$0x0], $0xffff;
	v5 =	vmax.f32 v7, v20;
	v7 =	vmul.f32 $1.442695020e+00, v8;
	v8 =	vsub.f32 v14, v0  }
0x68: {  	v16 =	vld.idx.msk [tilespmem:v1+s26+$0x0], $0xffff;
	v5 =	vsub.f32 v5, v0  }
0x69: {  	v21 =	vld.idx.msk [tilespmem:v4+s26+$0x0], $0xffff;
	v56 =	vmul.f32 $1.442695020e+00, v8  }
0x6a: {  	v6 =	vld.idx.msk [tilespmem:v6+s25+$0x0], $0xffff;
	(erf) = vpow2.f32 v7;
	v7 =	vmul.f32 $1.442695020e+00, v5  }
0x6b: {  	v11 =	vld.idx.msk [tilespmem:v11+s25+$0x0], $0xffff;
	(erf) = vpow2.f32 v56  }
0x6c: {  	s23 =	simm.s32 $0x11940;
	v15 =	vadd.f32 v15, v17;
	v14 =	vld.idx.msk [tilespmem:v3+s26+$0x0], $0xffff;
	(erf) = vpow2.f32 v7  }
0x6d: {  	v17 =	vld [tilespmem:s23+$0xFFFFFFF0]  }
0x6e: {  	v57 =	vld [tilespmem:s23+$0x10];
	s16 =	simm.s32 $0x11AD0;
	v58 =	vmul.f32 $9.999999770e-03, v15  }
0x6f: {  	v18 =	vadd.f32 v21, v18;
	v8 =	vld [tilespmem:s16+$0x10]  }
0x70: {  	v5 =	vld [tilespmem:s16+$0xFFFFFFE0];
	v15 =	vmax.f32 v15, v58;
	v11 =	vadd.f32 v16, v11  }
0x71: {  	s10 =	simm.s32 $0x11BE0;
	v22 =	vmul.f32 $9.999999770e-03, v18;
	v15 =	vsub.f32 v15, v0;
	v7 =	vld [tilespmem:s16+$0xFFFFFFF0];
	v14 =	vadd.f32 v14, v6;
	v16 =	vpop (erf)  }
0x72: {  	s14 =	simm.s32 $0x12220;
	v59 =	vld [tilespmem:s23+$0x0];
	[tilespmem:s10+$0x10] =	vst v16  }
0x73: {  	v23 =	vld [tilespmem:s23+$0xFFFFFFE0];
	v15 =	vmul.f32 $1.442695020e+00, v15;
	v60 =	vmul.f32 $9.999999770e-03, v14;
	v16 =	vmax.f32 v18, v22;
	[tilespmem:s14+$0x10] =	vst v9;
	v9 =	vpop (erf)  }
0x74: {  	v6 =	vld [tilespmem:s16+$0x0];
	v61 =	vmul.f32 $9.999999770e-03, v11;
	v16 =	vsub.f32 v16, v0;
	[tilespmem:s10+$0xFFFFFFF0] =	vst v9;
	v63 =	vpop (erf)  }
0x75: {  	v14 =	vmax.f32 v14, v60;
	[tilespmem:s14+$0xFFFFFFF0] =	vst v10;
	v10 =	vld.idx.msk [tilespmem:v17+s25+$0x0], $0xffff;
	v17 =	vpop (erf);
	(erf) = vpow2.f32 v15  }
0x76: {  	v20 =	vld.idx.msk [tilespmem:v57+s25+$0x0], $0xffff;
	v11 =	vmax.f32 v11, v61;
	v14 =	vsub.f32 v14, v0;
	v16 =	vmul.f32 $1.442695020e+00, v16  }
0x77: {  	v11 =	vsub.f32 v11, v0;
	v62 =	vld.idx.msk [tilespmem:v8+s26+$0x0], $0xffff  }
0x78: {  	v9 =	vld.idx.msk [tilespmem:v5+s26+$0x0], $0xffff;
	v15 =	vmul.f32 $1.442695020e+00, v14;
	(erf) = vpow2.f32 v16  }
0x79: {  	[tilespmem:s10+$0x0] =	vst v63;
	v14 =	vld.idx.msk [tilespmem:v7+s26+$0x0], $0xffff;
	v16 =	vmul.f32 $1.442695020e+00, v11  }
0x7a: {  	[tilespmem:s10+$0xFFFFFFE0] =	vst v17;
	v11 =	vld.idx.msk [tilespmem:v59+s25+$0x0], $0xffff;
	(erf) = vpow2.f32 v15  }
0x7b: {  	[tilespmem:s14+$0x0] =	vst v13;
	v13 =	vld.idx.msk [tilespmem:v23+s25+$0x0], $0xffff;
	(erf) = vpow2.f32 v16  }
0x7c: {  	s0 =	simm.s32 $0x80;
	s8 =	simm.s32 $0x11980;
	[tilespmem:s14+$0xFFFFFFE0] =	vst v12;
	v12 =	vld.idx.msk [tilespmem:v6+s26+$0x0], $0xffff;
	v15 =	vadd.f32 v62, v20  }
.LBB2_4:
0x7d: {  	v16 =	vld [tilespmem:s8+$0x10];
	s16 =	sadd.s32 $0x40, s16  }
0x7e: {  	s10 =	sadd.s32 $0x40, s10;
	v17 =	vld [tilespmem:s16+$0x10];
	v18 =	vmul.f32 $9.999999770e-03, v15;
	v19 =	vpop (erf)  }
0x7f: {  	s0 =	sadd.s32 $0x40, s0;
	s14 =	sadd.s32 $0x40, s14;
	v10 =	vadd.f32 v14, v10;
	v20 =	vld [tilespmem:s16+$0xFFFFFFE0];
	[tilespmem:s10+$0x10] =	vst v19  }
0x80: {  	p0 =	slt.u32 s0, $0x140;
	v14 =	vld [tilespmem:s8+$0xFFFFFFF0];
	v19 =	vmax.f32 v15, v18;
	[tilespmem:s14+$0x10] =	vst v2;
	v2 =	vmov v8  }
0x81: {  	v24 =	vmul.f32 $9.999999770e-03, v10;
	v11 =	vadd.f32 v12, v11;
	v18 =	vld [tilespmem:s16+$0xFFFFFFF0];
	v12 =	vsub.f32 v19, v0;
	v15 =	vpop (erf)  }
0x82: {  	v9 =	vadd.f32 v9, v13;
	v19 =	vld [tilespmem:s8+$0x0];
	[tilespmem:s10+$0xFFFFFFF0] =	vst v15  }
0x83: {  	v23 =	vmax.f32 v10, v24;
	v10 =	vmul.f32 $9.999999770e-03, v11;
	v13 =	vld [tilespmem:s16+$0x0];
	v12 =	vmul.f32 $1.442695020e+00, v12;
	[tilespmem:s14+$0xFFFFFFF0] =	vst v4;
	v4 =	vpop (erf)  }
0x84: {  	v21 =	vmul.f32 $9.999999770e-03, v9;
	v22 =	vsub.f32 v23, v0;
	v8 =	vmov v17;
	v15 =	vld [tilespmem:s8+$0xFFFFFFE0];
	[tilespmem:s10+$0x0] =	vst v4;
	v4 =	vpop (erf)  }
0x85: {  	v10 =	vmax.f32 v11, v10;
	v16 =	vld.idx.msk [tilespmem:v16+s25+$0x0], $0xffff;
	(erf) = vpow2.f32 v12;
	[tilespmem:s10+$0xFFFFFFE0] =	vst v4;
	v4 =	vmov v7  }
0x86: {  	v23 =	vmax.f32 v9, v21;
	v11 =	vmul.f32 $1.442695020e+00, v22;
	v12 =	vsub.f32 v10, v0;
	v17 =	vld.idx.msk [tilespmem:v17+s26+$0x0], $0xffff;
	[tilespmem:s14+$0xFFFFFFE0] =	vst v1  }
0x87: {  	v21 =	vsub.f32 v23, v0;
	v1 =	vmovc v5;
	v5 =	vmov v20;
	v7 =	vmov v18;
	v9 =	vld.idx.msk [tilespmem:v20+s26+$0x0], $0xffff;
	[tilespmem:s14+$0x0] =	vst v3  }
.Ltmp0:
0x88: {  	v12 =	vmul.f32 $1.442695020e+00, v12;
	v3 =	vmovc v6;
	v10 =	vld.idx.msk [tilespmem:v14+s25+$0x0], $0xffff;
	(erf) = vpow2.f32 v11;
	v6 =	vmov v13;
	(pc) =	sbr.rel @p0 .LBB2_4-.Ltmp0, $4  }
0x89: {  	v14 =	vld.idx.msk [tilespmem:v18+s26+$0x0], $0xffff;
	v18 =	vmul.f32 $1.442695020e+00, v21  }
0x8a: {  	v11 =	vld.idx.msk [tilespmem:v19+s25+$0x0], $0xffff;
	(erf) = vpow2.f32 v12  }
0x8b: {  	v12 =	vld.idx.msk [tilespmem:v13+s26+$0x0], $0xffff;
	(erf) = vpow2.f32 v18  }
0x8c: {  	s8 =	sadd.s32 $0x40, s8;
	v13 =	vld.idx.msk [tilespmem:v15+s25+$0x0], $0xffff;
	v15 =	vadd.f32 v17, v16  }
0x8d: {  	_ = 	snop  }
0x8e: {  	v16 =	vmul.f32 $9.999999770e-03, v15  }
0x8f: {  	v10 =	vadd.f32 v14, v10  }
0x90: {  	v57 =	vmax.f32 v15, v16  }
0x91: {  	v58 =	vmul.f32 $9.999999770e-03, v10;
	v11 =	vadd.f32 v12, v11;
	v59 =	vsub.f32 v57, v0  }
0x92: {  	v9 =	vadd.f32 v9, v13  }
0x93: {  	v10 =	vmax.f32 v10, v58;
	v60 =	vmul.f32 $9.999999770e-03, v11;
	v12 =	vmul.f32 $1.442695020e+00, v59  }
0x94: {  	v61 =	vmul.f32 $9.999999770e-03, v9;
	v10 =	vsub.f32 v10, v0  }
0x95: {  	v11 =	vmax.f32 v11, v60;
	(erf) = vpow2.f32 v12  }
0x96: {  	v9 =	vmax.f32 v9, v61;
	v10 =	vmul.f32 $1.442695020e+00, v10;
	v11 =	vsub.f32 v11, v0  }
0x97: {  	s0 =	sadd.s32 $0x40, s10;
	v62 =	vpop (erf);
	v9 =	vsub.f32 v9, v0  }
0x98: {  	s8 =	sadd.s32 $0x40, s14;
	[tilespmem:s0+$0x10] =	vst v62;
	v11 =	vmul.f32 $1.442695020e+00, v11;
	(erf) = vpow2.f32 v10  }
0x99: {  	[tilespmem:s8+$0x10] =	vst v2;
	v2 =	vpop (erf);
	v9 =	vmul.f32 $1.442695020e+00, v9  }
0x9a: {  	[tilespmem:s0+$0xFFFFFFF0] =	vst v2;
	(erf) = vpow2.f32 v11  }
0x9b: {  	[tilespmem:s8+$0xFFFFFFF0] =	vst v4;
	v2 =	vpop (erf);
	(erf) = vpow2.f32 v9  }
0x9c: {  	v63 =	vpop (erf);
	[tilespmem:s0+$0x0] =	vst v2  }
0x9d: {  	[tilespmem:s0+$0xFFFFFFE0] =	vst v63  }
0x9e: {  	[tilespmem:s8+$0x0] =	vst v3  }
0x9f: {  	s0 =	sadd.s32 $0x40, s0;
	[tilespmem:s8+$0xFFFFFFE0] =	vst v1;
	v1 =	vpop (erf)  }
0xa0: {  	s8 =	sadd.s32 $0x40, s8;
	[tilespmem:s0+$0x10] =	vst v1  }
0xa1: {  	[tilespmem:s8+$0x10] =	vst v8;
	v1 =	vpop (erf)  }
0xa2: {  	[tilespmem:s0+$0xFFFFFFF0] =	vst v1  }
0xa3: {  	[tilespmem:s8+$0xFFFFFFF0] =	vst v7;
	v1 =	vpop (erf)  }
0xa4: {  	[tilespmem:s0+$0x0] =	vst v1;
	v1 =	vpop (erf)  }
0xa5: {  	[tilespmem:s0+$0xFFFFFFE0] =	vst v1  }
0xa6: {  	[tilespmem:s8+$0x0] =	vst v6  }
0xa7: {  	[tilespmem:s8+$0xFFFFFFE0] =	vst v5  }
0xa8: {  	v1 =	vld [tilespmem:$0x11A20]  }
0xa9: {  	v2 =	vld [tilespmem:$0x11BB0];
	_ =	sdelay $0x6  }
0xaa: {  	v1 =	vld.idx.msk [tilespmem:v1+s25+$0x0], $0xffff  }
0xab: {  	v3 =	vld.idx.msk [tilespmem:v2+s26+$0x0], $0xffff;
	_ =	sdelay $0x4  }
0xac: {  	v1 =	vadd.f32 v3, v1;
	_ =	sdelay $0x1  }
0xad: {  	v3 =	vmul.f32 $9.999999770e-03, v1;
	_ =	sdelay $0x1  }
0xae: {  	v1 =	vmax.f32 v1, v3  }
0xaf: {  	v1 =	vsub.f32 v1, v0;
	_ =	sdelay $0x1  }
0xb0: {  	v1 =	vmul.f32 $1.442695020e+00, v1;
	_ =	sdelay $0x1  }
0xb1: {  	(erf) = vpow2.f32 v1;
	_ =	sdelay $0x7  }
0xb2: {  	s15 =	sadd.s32 $0x1, s15  }
0xb3: {  	p0 =	sne.s32 s15, $0x19;
	[tilespmem:$0x12380] =	vst v2;
	v1 =	vpop (erf)  }
.Ltmp1:
0xb4: {  	[tilespmem:$0x11D40] =	vst v1;
	(pc) =	sbr.rel @p0 .LBB2_3-.Ltmp1, $4  }
0xb5: {  	[spmem:s4] =	stream.indirect.scatter.add.f32 [tilespmem:s17], [sflag:$0x2], $0x1, s31, s30, $0xb8;
	[tilespmem:$0x1EFB0] =	vst v63  }
0xb6: {  	_ =	swait.ge [sflag:s22], $0x190  }
0xb7: {  	[sflag:s22] =	ssyncset.done $0x0  }
0xb8: {  	[sflag:s22] =	ssyncadd.s32 $0xFFFFFE70  }
0xb9: {  	[bflag:$0x0] =	sbarrier.arrive $0xFFFF  }
0xba: {  	[tilespmem:s7], [sflag:$0x2] =	stream.linear.gather [spmem:s4], $0x2800, $0x38;
	[tilespmem:$0x1EFB0] =	vst v63  }
0xbb: {  	_ =	swait.ge [sflag:s22], $0x2800  }
0xbc: {  	s0 =	sshrl.u32 s13, $0x3;
	[sflag:s22] =	ssyncset.done $0x0  }
0xbd: {  	s0 =	sadd.s32 s2, s0;
	[sflag:s22] =	ssyncadd.s32 $0xFFFFD800  }
0xbe: {  	[tilespmem:s28], [sflag:$0x2] =	stream.linear.gather [hbm4b:s0+s5], $0x190, $0x38;
	[tilespmem:$0x1EFB0] =	vst v63  }
0xbf: {  	_ =	swait.ge [sflag:s22], $0x190  }
0xc0: {  	[sflag:s22] =	ssyncset.done $0x0  }
0xc1: {  	s0 =	sadd.s32 $0x4E20, s0;
	[sflag:s22] =	ssyncadd.s32 $0xFFFFFE70  }
0xc2: {  	[tilespmem:s29], [sflag:$0x2] =	stream.linear.gather [hbm4b:s0+s5], $0x190, $0x38;
	[tilespmem:$0x1EFB0] =	vst v63  }
0xc3: {  	_ =	swait.ge [sflag:s22], $0x190  }
0xc4: {  	[sflag:s22] =	ssyncset.done $0x0  }
0xc5: {  	s19 =	simm.s32 $0x118C0;
	[sflag:s22] =	ssyncadd.s32 $0xFFFFFE70  }
0xc6: {  	s8 =	simm.s32 $0x11A50;
	v10 =	vld [tilespmem:s19+$0x10]  }
0xc7: {  	v16 =	vld [tilespmem:s8+$0x10]  }
0xc8: {  	v3 =	vld [tilespmem:s8+$0xFFFFFFE0]  }
0xc9: {  	v11 =	vld [tilespmem:s19+$0xFFFFFFF0]  }
0xca: {  	v4 =	vld [tilespmem:s8+$0xFFFFFFF0]  }
0xcb: {  	v12 =	vld [tilespmem:s19+$0x0]  }
0xcc: {  	v2 =	vld [tilespmem:s8+$0x0]  }
0xcd: {  	v14 =	vld [tilespmem:s19+$0xFFFFFFE0]  }
0xce: {  	v1 =	vld.idx.msk [tilespmem:v10+s25+$0x0], $0xffff  }
0xcf: {  	v5 =	vld.idx.msk [tilespmem:v16+s26+$0x0], $0xffff  }
0xd0: {  	v8 =	vld.idx.msk [tilespmem:v3+s26+$0x0], $0xffff  }
0xd1: {  	v6 =	vld.idx.msk [tilespmem:v11+s25+$0x0], $0xffff  }
0xd2: {  	v7 =	vld.idx.msk [tilespmem:v4+s26+$0x0], $0xffff  }
0xd3: {  	v9 =	vld.idx.msk [tilespmem:v12+s25+$0x0], $0xffff  }
0xd4: {  	v13 =	vld.idx.msk [tilespmem:v2+s26+$0x0], $0xffff  }
0xd5: {  	v15 =	vld.idx.msk [tilespmem:v14+s25+$0x0], $0xffff  }
0xd6: {  	v17 =	vld.idx.msk [tilespmem:v3+s7+$0x0], $0xffff;
	v1 =	vadd.f32 v5, v1  }
0xd7: {  	v18 =	vld.idx.msk [tilespmem:v16+s7+$0x0], $0xffff  }
0xd8: {  	v20 =	vld.idx.msk [tilespmem:v4+s7+$0x0], $0xffff;
	v19 =	vadd.f32 v7, v6;
	v5 =	vmul.f32 $9.999999770e-03, v1  }
0xd9: {  	s23 =	simm.s32 $0x11900;
	v28 =	vld.idx.msk [tilespmem:v2+s7+$0x0], $0xffff;
	v13 =	vadd.f32 v13, v9  }
0xda: {  	s14 =	simm.s32 $0x11A90;
	v7 =	vld [tilespmem:s23+$0x10];
	v8 =	vadd.f32 v8, v15;
	v21 =	vmul.f32 $9.999999770e-03, v19;
	v1 =	vmax.f32 v1, v5  }
0xdb: {  	v6 =	vld [tilespmem:s14+$0x10];
	v15 =	vmul.f32 $9.999999770e-03, v13;
	v1 =	vsub.f32 v1, v0  }
0xdc: {  	(erf) = vrcp.f32 v18;
	v9 =	vmax.f32 v19, v21;
	v19 =	vld [tilespmem:s23+$0xFFFFFFF0];
	v21 =	vmul.f32 $9.999999770e-03, v8  }
0xdd: {  	v13 =	vmax.f32 v13, v15;
	v22 =	vsub.f32 v9, v0;
	v9 =	vld [tilespmem:s14+$0xFFFFFFF0];
	v1 =	vmul.f32 $1.442695020e+00, v1  }
0xde: {  	v5 =	vld [tilespmem:s14+$0xFFFFFFE0];
	v13 =	vsub.f32 v13, v0  }
0xdf: {  	v15 =	vld [tilespmem:s23+$0x0];
	v18 =	vmul.f32 $1.442695020e+00, v22;
	(erf) = vpow2.f32 v1;
	v1 =	vmax.f32 v8, v21  }
0xe0: {  	v8 =	vld [tilespmem:s14+$0x0];
	v1 =	vsub.f32 v1, v0;
	(erf) = vrcp.f32 v17  }
0xe1: {  	v29 =	vld [tilespmem:s23+$0xFFFFFFE0];
	v13 =	vmul.f32 $1.442695020e+00, v13;
	(erf) = vpow2.f32 v18  }
0xe2: {  	v17 =	vld.idx.msk [tilespmem:v7+s25+$0x0], $0xffff;
	v1 =	vmul.f32 $1.442695020e+00, v1;
	(erf) = vrcp.f32 v20  }
0xe3: {  	v20 =	vld.idx.msk [tilespmem:v6+s26+$0x0], $0xffff;
	(erf) = vpow2.f32 v13  }
0xe4: {  	v25 =	vld.idx.msk [tilespmem:v19+s25+$0x0], $0xffff;
	(erf) = vpow2.f32 v1  }
0xe5: {  	v26 =	vld.idx.msk [tilespmem:v9+s26+$0x0], $0xffff;
	v13 =	vpop (erf);
	(erf) = vrcp.f32 v28  }
0xe6: {  	v18 =	vld.idx.msk [tilespmem:v5+s26+$0x0], $0xffff  }
0xe7: {  	v21 =	vld.idx.msk [tilespmem:v15+s25+$0x0], $0xffff  }
0xe8: {  	v1 =	vmov s12;
	v23 =	vld.idx.msk [tilespmem:v8+s26+$0x0], $0xffff;
	v22 =	vpop (erf)  }
0xe9: {  	v10 =	vadd.s32 v1, v10;
	v30 =	vadd.f32 v20, v17;
	v17 =	vld.idx.msk [tilespmem:v5+s7+$0x0], $0xffff;
	v24 =	vmul.f32 v22, v13;
	v20 =	vpop (erf)  }
0xea: {  	s10 =	simm.s32 $0x11D70;
	v26 =	vadd.f32 v26, v25;
	v13 =	vadd.s32 v1, v11;
	v22 =	vld.idx.msk [tilespmem:v29+s25+$0x0], $0xffff;
	v11 =	vadd.s32 v1, v12;
	v27 =	vpop (erf)  }
0xeb: {  	s12 =	simm.s32 $0x12090;
	v12 =	vadd.s32 v1, v14;
	v14 =	vadd.s32 v1, v19;
	v31 =	vmul.f32 $9.999999770e-03, v30;
	v19 =	vld.idx.msk [tilespmem:v9+s7+$0x0], $0xffff;
	[tilespmem:s10+$0x10] =	vst v24;
	v32 =	vpop (erf)  }
0xec: {  	s15 =	simm.s32 $0x12220;
	v24 =	vld.idx.msk [tilespmem:v6+s7+$0x0], $0xffff;
	[tilespmem:s12+$0x10] =	vst v10;
	v10 =	vadd.s32 v1, v15;
	v27 =	vmul.f32 v27, v32;
	v25 =	vpop (erf)  }
0xed: {  	s16 =	simm.s32 $0x40;
	s8 =	simm.s32 $0x11940;
	v15 =	vadd.s32 v1, v29;
	v29 =	vmax.f32 v30, v31;
	[tilespmem:s15+$0x10] =	vst v16;
	v16 =	vld.idx.msk [tilespmem:v8+s7+$0x0], $0xffff;
	v28 =	vpop (erf)  }
.LBB2_7:
0xee: {  	v30 =	vld [tilespmem:s8+$0x10];
	v31 =	vmul.f32 $9.999999770e-03, v26;
	v21 =	vadd.f32 v23, v21;
	v23 =	vsub.f32 v29, v0;
	s14 =	sadd.s32 $0x40, s14;
	[tilespmem:s10+$0xFFFFFFF0] =	vst v27;
	v27 =	vpop (erf)  }
0xef: {  	v18 =	vadd.f32 v18, v22;
	v20 =	vmul.f32 v28, v20;
	v29 =	vld [tilespmem:s14+$0x10];
	[tilespmem:s12+$0xFFFFFFF0] =	vst v13;
	v22 =	vmul.f32 v25, v27  }
0xf0: {  	v13 =	vmovc v14;
	v25 =	vld [tilespmem:s14+$0xFFFFFFE0];
	v26 =	vmax.f32 v26, v31;
	v27 =	vmul.f32 $9.999999770e-03, v21;
	v23 =	vmul.f32 $1.442695020e+00, v23;
	[tilespmem:s15+$0xFFFFFFF0] =	vst v4;
	v4 =	vmovc v9  }
0xf1: {  	s16 =	sadd.s32 $0x40, s16;
	v14 =	vmul.f32 $9.999999770e-03, v18;
	v28 =	vld [tilespmem:s8+$0xFFFFFFF0];
	v26 =	vsub.f32 v26, v0;
	(erf) = vrcp.f32 v24;
	[tilespmem:s10+$0xFFFFFFE0] =	vst v20  }
0xf2: {  	p0 =	slt.u32 s16, $0x140;
	v9 =	vld [tilespmem:s14+$0xFFFFFFF0];
	v20 =	vmax.f32 v21, v27;
	(erf) = vpow2.f32 v23;
	[tilespmem:s12+$0xFFFFFFE0] =	vst v12;
	v12 =	vmov v15  }
0xf3: {  	v14 =	vmax.f32 v18, v14;
	v21 =	vld [tilespmem:s8+$0x0];
	v15 =	vmul.f32 $1.442695020e+00, v26;
	v18 =	vsub.f32 v20, v0;
	[tilespmem:s15+$0xFFFFFFE0] =	vst v3;
	v3 =	vmovc v5  }
0xf4: {  	v23 =	vsub.f32 v14, v0;
	v20 =	vld [tilespmem:s14+$0x0];
	(erf) = vrcp.f32 v17;
	[tilespmem:s10+$0x0] =	vst v22  }
0xf5: {  	v17 =	vld [tilespmem:s8+$0xFFFFFFE0];
	v18 =	vmul.f32 $1.442695020e+00, v18;
	(erf) = vpow2.f32 v15;
	[tilespmem:s12+$0x0] =	vst v11;
	v5 =	vmovc v25;
	v11 =	vmov v10  }
0xf6: {  	v15 =	vmul.f32 $1.442695020e+00, v23;
	v14 =	vadd.s32 v1, v28;
	v24 =	vld.idx.msk [tilespmem:v30+s25+$0x0], $0xffff;
	(erf) = vrcp.f32 v19;
	[tilespmem:s15+$0x0] =	vst v2;
	v2 =	vmovc v8  }
0xf7: {  	v19 =	vld.idx.msk [tilespmem:v29+s26+$0x0], $0xffff;
	(erf) = vpow2.f32 v18  }
0xf8: {  	v18 =	vld.idx.msk [tilespmem:v25+s26+$0x0], $0xffff;
	v10 =	vadd.s32 v1, v21;
	(erf) = vpow2.f32 v15  }
0xf9: {  	v25 =	vld.idx.msk [tilespmem:v28+s25+$0x0], $0xffff;
	(erf) = vrcp.f32 v16;
	v8 =	vmov v20  }
0xfa: {  	v15 =	vadd.s32 v1, v17;
	v16 =	vld.idx.msk [tilespmem:v9+s26+$0x0], $0xffff;
	v22 =	vpop (erf)  }
0xfb: {  	v21 =	vld.idx.msk [tilespmem:v21+s25+$0x0], $0xffff;
	v26 =	vpop (erf)  }
0xfc: {  	v23 =	vld.idx.msk [tilespmem:v20+s26+$0x0], $0xffff;
	v26 =	vmul.f32 v26, v22  }
.Ltmp2:
0xfd: {  	s10 =	sadd.s32 $0x40, s10;
	v28 =	vadd.f32 v19, v24;
	v22 =	vld.idx.msk [tilespmem:v17+s25+$0x0], $0xffff;
	v20 =	vpop (erf);
	(pc) =	sbr.rel @p0 .LBB2_7-.Ltmp2, $4  }
0xfe: {  	s12 =	sadd.s32 $0x40, s12;
	v19 =	vadd.s32 v1, v7;
	v7 =	vmov v30;
	v17 =	vld.idx.msk [tilespmem:v5+s7+$0x0], $0xffff;
	[tilespmem:s10+$0x10] =	vst v26;
	v27 =	vpop (erf)  }
0xff: {  	s15 =	sadd.s32 $0x40, s15;
	v30 =	vmul.f32 $9.999999770e-03, v28;
	v24 =	vld.idx.msk [tilespmem:v29+s7+$0x0], $0xffff;
	[tilespmem:s12+$0x10] =	vst v19;
	v31 =	vpop (erf)  }
0x100: {  	v26 =	vadd.f32 v16, v25;
	v19 =	vld.idx.msk [tilespmem:v9+s7+$0x0], $0xffff;
	v27 =	vmul.f32 v27, v31;
	[tilespmem:s15+$0x10] =	vst v6;
	v25 =	vpop (erf);
	v6 =	vmov v29  }
0x101: {  	s8 =	sadd.s32 $0x40, s8;
	v29 =	vmax.f32 v28, v30;
	v16 =	vld.idx.msk [tilespmem:v8+s7+$0x0], $0xffff;
	v28 =	vpop (erf)  }
0x102: {  	v30 =	vmul.f32 $9.999999770e-03, v26;
	v48 =	vsub.f32 v29, v0  }
0x103: {  	v21 =	vadd.f32 v23, v21  }
0x104: {  	v18 =	vadd.f32 v18, v22;
	v49 =	vmax.f32 v26, v30;
	v23 =	vmul.f32 $1.442695020e+00, v48  }
0x105: {  	v50 =	vmul.f32 $9.999999770e-03, v21;
	(erf) = vrcp.f32 v24;
	v22 =	vsub.f32 v49, v0  }
0x106: {  	v51 =	vmul.f32 $9.999999770e-03, v18;
	(erf) = vpow2.f32 v23  }
0x107: {  	v21 =	vmax.f32 v21, v50;
	v22 =	vmul.f32 $1.442695020e+00, v22  }
0x108: {  	v18 =	vmax.f32 v18, v51;
	v21 =	vsub.f32 v21, v0;
	(erf) = vrcp.f32 v17  }
0x109: {  	[tilespmem:s10+$0xFFFFFFF0] =	vst v27;
	v54 =	vmul.f32 v28, v20;
	v52 =	vsub.f32 v18, v0;
	(erf) = vpow2.f32 v22  }
0x10a: {  	[tilespmem:s12+$0xFFFFFFF0] =	vst v13;
	v53 =	vmul.f32 $1.442695020e+00, v21;
	(erf) = vrcp.f32 v19  }
0x10b: {  	[tilespmem:s15+$0xFFFFFFF0] =	vst v4;
	v55 =	vmul.f32 $1.442695020e+00, v52  }
0x10c: {  	v56 =	vpop (erf);
	[tilespmem:s10+$0xFFFFFFE0] =	vst v54;
	(erf) = vpow2.f32 v53  }
0x10d: {  	v4 =	vmul.f32 v25, v56;
	[tilespmem:s12+$0xFFFFFFE0] =	vst v12;
	(erf) = vpow2.f32 v55  }
0x10e: {  	[tilespmem:s15+$0xFFFFFFE0] =	vst v3;
	v3 =	vpop (erf)  }
0x10f: {  	[tilespmem:s10+$0x0] =	vst v4;
	v57 =	vpop (erf)  }
0x110: {  	[tilespmem:s12+$0x0] =	vst v11;
	(erf) = vrcp.f32 v16;
	v3 =	vmul.f32 v57, v3  }
0x111: {  	s0 =	sadd.s32 $0x40, s10;
	[tilespmem:s15+$0x0] =	vst v2;
	v58 =	vpop (erf)  }
0x112: {  	v2 =	vpop (erf);
	[tilespmem:s0+$0x10] =	vst v3;
	v3 =	vadd.s32 v1, v7  }
0x113: {  	s8 =	sadd.s32 $0x40, s12;
	v59 =	vpop (erf)  }
0x114: {  	s23 =	sadd.s32 $0x40, s15;
	[tilespmem:s8+$0x10] =	vst v3;
	v2 =	vmul.f32 v2, v59  }
0x115: {  	[tilespmem:s23+$0x10] =	vst v6;
	v3 =	vpop (erf)  }
0x116: {  	v60 =	vpop (erf);
	[tilespmem:s0+$0xFFFFFFF0] =	vst v2  }
0x117: {  	v2 =	vmul.f32 v60, v58;
	[tilespmem:s8+$0xFFFFFFF0] =	vst v14  }
0x118: {  	[tilespmem:s23+$0xFFFFFFF0] =	vst v9  }
0x119: {  	v61 =	vpop (erf);
	[tilespmem:s0+$0xFFFFFFE0] =	vst v2  }
0x11a: {  	v2 =	vmul.f32 v3, v61;
	[tilespmem:s8+$0xFFFFFFE0] =	vst v15  }
0x11b: {  	[tilespmem:s23+$0xFFFFFFE0] =	vst v5  }
0x11c: {  	[tilespmem:s0+$0x0] =	vst v2  }
0x11d: {  	[tilespmem:s8+$0x0] =	vst v10  }
0x11e: {  	[tilespmem:s23+$0x0] =	vst v8  }
0x11f: {  	v2 =	vld [tilespmem:$0x11A20]  }
0x120: {  	v3 =	vld [tilespmem:$0x11BB0];
	_ =	sdelay $0x6  }
0x121: {  	v62 =	vld.idx.msk [tilespmem:v2+s25+$0x0], $0xffff  }
0x122: {  	v5 =	vld.idx.msk [tilespmem:v3+s26+$0x0], $0xffff;
	_ =	sdelay $0x4  }
0x123: {  	v4 =	vadd.f32 v5, v62;
	_ =	sdelay $0x1  }
0x124: {  	v5 =	vmul.f32 $9.999999770e-03, v4;
	_ =	sdelay $0x1  }
0x125: {  	v4 =	vmax.f32 v4, v5  }
0x126: {  	v63 =	vld.idx.msk [tilespmem:v3+s7+$0x0], $0xffff;
	v4 =	vsub.f32 v4, v0;
	_ =	sdelay $0x1  }
0x127: {  	v4 =	vmul.f32 $1.442695020e+00, v4;
	_ =	sdelay $0x1  }
0x128: {  	(erf) = vpow2.f32 v4  }
0x129: {  	(erf) = vrcp.f32 v63;
	_ =	sdelay $0x7  }
0x12a: {  	v4 =	vpop (erf)  }
0x12b: {  	v5 =	vpop (erf)  }
0x12c: {  	v2 =	vadd.s32 v1, v2;
	[tilespmem:$0x12380] =	vst v3;
	v4 =	vmul.f32 v4, v5  }
0x12d: {  	[tilespmem:$0x121F0] =	vst v2  }
0x12e: {  	[tilespmem:$0x11ED0] =	vst v4  }
0x12f: {  	[tilespmem:s24], [sflag:$0x2] =	stream.indirect.gather [hbm4b:s6+s30], $0x40, s9, s30, $0xb8;
	[tilespmem:$0x1EFB0] =	vst v63  }
0x130: {  	_ =	swait.ge [sflag:s22], $0x6400  }
0x131: {  	s16 =	simm.s32 $0x0;
	s19 =	simm.s32 $0x0;
	[sflag:s22] =	ssyncset.done $0x0  }
0x132: {  	s12 =	sadd.s32 $0x190, s13;
	s15 =	sadd.s32 $0x320, s13;
	[sflag:s22] =	ssyncadd.s32 $0xFFFF9C00  }
.LBB2_9:
0x133: {  	v2 =	vmov s16;
	s0 =	simm.s32 $0x1  }
0x134: {  	s13 =	simm.s32 $0x2;
	v2 =	vand.u32 $0xFFFFFFFC, v2;
	v3 =	vmov s0  }
0x135: {  	v4 =	vmov s13;
	v2 =	vbroadcast v2, $0x0;
	v3 =	vand.u32 $0xFFFFFFFD, v3  }
0x136: {  	p0 =	seq.s32 s19, $0x0;
	v4 =	vand.u32 $0xFFFFFFFE, v4;
	v3 =	vbroadcast v3, $0x0  }
0x137: {  	s0 =	simm.s32 @!p0 $0x1;
	v4 =	vbroadcast v4, $0x0  }
0x138: {  	_ =	swait.ge @!p0 [sflag:s0], $0x6400  }
0x139: {  	[sflag:s0] =	ssyncset.done @!p0 $0x0  }
0x13a: {  	[sflag:s0] =	ssyncadd.s32 @!p0 $0xFFFF9C00  }
0x13b: {  	s14 =	simm.s32 $0x3;
	v7 =	vld.idx.msk [tilespmem:v2+s11+$0x0], $0xffff  }
0x13c: {  	v2 =	vmov s14;
	v8 =	vld.idx.msk [tilespmem:v3+s11+$0x0], $0xffff  }
0x13d: {  	s14 =	simm.s32 $0x125A0;
	v11 =	vld.idx.msk [tilespmem:v4+s11+$0x0], $0xffff  }
0x13e: {  	v3 =	vld [tilespmem:s14+$0x0]  }
0x13f: {  	v5 =	vld [tilespmem:s14+$0xFFFFFF80]  }
0x140: {  	v6 =	vld [tilespmem:s14+$0xFFFFFFC0]  }
0x141: {  	v4 =	vld.idx.msk [tilespmem:v2+s11+$0x0], $0xffff  }
0x142: {  	v2 =	vld [tilespmem:s14+$0x40]  }
0x143: {  	s17 =	simm.s32 $0x4;
	v3 =	vmul.f32 v3, v11  }
0x144: {  	s18 =	simm.s32 $0x5;
	s13 =	simm.s32 $0x189A0;
	v9 =	vmov s17;
	v5 =	vmul.f32 v5, v7  }
0x145: {  	s8 =	simm.s32 $0x7;
	v10 =	vmov s18;
	v9 =	vand.u32 $0xFFFFFFFC, v9;
	v6 =	vmul.f32 v6, v8;
	[tilespmem:s13+$0x0] =	vst v3  }
0x146: {  	v10 =	vand.u32 $0xFFFFFFFD, v10;
	v9 =	vbroadcast v9, $0x0;
	v3 =	vmov s8;
	[tilespmem:s13+$0xFFFFFF80] =	vst v5;
	v5 =	vld [tilespmem:s14+$0x10]  }
0x147: {  	v10 =	vbroadcast v10, $0x0;
	[tilespmem:s13+$0xFFFFFFC0] =	vst v6;
	v12 =	vld [tilespmem:s14+$0xFFFFFF90];
	v2 =	vmul.f32 v2, v4  }
0x148: {  	s17 =	simm.s32 $0x126A0;
	v13 =	vld [tilespmem:s14+$0xFFFFFFD0]  }
0x149: {  	s23 =	simm.s32 $0x6;
	v16 =	vld [tilespmem:s17+$0xFFFFFFC0];
	[tilespmem:s13+$0x40] =	vst v2  }
0x14a: {  	v2 =	vmov s23;
	v14 =	vld [tilespmem:s14+$0x50]  }
0x14b: {  	v6 =	vand.u32 $0xFFFFFFFE, v2;
	v2 =	vld.idx.msk [tilespmem:v3+s11+$0x0], $0xffff;
	v5 =	vmul.f32 v5, v11  }
0x14c: {  	v3 =	vld.idx.msk [tilespmem:v9+s11+$0x0], $0xffff;
	v15 =	vbroadcast v6, $0x0;
	v9 =	vmul.f32 v12, v7  }
0x14d: {  	v6 =	vld.idx.msk [tilespmem:v10+s11+$0x0], $0xffff;
	v10 =	vmul.f32 v13, v8;
	[tilespmem:s13+$0x10] =	vst v5  }
0x14e: {  	[tilespmem:s13+$0xFFFFFF90] =	vst v9;
	v9 =	vld [tilespmem:s14+$0x20]  }
0x14f: {  	v13 =	vld [tilespmem:s17+$0x0];
	[tilespmem:s13+$0xFFFFFFD0] =	vst v10  }
0x150: {  	v10 =	vld [tilespmem:s14+$0xFFFFFFE0]  }
0x151: {  	v12 =	vld [tilespmem:s14+$0xFFFFFFA0]  }
0x152: {  	v14 =	vmul.f32 v14, v4;
	v5 =	vld.idx.msk [tilespmem:v15+s11+$0x0], $0xffff  }
0x153: {  	v15 =	vld [tilespmem:s17+$0xFFFFFF80];
	v9 =	vmul.f32 v9, v11  }
0x154: {  	v16 =	vmul.f32 v16, v6;
	[tilespmem:s13+$0x50] =	vst v14  }
0x155: {  	s18 =	simm.s32 $0x18AA0;
	v17 =	vld [tilespmem:s17+$0x40];
	v10 =	vmul.f32 v10, v8;
	[tilespmem:s13+$0x20] =	vst v9  }
0x156: {  	[tilespmem:s18+$0xFFFFFFC0] =	vst v16;
	v9 =	vmul.f32 v12, v7;
	v18 =	vld [tilespmem:s14+$0x30]  }
0x157: {  	s8 =	simm.s32 $0x8;
	v19 =	vld [tilespmem:s14+$0x60];
	[tilespmem:s13+$0xFFFFFFE0] =	vst v10;
	v12 =	vmul.f32 v13, v5  }
0x158: {  	s10 =	simm.s32 $0x9;
	s23 =	simm.s32 $0xB;
	v10 =	vld [tilespmem:s14+$0xFFFFFFF0];
	v13 =	vmov s8;
	[tilespmem:s13+$0xFFFFFFA0] =	vst v9;
	v9 =	vmul.f32 v15, v3  }
0x159: {  	v14 =	vmov s10;
	v16 =	vmov s23;
	v15 =	vand.u32 $0xFFFFFFFC, v13;
	[tilespmem:s18+$0x0] =	vst v12;
	v12 =	vld [tilespmem:s14+$0xFFFFFFB0]  }
0x15a: {  	v21 =	vmul.f32 v17, v2;
	v20 =	vand.u32 $0xFFFFFFFD, v14;
	v14 =	vbroadcast v15, $0x0;
	[tilespmem:s18+$0xFFFFFF80] =	vst v9;
	v13 =	vld [tilespmem:s17+$0x10]  }
0x15b: {  	v15 =	vbroadcast v20, $0x0;
	v9 =	vld [tilespmem:s17+$0xFFFFFF90];
	v17 =	vmul.f32 v18, v11  }
0x15c: {  	s0 =	simm.s32 $0xC;
	[tilespmem:s18+$0x40] =	vst v21;
	s8 =	simm.s32 $0xA;
	v11 =	vld [tilespmem:s17+$0xFFFFFFD0];
	v18 =	vmul.f32 v19, v4  }
.LBB2_10:
0x15d: {  	p0 =	slt.u32 s0, $0x18C;
	v19 =	vmov s8;
	v20 =	vld [tilespmem:s17+$0x50];
	v10 =	vmul.f32 v10, v8;
	[tilespmem:s13+$0x30] =	vst v17;
	v8 =	vmov v6  }
0x15e: {  	v6 =	vand.u32 $0xFFFFFFFE, v19;
	v16 =	vld.idx.msk [tilespmem:v16+s11+$0x0], $0xffff;
	v12 =	vmul.f32 v12, v7;
	[tilespmem:s13+$0x60] =	vst v18;
	v7 =	vmov v3  }
0x15f: {  	v17 =	vbroadcast v6, $0x0;
	v13 =	vmul.f32 v13, v5;
	[tilespmem:s13+$0xFFFFFFF0] =	vst v10;
	v10 =	vld [tilespmem:s14+$0x70];
	s14 =	smov.u32 s17  }
0x160: {  	v3 =	vld.idx.msk [tilespmem:v14+s11+$0x0], $0xffff;
	v9 =	vmul.f32 v9, v7;
	[tilespmem:s13+$0xFFFFFFB0] =	vst v12  }
0x161: {  	v6 =	vld.idx.msk [tilespmem:v15+s11+$0x0], $0xffff;
	v11 =	vmul.f32 v11, v8;
	[tilespmem:s18+$0x10] =	vst v13  }
0x162: {  	[tilespmem:s18+$0xFFFFFF90] =	vst v9;
	v9 =	vld [tilespmem:s17+$0x20];
	v12 =	vmul.f32 v20, v2  }
0x163: {  	v13 =	vld [tilespmem:s17+$0xFFFFFFA0];
	[tilespmem:s18+$0xFFFFFFD0] =	vst v11  }
0x164: {  	v11 =	vld [tilespmem:s17+$0xFFFFFFE0];
	[tilespmem:s18+$0x50] =	vst v12;
	v10 =	vmul.f32 v10, v4;
	v4 =	vmov v2;
	v2 =	vmov v16  }
0x165: {  	s17 =	sadd.s32 $0x100, s17;
	v18 =	vld.idx.msk [tilespmem:v17+s11+$0x0], $0xffff  }
0x166: {  	v12 =	vld [tilespmem:s17+$0x0];
	[tilespmem:s13+$0x70] =	vst v10;
	s13 =	smov.u32 s18  }
0x167: {  	v10 =	vld [tilespmem:s17+$0xFFFFFF80];
	v9 =	vmul.f32 v9, v5  }
0x168: {  	v14 =	vld [tilespmem:s17+$0xFFFFFFC0];
	v13 =	vmul.f32 v13, v7  }
0x169: {  	v15 =	vld [tilespmem:s17+$0x40];
	v11 =	vmul.f32 v11, v8;
	[tilespmem:s18+$0x20] =	vst v9  }
0x16a: {  	[tilespmem:s18+$0xFFFFFFA0] =	vst v13;
	v17 =	vld [tilespmem:s14+$0x30]  }
0x16b: {  	s8 =	sadd.s32 $0x3, s0;
	v9 =	vmul.f32 v12, v18;
	[tilespmem:s18+$0xFFFFFFE0] =	vst v11;
	v19 =	vld [tilespmem:s14+$0x60]  }
.Ltmp3:
0x16c: {  	s10 =	sadd.s32 $0x1, s0;
	v16 =	vmov s8;
	v11 =	vmov s0;
	s18 =	sadd.s32 $0x100, s18;
	v13 =	vmul.f32 v10, v3;
	v10 =	vld [tilespmem:s14+$0xFFFFFFF0];
	(pc) =	sbr.rel @p0 .LBB2_10-.Ltmp3, $4  }
0x16d: {  	v20 =	vmov s10;
	v11 =	vand.u32 $0xFFFFFFFC, v11;
	v21 =	vmul.f32 v14, v6;
	[tilespmem:s18+$0x0] =	vst v9;
	v12 =	vld [tilespmem:s14+$0xFFFFFFB0]  }
0x16e: {  	v14 =	vbroadcast v11, $0x0;
	v9 =	vand.u32 $0xFFFFFFFD, v20;
	[tilespmem:s18+$0xFFFFFF80] =	vst v13;
	v13 =	vld [tilespmem:s17+$0x10];
	v20 =	vmul.f32 v15, v2  }
0x16f: {  	v15 =	vbroadcast v9, $0x0;
	v9 =	vld [tilespmem:s17+$0xFFFFFF90];
	[tilespmem:s18+$0xFFFFFFC0] =	vst v21;
	v17 =	vmul.f32 v17, v5;
	v5 =	vmov v18  }
0x170: {  	s8 =	sadd.s32 $0x2, s0;
	s0 =	sadd.s32 $0x4, s0;
	v11 =	vld [tilespmem:s17+$0xFFFFFFD0];
	[tilespmem:s18+$0x40] =	vst v20;
	v18 =	vmul.f32 v19, v4  }
0x171: {  	_ =	sdelay $0x2  }
0x172: {  	v19 =	vmov s8  }
0x173: {  	v16 =	vld.idx.msk [tilespmem:v16+s11+$0x0], $0xffff;
	v19 =	vand.u32 $0xFFFFFFFE, v19  }
0x174: {  	v14 =	vld.idx.msk [tilespmem:v14+s11+$0x0], $0xffff;
	v19 =	vbroadcast v19, $0x0  }
0x175: {  	v15 =	vld.idx.msk [tilespmem:v15+s11+$0x0], $0xffff;
	s0 =	sadd.s32 $0x100, s17  }
0x176: {  	v20 =	vld [tilespmem:s0+$0x0]  }
0x177: {  	v21 =	vld [tilespmem:s0+$0xFFFFFFC0]  }
0x178: {  	v7 =	vmul.f32 v12, v7;
	v12 =	vld [tilespmem:s0+$0x40]  }
0x179: {  	v8 =	vmul.f32 v10, v8;
	[tilespmem:s13+$0x30] =	vst v17;
	v10 =	vld [tilespmem:s0+$0xFFFFFF80]  }
0x17a: {  	[tilespmem:s13+$0x60] =	vst v18;
	v13 =	vmul.f32 v13, v5;
	v19 =	vld.idx.msk [tilespmem:v19+s11+$0x0], $0xffff  }
0x17b: {  	[tilespmem:s13+$0xFFFFFFF0] =	vst v8  }
0x17c: {  	[tilespmem:s18+$0x10] =	vst v13;
	v13 =	vmul.f32 v21, v15  }
0x17d: {  	s10 =	sadd.s32 $0x100, s18;
	v8 =	vld [tilespmem:s17+$0x50];
	[tilespmem:s13+$0xFFFFFFB0] =	vst v7;
	v12 =	vmul.f32 v12, v16  }
0x17e: {  	v17 =	vld [tilespmem:s14+$0x70];
	v10 =	vmul.f32 v10, v14;
	[tilespmem:s10+$0xFFFFFFC0] =	vst v13  }
0x17f: {  	[tilespmem:s10+$0x40] =	vst v12;
	v12 =	vld [tilespmem:s17+$0x20];
	v7 =	vmul.f32 v20, v19  }
0x180: {  	[tilespmem:s10+$0xFFFFFF80] =	vst v10;
	v10 =	vld [tilespmem:s0+$0xFFFFFFD0]  }
0x181: {  	v9 =	vmul.f32 v9, v3;
	v13 =	vld [tilespmem:s0+$0xFFFFFF90];
	[tilespmem:s10+$0x0] =	vst v7  }
0x182: {  	v11 =	vmul.f32 v11, v6;
	v7 =	vld [tilespmem:s0+$0x10]  }
0x183: {  	[tilespmem:s18+$0xFFFFFF90] =	vst v9;
	v4 =	vmul.f32 v17, v4;
	v9 =	vld [tilespmem:s0+$0x50]  }
0x184: {  	[tilespmem:s18+$0xFFFFFFD0] =	vst v11;
	v8 =	vmul.f32 v8, v2  }
0x185: {  	v11 =	vld [tilespmem:s17+$0xFFFFFFE0];
	[tilespmem:s13+$0x70] =	vst v4;
	v4 =	vmul.f32 v10, v15  }
0x186: {  	[tilespmem:s18+$0x50] =	vst v8;
	v8 =	vld [tilespmem:s17+$0xFFFFFFA0];
	v13 =	vmul.f32 v13, v14  }
0x187: {  	v10 =	vld [tilespmem:s17+$0x60];
	[tilespmem:s10+$0xFFFFFFD0] =	vst v4;
	v7 =	vmul.f32 v7, v19  }
0x188: {  	v9 =	vmul.f32 v9, v16;
	v4 =	vmul.f32 v12, v5;
	[tilespmem:s10+$0xFFFFFF90] =	vst v13;
	v12 =	vld [tilespmem:s0+$0xFFFFFFE0]  }
0x189: {  	v13 =	vld [tilespmem:s0+$0xFFFFFFA0];
	[tilespmem:s10+$0x10] =	vst v7  }
0x18a: {  	v11 =	vmul.f32 v11, v6;
	[tilespmem:s10+$0x50] =	vst v9;
	v7 =	vld [tilespmem:s0+$0x20]  }
0x18b: {  	v8 =	vmul.f32 v8, v3;
	[tilespmem:s18+$0x20] =	vst v4;
	v4 =	vld [tilespmem:s0+$0x60]  }
0x18c: {  	[tilespmem:s18+$0xFFFFFFE0] =	vst v11;
	v9 =	vld [tilespmem:s17+$0x30];
	v10 =	vmul.f32 v10, v2  }
0x18d: {  	[tilespmem:s18+$0xFFFFFFA0] =	vst v8;
	v8 =	vld [tilespmem:s17+$0xFFFFFFF0]  }
0x18e: {  	v11 =	vld [tilespmem:s17+$0xFFFFFFB0];
	[tilespmem:s18+$0x60] =	vst v10;
	v10 =	vmul.f32 v12, v15  }
0x18f: {  	v12 =	vld [tilespmem:s17+$0x70];
	v7 =	vmul.f32 v7, v19  }
0x190: {  	v4 =	vmul.f32 v4, v16;
	[tilespmem:s10+$0xFFFFFFE0] =	vst v10  }
0x191: {  	v13 =	vmul.f32 v13, v14;
	v5 =	vmul.f32 v9, v5;
	v9 =	vld [tilespmem:s0+$0xFFFFFFF0];
	[tilespmem:s10+$0x20] =	vst v7  }
0x192: {  	v6 =	vmul.f32 v8, v6;
	[tilespmem:s10+$0x60] =	vst v4;
	v7 =	vld [tilespmem:s0+$0x30]  }
0x193: {  	v3 =	vmul.f32 v11, v3;
	[tilespmem:s10+$0xFFFFFFA0] =	vst v13;
	v4 =	vld [tilespmem:s0+$0x70]  }
0x194: {  	[tilespmem:s18+$0xFFFFFFF0] =	vst v6;
	v8 =	vld [tilespmem:s0+$0xFFFFFFB0];
	v2 =	vmul.f32 v12, v2  }
0x195: {  	[tilespmem:s18+$0xFFFFFFB0] =	vst v3  }
0x196: {  	[tilespmem:s18+$0x70] =	vst v2;
	v2 =	vmul.f32 v9, v15  }
0x197: {  	[tilespmem:s18+$0x30] =	vst v5;
	v3 =	vmul.f32 v7, v19  }
0x198: {  	s13 =	smul.u32 $0x320, s19;
	[tilespmem:s10+$0xFFFFFFF0] =	vst v2;
	v2 =	vmul.f32 v4, v16  }
0x199: {  	[tilespmem:s10+$0x30] =	vst v3;
	v3 =	vmul.f32 v8, v14  }
0x19a: {  	s14 =	sadd.s32 s13, s12;
	[tilespmem:s10+$0x70] =	vst v2  }
0x19b: {  	s0 =	sshrl.u32 s14, $0x3;
	[tilespmem:s10+$0xFFFFFFB0] =	vst v3  }
0x19c: {  	[spmem:s3] =	stream.indirect.scatter.add.f32 [tilespmem:s20], [sflag:$0x1], $0x40, s31, s30, $0xb8;
	[tilespmem:$0x1EFB0] =	vst v63  }
0x19d: {  	s0 =	sadd.s32 s2, s0  }
0x19e: {  	[tilespmem:s28], [sflag:$0x2] =	stream.linear.gather [hbm4b:s0+s5], $0x190, $0x38;
	[tilespmem:$0x1EFB0] =	vst v63  }
0x19f: {  	_ =	swait.ge [sflag:s22], $0x190  }
0x1a0: {  	[sflag:s22] =	ssyncset.done $0x0  }
0x1a1: {  	s0 =	sadd.s32 $0x4E20, s0;
	[sflag:s22] =	ssyncadd.s32 $0xFFFFFE70  }
0x1a2: {  	[tilespmem:s29], [sflag:$0x2] =	stream.linear.gather [hbm4b:s0+s5], $0x190, $0x38;
	[tilespmem:$0x1EFB0] =	vst v63  }
0x1a3: {  	_ =	swait.ge [sflag:s22], $0x190  }
0x1a4: {  	[sflag:s22] =	ssyncset.done $0x0  }
0x1a5: {  	s17 =	simm.s32 $0x118C0;
	[sflag:s22] =	ssyncadd.s32 $0xFFFFFE70  }
0x1a6: {  	s18 =	simm.s32 $0x11A50;
	v10 =	vld [tilespmem:s17+$0x10]  }
0x1a7: {  	v16 =	vld [tilespmem:s18+$0x10]  }
0x1a8: {  	v3 =	vld [tilespmem:s18+$0xFFFFFFE0]  }
0x1a9: {  	v11 =	vld [tilespmem:s17+$0xFFFFFFF0]  }
0x1aa: {  	v4 =	vld [tilespmem:s18+$0xFFFFFFF0]  }
0x1ab: {  	v12 =	vld [tilespmem:s17+$0x0]  }
0x1ac: {  	v2 =	vld [tilespmem:s18+$0x0]  }
0x1ad: {  	v14 =	vld [tilespmem:s17+$0xFFFFFFE0]  }
0x1ae: {  	v5 =	vld.idx.msk [tilespmem:v10+s25+$0x0], $0xffff  }
0x1af: {  	s23 =	simm.s32 $0x11900;
	v6 =	vld.idx.msk [tilespmem:v16+s26+$0x0], $0xffff  }
0x1b0: {  	v24 =	vld [tilespmem:s23+$0xFFFFFFF0]  }
0x1b1: {  	v7 =	vld.idx.msk [tilespmem:v11+s25+$0x0], $0xffff  }
0x1b2: {  	v9 =	vld.idx.msk [tilespmem:v4+s26+$0x0], $0xffff  }
0x1b3: {  	v13 =	vld.idx.msk [tilespmem:v12+s25+$0x0], $0xffff  }
0x1b4: {  	v15 =	vld.idx.msk [tilespmem:v2+s26+$0x0], $0xffff;
	v5 =	vadd.f32 v6, v5  }
0x1b5: {  	v8 =	vld.idx.msk [tilespmem:v3+s26+$0x0], $0xffff  }
0x1b6: {  	v17 =	vld.idx.msk [tilespmem:v14+s25+$0x0], $0xffff;
	v6 =	vmul.f32 $9.999999770e-03, v5  }
0x1b7: {  	v19 =	vld.idx.msk [tilespmem:v16+s7+$0x0], $0xffff  }
0x1b8: {  	v29 =	vld [tilespmem:s23+$0xFFFFFFE0];
	v9 =	vadd.f32 v9, v7;
	v5 =	vmax.f32 v5, v6  }
0x1b9: {  	v18 =	vld.idx.msk [tilespmem:v3+s7+$0x0], $0xffff;
	v13 =	vadd.f32 v15, v13;
	v15 =	vsub.f32 v5, v0  }
0x1ba: {  	v20 =	vld.idx.msk [tilespmem:v4+s7+$0x0], $0xffff  }
0x1bb: {  	v28 =	vld.idx.msk [tilespmem:v2+s7+$0x0], $0xffff;
	v8 =	vadd.f32 v8, v17;
	v21 =	vmul.f32 $9.999999770e-03, v9;
	v15 =	vmul.f32 $1.442695020e+00, v15  }
0x1bc: {  	s17 =	simm.s32 $0x11A90;
	v7 =	vld [tilespmem:s23+$0x10];
	(erf) = vrcp.f32 v19;
	v17 =	vmul.f32 $9.999999770e-03, v13  }
0x1bd: {  	v6 =	vld [tilespmem:s17+$0x10];
	v9 =	vmax.f32 v9, v21;
	v21 =	vmul.f32 $9.999999770e-03, v8;
	(erf) = vpow2.f32 v15  }
0x1be: {  	v13 =	vmax.f32 v13, v17;
	v22 =	vsub.f32 v9, v0;
	v9 =	vld [tilespmem:s17+$0xFFFFFFF0]  }
0x1bf: {  	v5 =	vld [tilespmem:s17+$0xFFFFFFE0];
	v13 =	vsub.f32 v13, v0;
	v17 =	vmax.f32 v8, v21  }
0x1c0: {  	v8 =	vld [tilespmem:s17+$0x0];
	v19 =	vmul.f32 $1.442695020e+00, v22;
	v17 =	vsub.f32 v17, v0  }
0x1c1: {  	v13 =	vmul.f32 $1.442695020e+00, v13;
	v15 =	vld [tilespmem:s23+$0x0];
	(erf) = vrcp.f32 v18  }
0x1c2: {  	v25 =	vld.idx.msk [tilespmem:v24+s25+$0x0], $0xffff;
	v17 =	vmul.f32 $1.442695020e+00, v17;
	(erf) = vpow2.f32 v19  }
0x1c3: {  	v22 =	vld.idx.msk [tilespmem:v29+s25+$0x0], $0xffff;
	(erf) = vrcp.f32 v20  }
0x1c4: {  	v19 =	vld.idx.msk [tilespmem:v7+s25+$0x0], $0xffff;
	(erf) = vpow2.f32 v13  }
0x1c5: {  	v20 =	vld.idx.msk [tilespmem:v6+s26+$0x0], $0xffff;
	v13 =	vpop (erf);
	(erf) = vpow2.f32 v17  }
0x1c6: {  	v26 =	vld.idx.msk [tilespmem:v9+s26+$0x0], $0xffff;
	(erf) = vrcp.f32 v28;
	v17 =	vpop (erf)  }
0x1c7: {  	v18 =	vld.idx.msk [tilespmem:v5+s26+$0x0], $0xffff;
	v27 =	vmul.f32 v17, v13  }
0x1c8: {  	v23 =	vld.idx.msk [tilespmem:v8+s26+$0x0], $0xffff  }
0x1c9: {  	v21 =	vld.idx.msk [tilespmem:v15+s25+$0x0], $0xffff  }
0x1ca: {  	s10 =	simm.s32 $0x11F10;
	v10 =	vadd.s32 v1, v10;
	v30 =	vadd.f32 v20, v19;
	v19 =	vld.idx.msk [tilespmem:v9+s7+$0x0], $0xffff;
	v20 =	vpop (erf)  }
0x1cb: {  	v26 =	vadd.f32 v26, v25;
	v13 =	vadd.s32 v1, v11;
	v11 =	vadd.s32 v1, v12;
	[tilespmem:s10+$0x0] =	vst v27;
	v27 =	vpop (erf)  }
0x1cc: {  	s14 =	simm.s32 $0x12090;
	v17 =	vld.idx.msk [tilespmem:v5+s7+$0x0], $0xffff;
	v12 =	vadd.s32 v1, v14;
	v14 =	vadd.s32 v1, v24;
	v31 =	vmul.f32 $9.999999770e-03, v30;
	v32 =	vpop (erf)  }
0x1cd: {  	s18 =	simm.s32 $0x123C0;
	v24 =	vld.idx.msk [tilespmem:v6+s7+$0x0], $0xffff;
	[tilespmem:s14+$0x10] =	vst v10;
	v10 =	vadd.s32 v1, v15;
	v27 =	vmul.f32 v27, v32;
	v25 =	vpop (erf)  }
0x1ce: {  	s8 =	simm.s32 $0x40;
	s0 =	simm.s32 $0x11940;
	v15 =	vadd.s32 v1, v29;
	v29 =	vmax.f32 v30, v31;
	[tilespmem:s18+$0x0] =	vst v16;
	v16 =	vld.idx.msk [tilespmem:v8+s7+$0x0], $0xffff;
	v28 =	vpop (erf)  }
.LBB2_12:
0x1cf: {  	v30 =	vld [tilespmem:s0+$0x10];
	v31 =	vmul.f32 $9.999999770e-03, v26;
	v21 =	vadd.f32 v23, v21;
	v23 =	vsub.f32 v29, v0;
	s17 =	sadd.s32 $0x40, s17;
	[tilespmem:s10+$0xFFFFFFE0] =	vst v27;
	v27 =	vpop (erf)  }
0x1d0: {  	v18 =	vadd.f32 v18, v22;
	v20 =	vmul.f32 v28, v20;
	v29 =	vld [tilespmem:s17+$0x10];
	[tilespmem:s14+$0xFFFFFFF0] =	vst v13;
	v22 =	vmul.f32 v25, v27  }
0x1d1: {  	v13 =	vmovc v14;
	v25 =	vld [tilespmem:s17+$0xFFFFFFE0];
	v26 =	vmax.f32 v26, v31;
	v27 =	vmul.f32 $9.999999770e-03, v21;
	v23 =	vmul.f32 $1.442695020e+00, v23;
	[tilespmem:s18+$0xFFFFFFE0] =	vst v4;
	v4 =	vmovc v9  }
0x1d2: {  	s8 =	sadd.s32 $0x40, s8;
	v14 =	vmul.f32 $9.999999770e-03, v18;
	v28 =	vld [tilespmem:s0+$0xFFFFFFF0];
	v26 =	vsub.f32 v26, v0;
	(erf) = vrcp.f32 v24;
	[tilespmem:s10+$0xFFFFFFD0] =	vst v20  }
0x1d3: {  	p0 =	slt.u32 s8, $0x140;
	v9 =	vld [tilespmem:s17+$0xFFFFFFF0];
	v20 =	vmax.f32 v21, v27;
	(erf) = vpow2.f32 v23;
	[tilespmem:s14+$0xFFFFFFE0] =	vst v12;
	v12 =	vmov v15  }
0x1d4: {  	v14 =	vmax.f32 v18, v14;
	v21 =	vld [tilespmem:s0+$0x0];
	v15 =	vmul.f32 $1.442695020e+00, v26;
	v18 =	vsub.f32 v20, v0;
	[tilespmem:s18+$0xFFFFFFD0] =	vst v3;
	v3 =	vmovc v5  }
0x1d5: {  	v23 =	vsub.f32 v14, v0;
	v20 =	vld [tilespmem:s17+$0x0];
	(erf) = vrcp.f32 v17;
	[tilespmem:s10+$0xFFFFFFF0] =	vst v22  }
0x1d6: {  	v17 =	vld [tilespmem:s0+$0xFFFFFFE0];
	v18 =	vmul.f32 $1.442695020e+00, v18;
	(erf) = vpow2.f32 v15;
	[tilespmem:s14+$0x0] =	vst v11;
	v5 =	vmovc v25;
	v11 =	vmov v10  }
0x1d7: {  	v15 =	vmul.f32 $1.442695020e+00, v23;
	v14 =	vadd.s32 v1, v28;
	v24 =	vld.idx.msk [tilespmem:v30+s25+$0x0], $0xffff;
	(erf) = vrcp.f32 v19;
	[tilespmem:s18+$0xFFFFFFF0] =	vst v2;
	v2 =	vmovc v8  }
0x1d8: {  	v19 =	vld.idx.msk [tilespmem:v29+s26+$0x0], $0xffff;
	(erf) = vpow2.f32 v18  }
0x1d9: {  	v18 =	vld.idx.msk [tilespmem:v25+s26+$0x0], $0xffff;
	v10 =	vadd.s32 v1, v21;
	(erf) = vpow2.f32 v15  }
0x1da: {  	v25 =	vld.idx.msk [tilespmem:v28+s25+$0x0], $0xffff;
	(erf) = vrcp.f32 v16;
	v8 =	vmov v20  }
0x1db: {  	v15 =	vadd.s32 v1, v17;
	v16 =	vld.idx.msk [tilespmem:v9+s26+$0x0], $0xffff;
	v22 =	vpop (erf)  }
0x1dc: {  	v21 =	vld.idx.msk [tilespmem:v21+s25+$0x0], $0xffff;
	v26 =	vpop (erf)  }
0x1dd: {  	v23 =	vld.idx.msk [tilespmem:v20+s26+$0x0], $0xffff;
	v26 =	vmul.f32 v26, v22  }
.Ltmp4:
0x1de: {  	s10 =	sadd.s32 $0x40, s10;
	v28 =	vadd.f32 v19, v24;
	v22 =	vld.idx.msk [tilespmem:v17+s25+$0x0], $0xffff;
	v20 =	vpop (erf);
	(pc) =	sbr.rel @p0 .LBB2_12-.Ltmp4, $4  }
0x1df: {  	s14 =	sadd.s32 $0x40, s14;
	v19 =	vadd.s32 v1, v7;
	v7 =	vmov v30;
	v17 =	vld.idx.msk [tilespmem:v5+s7+$0x0], $0xffff;
	[tilespmem:s10+$0x0] =	vst v26;
	v27 =	vpop (erf)  }
0x1e0: {  	s18 =	sadd.s32 $0x40, s18;
	v30 =	vmul.f32 $9.999999770e-03, v28;
	v24 =	vld.idx.msk [tilespmem:v29+s7+$0x0], $0xffff;
	[tilespmem:s14+$0x10] =	vst v19;
	v31 =	vpop (erf)  }
0x1e1: {  	v26 =	vadd.f32 v16, v25;
	v19 =	vld.idx.msk [tilespmem:v9+s7+$0x0], $0xffff;
	v27 =	vmul.f32 v27, v31;
	[tilespmem:s18+$0x0] =	vst v6;
	v25 =	vpop (erf);
	v6 =	vmov v29  }
0x1e2: {  	s0 =	sadd.s32 $0x40, s0;
	v29 =	vmax.f32 v28, v30;
	v16 =	vld.idx.msk [tilespmem:v8+s7+$0x0], $0xffff;
	v28 =	vpop (erf)  }
0x1e3: {  	v30 =	vmul.f32 $9.999999770e-03, v26;
	v21 =	vadd.f32 v23, v21;
	v59 =	vsub.f32 v29, v0  }
0x1e4: {  	v18 =	vadd.f32 v18, v22  }
0x1e5: {  	v60 =	vmax.f32 v26, v30;
	v61 =	vmul.f32 $9.999999770e-03, v21;
	v23 =	vmul.f32 $1.442695020e+00, v59  }
0x1e6: {  	(erf) = vrcp.f32 v24;
	v22 =	vsub.f32 v60, v0  }
0x1e7: {  	v62 =	vmul.f32 $9.999999770e-03, v18;
	v21 =	vmax.f32 v21, v61;
	(erf) = vpow2.f32 v23  }
0x1e8: {  	v22 =	vmul.f32 $1.442695020e+00, v22;
	v21 =	vsub.f32 v21, v0  }
0x1e9: {  	[tilespmem:s10+$0xFFFFFFE0] =	vst v27;
	v18 =	vmax.f32 v18, v62;
	(erf) = vrcp.f32 v17  }
0x1ea: {  	[tilespmem:s14+$0xFFFFFFF0] =	vst v13;
	v17 =	vsub.f32 v18, v0;
	(erf) = vpow2.f32 v22;
	v18 =	vmul.f32 $1.442695020e+00, v21  }
0x1eb: {  	[tilespmem:s18+$0xFFFFFFE0] =	vst v4;
	v4 =	vpop (erf);
	(erf) = vrcp.f32 v19;
	v19 =	vmul.f32 v28, v20  }
0x1ec: {  	v4 =	vmul.f32 v25, v4;
	v13 =	vmul.f32 $1.442695020e+00, v17  }
0x1ed: {  	(erf) = vpow2.f32 v18;
	[tilespmem:s10+$0xFFFFFFD0] =	vst v19  }
0x1ee: {  	(erf) = vpow2.f32 v13;
	[tilespmem:s14+$0xFFFFFFE0] =	vst v12  }
0x1ef: {  	[tilespmem:s18+$0xFFFFFFD0] =	vst v3;
	v3 =	vpop (erf)  }
0x1f0: {  	[tilespmem:s10+$0xFFFFFFF0] =	vst v4;
	v4 =	vpop (erf)  }
0x1f1: {  	[tilespmem:s14+$0x0] =	vst v11;
	(erf) = vrcp.f32 v16;
	v3 =	vmul.f32 v4, v3  }
0x1f2: {  	s0 =	sadd.s32 $0x40, s10;
	[tilespmem:s18+$0xFFFFFFF0] =	vst v2;
	v4 =	vpop (erf)  }
0x1f3: {  	v2 =	vpop (erf);
	[tilespmem:s0+$0x0] =	vst v3;
	v3 =	vadd.s32 v1, v7  }
0x1f4: {  	s8 =	sadd.s32 $0x40, s14;
	v7 =	vpop (erf)  }
0x1f5: {  	s23 =	sadd.s32 $0x40, s18;
	[tilespmem:s8+$0x10] =	vst v3;
	v2 =	vmul.f32 v2, v7  }
0x1f6: {  	[tilespmem:s23+$0x0] =	vst v6;
	v3 =	vpop (erf)  }
0x1f7: {  	v6 =	vpop (erf);
	[tilespmem:s0+$0xFFFFFFE0] =	vst v2  }
0x1f8: {  	v2 =	vmul.f32 v6, v4;
	[tilespmem:s8+$0xFFFFFFF0] =	vst v14  }
0x1f9: {  	[tilespmem:s23+$0xFFFFFFE0] =	vst v9  }
0x1fa: {  	v4 =	vpop (erf);
	[tilespmem:s0+$0xFFFFFFD0] =	vst v2  }
0x1fb: {  	v2 =	vmul.f32 v3, v4;
	[tilespmem:s8+$0xFFFFFFE0] =	vst v15  }
0x1fc: {  	[tilespmem:s23+$0xFFFFFFD0] =	vst v5  }
0x1fd: {  	[tilespmem:s0+$0xFFFFFFF0] =	vst v2  }
0x1fe: {  	[tilespmem:s8+$0x0] =	vst v10  }
0x1ff: {  	[tilespmem:s23+$0xFFFFFFF0] =	vst v8  }
0x200: {  	v2 =	vld [tilespmem:$0x11A20]  }
0x201: {  	v3 =	vld [tilespmem:$0x11BB0];
	_ =	sdelay $0x6  }
0x202: {  	v4 =	vld.idx.msk [tilespmem:v2+s25+$0x0], $0xffff  }
0x203: {  	v5 =	vld.idx.msk [tilespmem:v3+s26+$0x0], $0xffff;
	_ =	sdelay $0x4  }
0x204: {  	v4 =	vadd.f32 v5, v4;
	_ =	sdelay $0x1  }
0x205: {  	v5 =	vmul.f32 $9.999999770e-03, v4;
	_ =	sdelay $0x1  }
0x206: {  	v4 =	vmax.f32 v4, v5  }
0x207: {  	v5 =	vld.idx.msk [tilespmem:v3+s7+$0x0], $0xffff;
	v4 =	vsub.f32 v4, v0;
	_ =	sdelay $0x1  }
0x208: {  	v4 =	vmul.f32 $1.442695020e+00, v4;
	_ =	sdelay $0x1  }
0x209: {  	(erf) = vpow2.f32 v4  }
0x20a: {  	(erf) = vrcp.f32 v5;
	_ =	sdelay $0x7  }
0x20b: {  	v4 =	vpop (erf)  }
0x20c: {  	v2 =	vadd.s32 v1, v2;
	v5 =	vpop (erf)  }
0x20d: {  	[tilespmem:$0x121F0] =	vst v2;
	v4 =	vmul.f32 v4, v5  }
0x20e: {  	s14 =	simm.s32 $0x0;
	[tilespmem:$0x12510] =	vst v3  }
0x20f: {  	s17 =	simm.s32 $0x1;
	s18 =	simm.s32 $0x2;
	v2 =	vmov s14;
	[tilespmem:$0x12060] =	vst v4  }
0x210: {  	v3 =	vmov s17;
	v2 =	vand.u32 $0xFFFFFFFC, v2;
	[tilespmem:s24], [sflag:$0x2] =	stream.indirect.gather [hbm4b:s6+s30], $0x40, s9, s30, $0xb8;
	[tilespmem:$0x1EFB0] =	vst v63  }
0x211: {  	v3 =	vand.u32 $0xFFFFFFFD, v3;
	v2 =	vbroadcast v2, $0x0;
	v4 =	vmov s18;
	_ =	swait.ge [sflag:s22], $0x6400  }
0x212: {  	v3 =	vbroadcast v3, $0x0;
	v4 =	vand.u32 $0xFFFFFFFE, v4;
	[sflag:s22] =	ssyncset.done $0x0  }
0x213: {  	v4 =	vbroadcast v4, $0x0;
	[sflag:s22] =	ssyncadd.s32 $0xFFFF9C00  }
0x214: {  	_ =	swait.ge [sflag:s1], $0x6400  }
0x215: {  	[sflag:s1] =	ssyncset.done $0x0  }
0x216: {  	[sflag:s1] =	ssyncadd.s32 $0xFFFF9C00  }
0x217: {  	s23 =	simm.s32 $0x3;
	v7 =	vld.idx.msk [tilespmem:v2+s21+$0x0], $0xffff  }
0x218: {  	v2 =	vmov s23;
	v8 =	vld.idx.msk [tilespmem:v3+s21+$0x0], $0xffff  }
0x219: {  	s10 =	simm.s32 $0x125A0;
	v11 =	vld.idx.msk [tilespmem:v4+s21+$0x0], $0xffff  }
0x21a: {  	v3 =	vld [tilespmem:s10+$0x0]  }
0x21b: {  	v5 =	vld [tilespmem:s10+$0xFFFFFF80]  }
0x21c: {  	v6 =	vld [tilespmem:s10+$0xFFFFFFC0]  }
0x21d: {  	v4 =	vld.idx.msk [tilespmem:v2+s21+$0x0], $0xffff  }
0x21e: {  	v2 =	vld [tilespmem:s10+$0x40]  }
0x21f: {  	s8 =	simm.s32 $0x4;
	v3 =	vmul.f32 v3, v11  }
0x220: {  	v9 =	vmov s8;
	s17 =	simm.s32 $0x189A0;
	s14 =	simm.s32 $0x5;
	v5 =	vmul.f32 v5, v7  }
0x221: {  	v9 =	vand.u32 $0xFFFFFFFC, v9;
	v10 =	vmov s14;
	s18 =	simm.s32 $0x7;
	v6 =	vmul.f32 v6, v8;
	[tilespmem:s17+$0x0] =	vst v3  }
0x222: {  	v9 =	vbroadcast v9, $0x0;
	v10 =	vand.u32 $0xFFFFFFFD, v10;
	v3 =	vmov s18;
	[tilespmem:s17+$0xFFFFFF80] =	vst v5;
	v5 =	vld [tilespmem:s10+$0x10]  }
0x223: {  	v10 =	vbroadcast v10, $0x0;
	[tilespmem:s17+$0xFFFFFFC0] =	vst v6;
	v12 =	vld [tilespmem:s10+$0xFFFFFF90];
	v2 =	vmul.f32 v2, v4  }
0x224: {  	s18 =	simm.s32 $0x126A0;
	v13 =	vld [tilespmem:s10+$0xFFFFFFD0]  }
0x225: {  	s23 =	simm.s32 $0x6;
	v16 =	vld [tilespmem:s18+$0xFFFFFFC0];
	[tilespmem:s17+$0x40] =	vst v2  }
0x226: {  	v2 =	vmov s23;
	v14 =	vld [tilespmem:s10+$0x50]  }
0x227: {  	v6 =	vand.u32 $0xFFFFFFFE, v2;
	v2 =	vld.idx.msk [tilespmem:v3+s21+$0x0], $0xffff;
	v5 =	vmul.f32 v5, v11  }
0x228: {  	v3 =	vld.idx.msk [tilespmem:v9+s21+$0x0], $0xffff;
	v9 =	vmul.f32 v12, v7;
	v15 =	vbroadcast v6, $0x0  }
0x229: {  	v6 =	vld.idx.msk [tilespmem:v10+s21+$0x0], $0xffff;
	v10 =	vmul.f32 v13, v8;
	[tilespmem:s17+$0x10] =	vst v5  }
0x22a: {  	[tilespmem:s17+$0xFFFFFF90] =	vst v9;
	v9 =	vld [tilespmem:s10+$0x20]  }
0x22b: {  	v13 =	vld [tilespmem:s18+$0x0];
	[tilespmem:s17+$0xFFFFFFD0] =	vst v10  }
0x22c: {  	v10 =	vld [tilespmem:s10+$0xFFFFFFE0]  }
0x22d: {  	v12 =	vld [tilespmem:s10+$0xFFFFFFA0]  }
0x22e: {  	v14 =	vmul.f32 v14, v4;
	v5 =	vld.idx.msk [tilespmem:v15+s21+$0x0], $0xffff  }
0x22f: {  	v15 =	vld [tilespmem:s18+$0xFFFFFF80];
	v9 =	vmul.f32 v9, v11  }
0x230: {  	v16 =	vmul.f32 v16, v6;
	[tilespmem:s17+$0x50] =	vst v14  }
0x231: {  	s14 =	simm.s32 $0x18AA0;
	v17 =	vld [tilespmem:s18+$0x40];
	v10 =	vmul.f32 v10, v8;
	[tilespmem:s17+$0x20] =	vst v9  }
0x232: {  	[tilespmem:s14+$0xFFFFFFC0] =	vst v16;
	v9 =	vmul.f32 v12, v7;
	v18 =	vld [tilespmem:s10+$0x30]  }
0x233: {  	s8 =	simm.s32 $0x8;
	s23 =	simm.s32 $0x9;
	v19 =	vld [tilespmem:s10+$0x60];
	[tilespmem:s17+$0xFFFFFFE0] =	vst v10;
	v12 =	vmul.f32 v13, v5  }
0x234: {  	v14 =	vmov s23;
	s23 =	simm.s32 $0xB;
	[tilespmem:s17+$0xFFFFFFA0] =	vst v9;
	v9 =	vmul.f32 v15, v3;
	v10 =	vld [tilespmem:s10+$0xFFFFFFF0];
	v13 =	vmov s8  }
0x235: {  	v16 =	vmov s23;
	v15 =	vand.u32 $0xFFFFFFFC, v13;
	[tilespmem:s14+$0x0] =	vst v12;
	v12 =	vld [tilespmem:s10+$0xFFFFFFB0]  }
0x236: {  	v63 =	vmul.f32 v17, v2;
	v20 =	vand.u32 $0xFFFFFFFD, v14;
	[tilespmem:s14+$0xFFFFFF80] =	vst v9;
	v14 =	vbroadcast v15, $0x0;
	v13 =	vld [tilespmem:s18+$0x10]  }
0x237: {  	v15 =	vbroadcast v20, $0x0;
	v9 =	vld [tilespmem:s18+$0xFFFFFF90];
	v17 =	vmul.f32 v18, v11  }
0x238: {  	s0 =	simm.s32 $0xC;
	[tilespmem:s14+$0x40] =	vst v63;
	s8 =	simm.s32 $0xA;
	v11 =	vld [tilespmem:s18+$0xFFFFFFD0];
	v18 =	vmul.f32 v19, v4  }
.LBB2_14:
0x239: {  	p0 =	slt.u32 s0, $0x18C;
	v19 =	vmov s8;
	v20 =	vld [tilespmem:s18+$0x50];
	v10 =	vmul.f32 v10, v8;
	[tilespmem:s17+$0x30] =	vst v17;
	v8 =	vmov v6  }
0x23a: {  	v6 =	vand.u32 $0xFFFFFFFE, v19;
	v16 =	vld.idx.msk [tilespmem:v16+s21+$0x0], $0xffff;
	v12 =	vmul.f32 v12, v7;
	[tilespmem:s17+$0x60] =	vst v18;
	v7 =	vmov v3  }
0x23b: {  	v17 =	vbroadcast v6, $0x0;
	v13 =	vmul.f32 v13, v5;
	[tilespmem:s17+$0xFFFFFFF0] =	vst v10;
	v10 =	vld [tilespmem:s10+$0x70];
	s10 =	smov.u32 s18  }
0x23c: {  	v3 =	vld.idx.msk [tilespmem:v14+s21+$0x0], $0xffff;
	v9 =	vmul.f32 v9, v7;
	[tilespmem:s17+$0xFFFFFFB0] =	vst v12  }
0x23d: {  	v6 =	vld.idx.msk [tilespmem:v15+s21+$0x0], $0xffff;
	v11 =	vmul.f32 v11, v8;
	[tilespmem:s14+$0x10] =	vst v13  }
0x23e: {  	[tilespmem:s14+$0xFFFFFF90] =	vst v9;
	v9 =	vld [tilespmem:s18+$0x20];
	v12 =	vmul.f32 v20, v2  }
0x23f: {  	v13 =	vld [tilespmem:s18+$0xFFFFFFA0];
	[tilespmem:s14+$0xFFFFFFD0] =	vst v11  }
0x240: {  	v11 =	vld [tilespmem:s18+$0xFFFFFFE0];
	[tilespmem:s14+$0x50] =	vst v12;
	v10 =	vmul.f32 v10, v4;
	v4 =	vmov v2;
	v2 =	vmov v16  }
0x241: {  	s18 =	sadd.s32 $0x100, s18;
	v18 =	vld.idx.msk [tilespmem:v17+s21+$0x0], $0xffff  }
0x242: {  	v12 =	vld [tilespmem:s18+$0x0];
	[tilespmem:s17+$0x70] =	vst v10;
	s17 =	smov.u32 s14  }
0x243: {  	v10 =	vld [tilespmem:s18+$0xFFFFFF80];
	v9 =	vmul.f32 v9, v5  }
0x244: {  	v14 =	vld [tilespmem:s18+$0xFFFFFFC0];
	v13 =	vmul.f32 v13, v7  }
0x245: {  	v15 =	vld [tilespmem:s18+$0x40];
	v11 =	vmul.f32 v11, v8;
	[tilespmem:s14+$0x20] =	vst v9  }
0x246: {  	[tilespmem:s14+$0xFFFFFFA0] =	vst v13;
	v17 =	vld [tilespmem:s10+$0x30]  }
0x247: {  	s8 =	sadd.s32 $0x3, s0;
	v9 =	vmul.f32 v12, v18;
	[tilespmem:s14+$0xFFFFFFE0] =	vst v11;
	v19 =	vld [tilespmem:s10+$0x60]  }
.Ltmp5:
0x248: {  	s23 =	sadd.s32 $0x1, s0;
	v16 =	vmov s8;
	v11 =	vmov s0;
	s14 =	sadd.s32 $0x100, s14;
	v13 =	vmul.f32 v10, v3;
	v10 =	vld [tilespmem:s10+$0xFFFFFFF0];
	(pc) =	sbr.rel @p0 .LBB2_14-.Ltmp5, $4  }
0x249: {  	v20 =	vmov s23;
	v11 =	vand.u32 $0xFFFFFFFC, v11;
	v21 =	vmul.f32 v14, v6;
	[tilespmem:s14+$0x0] =	vst v9;
	v12 =	vld [tilespmem:s10+$0xFFFFFFB0]  }
0x24a: {  	v14 =	vbroadcast v11, $0x0;
	v9 =	vand.u32 $0xFFFFFFFD, v20;
	[tilespmem:s14+$0xFFFFFF80] =	vst v13;
	v13 =	vld [tilespmem:s18+$0x10];
	v20 =	vmul.f32 v15, v2  }
0x24b: {  	v15 =	vbroadcast v9, $0x0;
	v9 =	vld [tilespmem:s18+$0xFFFFFF90];
	[tilespmem:s14+$0xFFFFFFC0] =	vst v21;
	v17 =	vmul.f32 v17, v5;
	v5 =	vmov v18  }
0x24c: {  	s8 =	sadd.s32 $0x2, s0;
	s0 =	sadd.s32 $0x4, s0;
	v11 =	vld [tilespmem:s18+$0xFFFFFFD0];
	[tilespmem:s14+$0x40] =	vst v20;
	v18 =	vmul.f32 v19, v4  }
0x24d: {  	_ =	sdelay $0x2  }
0x24e: {  	v19 =	vmov s8  }
0x24f: {  	v16 =	vld.idx.msk [tilespmem:v16+s21+$0x0], $0xffff;
	v19 =	vand.u32 $0xFFFFFFFE, v19  }
0x250: {  	v14 =	vld.idx.msk [tilespmem:v14+s21+$0x0], $0xffff;
	v19 =	vbroadcast v19, $0x0  }
0x251: {  	v15 =	vld.idx.msk [tilespmem:v15+s21+$0x0], $0xffff;
	s0 =	sadd.s32 $0x100, s18  }
0x252: {  	v20 =	vld [tilespmem:s0+$0x0]  }
0x253: {  	v21 =	vld [tilespmem:s0+$0xFFFFFFC0]  }
0x254: {  	v7 =	vmul.f32 v12, v7;
	v12 =	vld [tilespmem:s0+$0x40]  }
0x255: {  	v8 =	vmul.f32 v10, v8;
	[tilespmem:s17+$0x30] =	vst v17;
	v10 =	vld [tilespmem:s0+$0xFFFFFF80]  }
0x256: {  	[tilespmem:s17+$0x60] =	vst v18;
	v13 =	vmul.f32 v13, v5;
	v19 =	vld.idx.msk [tilespmem:v19+s21+$0x0], $0xffff  }
0x257: {  	[tilespmem:s17+$0xFFFFFFF0] =	vst v8  }
0x258: {  	[tilespmem:s14+$0x10] =	vst v13;
	v13 =	vmul.f32 v21, v15  }
0x259: {  	s23 =	sadd.s32 $0x100, s14;
	v8 =	vld [tilespmem:s18+$0x50];
	[tilespmem:s17+$0xFFFFFFB0] =	vst v7;
	v12 =	vmul.f32 v12, v16  }
0x25a: {  	v17 =	vld [tilespmem:s10+$0x70];
	v10 =	vmul.f32 v10, v14;
	[tilespmem:s23+$0xFFFFFFC0] =	vst v13  }
0x25b: {  	[tilespmem:s23+$0x40] =	vst v12;
	v12 =	vld [tilespmem:s18+$0x20];
	v7 =	vmul.f32 v20, v19  }
0x25c: {  	[tilespmem:s23+$0xFFFFFF80] =	vst v10;
	v10 =	vld [tilespmem:s0+$0xFFFFFFD0]  }
0x25d: {  	v9 =	vmul.f32 v9, v3;
	v13 =	vld [tilespmem:s0+$0xFFFFFF90];
	[tilespmem:s23+$0x0] =	vst v7  }
0x25e: {  	v11 =	vmul.f32 v11, v6;
	v7 =	vld [tilespmem:s0+$0x10]  }
0x25f: {  	[tilespmem:s14+$0xFFFFFF90] =	vst v9;
	v4 =	vmul.f32 v17, v4;
	v9 =	vld [tilespmem:s0+$0x50]  }
0x260: {  	[tilespmem:s14+$0xFFFFFFD0] =	vst v11;
	v8 =	vmul.f32 v8, v2  }
0x261: {  	v11 =	vld [tilespmem:s18+$0xFFFFFFE0];
	[tilespmem:s17+$0x70] =	vst v4;
	v4 =	vmul.f32 v10, v15  }
0x262: {  	[tilespmem:s14+$0x50] =	vst v8;
	v8 =	vld [tilespmem:s18+$0xFFFFFFA0];
	v13 =	vmul.f32 v13, v14  }
0x263: {  	v10 =	vld [tilespmem:s18+$0x60];
	[tilespmem:s23+$0xFFFFFFD0] =	vst v4;
	v7 =	vmul.f32 v7, v19  }
0x264: {  	v9 =	vmul.f32 v9, v16;
	v4 =	vmul.f32 v12, v5;
	[tilespmem:s23+$0xFFFFFF90] =	vst v13;
	v12 =	vld [tilespmem:s0+$0xFFFFFFE0]  }
0x265: {  	v13 =	vld [tilespmem:s0+$0xFFFFFFA0];
	[tilespmem:s23+$0x10] =	vst v7  }
0x266: {  	v11 =	vmul.f32 v11, v6;
	[tilespmem:s23+$0x50] =	vst v9;
	v7 =	vld [tilespmem:s0+$0x20]  }
0x267: {  	v8 =	vmul.f32 v8, v3;
	[tilespmem:s14+$0x20] =	vst v4;
	v4 =	vld [tilespmem:s0+$0x60]  }
0x268: {  	[tilespmem:s14+$0xFFFFFFE0] =	vst v11;
	v9 =	vld [tilespmem:s18+$0x30];
	v10 =	vmul.f32 v10, v2  }
0x269: {  	[tilespmem:s14+$0xFFFFFFA0] =	vst v8;
	v8 =	vld [tilespmem:s18+$0xFFFFFFF0]  }
0x26a: {  	v11 =	vld [tilespmem:s18+$0xFFFFFFB0];
	[tilespmem:s14+$0x60] =	vst v10;
	v10 =	vmul.f32 v12, v15  }
0x26b: {  	v12 =	vld [tilespmem:s18+$0x70];
	v7 =	vmul.f32 v7, v19  }
0x26c: {  	v4 =	vmul.f32 v4, v16;
	[tilespmem:s23+$0xFFFFFFE0] =	vst v10  }
0x26d: {  	v13 =	vmul.f32 v13, v14;
	v5 =	vmul.f32 v9, v5;
	v9 =	vld [tilespmem:s0+$0xFFFFFFF0];
	[tilespmem:s23+$0x20] =	vst v7  }
0x26e: {  	v6 =	vmul.f32 v8, v6;
	[tilespmem:s23+$0x60] =	vst v4;
	v7 =	vld [tilespmem:s0+$0x30]  }
0x26f: {  	v3 =	vmul.f32 v11, v3;
	[tilespmem:s23+$0xFFFFFFA0] =	vst v13;
	v4 =	vld [tilespmem:s0+$0x70]  }
0x270: {  	[tilespmem:s14+$0xFFFFFFF0] =	vst v6;
	v8 =	vld [tilespmem:s0+$0xFFFFFFB0];
	v2 =	vmul.f32 v12, v2  }
0x271: {  	[tilespmem:s14+$0xFFFFFFB0] =	vst v3  }
0x272: {  	[tilespmem:s14+$0x70] =	vst v2;
	v2 =	vmul.f32 v9, v15  }
0x273: {  	[tilespmem:s14+$0x30] =	vst v5;
	v3 =	vmul.f32 v7, v19  }
0x274: {  	[tilespmem:s23+$0xFFFFFFF0] =	vst v2;
	v2 =	vmul.f32 v4, v16  }
0x275: {  	[tilespmem:s23+$0x30] =	vst v3;
	v3 =	vmul.f32 v8, v14  }
0x276: {  	s14 =	sadd.s32 s13, s15;
	[tilespmem:s23+$0x70] =	vst v2  }
0x277: {  	s10 =	simm.s32 $0x12390;
	s0 =	sshrl.u32 s14, $0x3;
	[tilespmem:s23+$0xFFFFFFB0] =	vst v3  }
0x278: {  	[spmem:s3] =	stream.indirect.scatter.add.f32 [tilespmem:s20], [sflag:$0x1], $0x40, s10, s30, $0xb8;
	[tilespmem:$0x1EFB0] =	vst v63  }
0x279: {  	s0 =	sadd.s32 s2, s0  }
0x27a: {  	[tilespmem:s28], [sflag:$0x2] =	stream.linear.gather [hbm4b:s0+s5], $0x190, $0x38;
	[tilespmem:$0x1EFB0] =	vst v63  }
0x27b: {  	_ =	swait.ge [sflag:s22], $0x190  }
0x27c: {  	[sflag:s22] =	ssyncset.done $0x0  }
0x27d: {  	s0 =	sadd.s32 $0x4E20, s0;
	[sflag:s22] =	ssyncadd.s32 $0xFFFFFE70  }
0x27e: {  	[tilespmem:s29], [sflag:$0x2] =	stream.linear.gather [hbm4b:s0+s5], $0x190, $0x38;
	[tilespmem:$0x1EFB0] =	vst v63  }
0x27f: {  	_ =	swait.ge [sflag:s22], $0x190  }
0x280: {  	[sflag:s22] =	ssyncset.done $0x0  }
0x281: {  	s17 =	simm.s32 $0x118C0;
	[sflag:s22] =	ssyncadd.s32 $0xFFFFFE70  }
0x282: {  	s18 =	simm.s32 $0x11A50;
	v10 =	vld [tilespmem:s17+$0x10]  }
0x283: {  	v16 =	vld [tilespmem:s18+$0x10]  }
0x284: {  	v3 =	vld [tilespmem:s18+$0xFFFFFFE0]  }
0x285: {  	v11 =	vld [tilespmem:s17+$0xFFFFFFF0]  }
0x286: {  	v4 =	vld [tilespmem:s18+$0xFFFFFFF0]  }
0x287: {  	v12 =	vld [tilespmem:s17+$0x0]  }
0x288: {  	v2 =	vld [tilespmem:s18+$0x0]  }
0x289: {  	v14 =	vld [tilespmem:s17+$0xFFFFFFE0]  }
0x28a: {  	v5 =	vld.idx.msk [tilespmem:v10+s25+$0x0], $0xffff  }
0x28b: {  	s23 =	simm.s32 $0x11900;
	v6 =	vld.idx.msk [tilespmem:v16+s26+$0x0], $0xffff  }
0x28c: {  	v24 =	vld [tilespmem:s23+$0xFFFFFFF0]  }
0x28d: {  	v7 =	vld.idx.msk [tilespmem:v11+s25+$0x0], $0xffff  }
0x28e: {  	v9 =	vld.idx.msk [tilespmem:v4+s26+$0x0], $0xffff  }
0x28f: {  	v13 =	vld.idx.msk [tilespmem:v12+s25+$0x0], $0xffff  }
0x290: {  	v15 =	vld.idx.msk [tilespmem:v2+s26+$0x0], $0xffff;
	v5 =	vadd.f32 v6, v5  }
0x291: {  	v8 =	vld.idx.msk [tilespmem:v3+s26+$0x0], $0xffff  }
0x292: {  	v17 =	vld.idx.msk [tilespmem:v14+s25+$0x0], $0xffff;
	v6 =	vmul.f32 $9.999999770e-03, v5  }
0x293: {  	v19 =	vld.idx.msk [tilespmem:v16+s7+$0x0], $0xffff  }
0x294: {  	v29 =	vld [tilespmem:s23+$0xFFFFFFE0];
	v9 =	vadd.f32 v9, v7;
	v5 =	vmax.f32 v5, v6  }
0x295: {  	v18 =	vld.idx.msk [tilespmem:v3+s7+$0x0], $0xffff;
	v13 =	vadd.f32 v15, v13;
	v15 =	vsub.f32 v5, v0  }
0x296: {  	v20 =	vld.idx.msk [tilespmem:v4+s7+$0x0], $0xffff  }
0x297: {  	v28 =	vld.idx.msk [tilespmem:v2+s7+$0x0], $0xffff;
	v8 =	vadd.f32 v8, v17;
	v21 =	vmul.f32 $9.999999770e-03, v9;
	v15 =	vmul.f32 $1.442695020e+00, v15  }
0x298: {  	s14 =	simm.s32 $0x11A90;
	v7 =	vld [tilespmem:s23+$0x10];
	(erf) = vrcp.f32 v19;
	v17 =	vmul.f32 $9.999999770e-03, v13  }
0x299: {  	v6 =	vld [tilespmem:s14+$0x10];
	v9 =	vmax.f32 v9, v21;
	v21 =	vmul.f32 $9.999999770e-03, v8;
	(erf) = vpow2.f32 v15  }
0x29a: {  	v13 =	vmax.f32 v13, v17;
	v22 =	vsub.f32 v9, v0;
	v9 =	vld [tilespmem:s14+$0xFFFFFFF0]  }
0x29b: {  	v5 =	vld [tilespmem:s14+$0xFFFFFFE0];
	v13 =	vsub.f32 v13, v0;
	v17 =	vmax.f32 v8, v21  }
0x29c: {  	v8 =	vld [tilespmem:s14+$0x0];
	v19 =	vmul.f32 $1.442695020e+00, v22;
	v17 =	vsub.f32 v17, v0  }
0x29d: {  	v13 =	vmul.f32 $1.442695020e+00, v13;
	v15 =	vld [tilespmem:s23+$0x0];
	(erf) = vrcp.f32 v18  }
0x29e: {  	v25 =	vld.idx.msk [tilespmem:v24+s25+$0x0], $0xffff;
	v17 =	vmul.f32 $1.442695020e+00, v17;
	(erf) = vpow2.f32 v19  }
0x29f: {  	v22 =	vld.idx.msk [tilespmem:v29+s25+$0x0], $0xffff;
	(erf) = vrcp.f32 v20  }
0x2a0: {  	v19 =	vld.idx.msk [tilespmem:v7+s25+$0x0], $0xffff;
	(erf) = vpow2.f32 v13  }
0x2a1: {  	v20 =	vld.idx.msk [tilespmem:v6+s26+$0x0], $0xffff;
	v13 =	vpop (erf);
	(erf) = vpow2.f32 v17  }
0x2a2: {  	v26 =	vld.idx.msk [tilespmem:v9+s26+$0x0], $0xffff;
	(erf) = vrcp.f32 v28;
	v17 =	vpop (erf)  }
0x2a3: {  	v18 =	vld.idx.msk [tilespmem:v5+s26+$0x0], $0xffff;
	v27 =	vmul.f32 v17, v13  }
0x2a4: {  	v23 =	vld.idx.msk [tilespmem:v8+s26+$0x0], $0xffff  }
0x2a5: {  	v21 =	vld.idx.msk [tilespmem:v15+s25+$0x0], $0xffff  }
0x2a6: {  	s10 =	simm.s32 $0x11D70;
	v10 =	vadd.s32 v1, v10;
	v30 =	vadd.f32 v20, v19;
	v19 =	vld.idx.msk [tilespmem:v9+s7+$0x0], $0xffff;
	v20 =	vpop (erf)  }
0x2a7: {  	v26 =	vadd.f32 v26, v25;
	v13 =	vadd.s32 v1, v11;
	v11 =	vadd.s32 v1, v12;
	[tilespmem:s10+$0x10] =	vst v27;
	v27 =	vpop (erf)  }
0x2a8: {  	s13 =	simm.s32 $0x12090;
	v17 =	vld.idx.msk [tilespmem:v5+s7+$0x0], $0xffff;
	v12 =	vadd.s32 v1, v14;
	v14 =	vadd.s32 v1, v24;
	v31 =	vmul.f32 $9.999999770e-03, v30;
	v32 =	vpop (erf)  }
0x2a9: {  	s17 =	simm.s32 $0x12220;
	v24 =	vld.idx.msk [tilespmem:v6+s7+$0x0], $0xffff;
	[tilespmem:s13+$0x10] =	vst v10;
	v10 =	vadd.s32 v1, v15;
	v27 =	vmul.f32 v27, v32;
	v25 =	vpop (erf)  }
0x2aa: {  	s8 =	simm.s32 $0x40;
	s0 =	simm.s32 $0x11940;
	v15 =	vadd.s32 v1, v29;
	v29 =	vmax.f32 v30, v31;
	[tilespmem:s17+$0x10] =	vst v16;
	v16 =	vld.idx.msk [tilespmem:v8+s7+$0x0], $0xffff;
	v28 =	vpop (erf)  }
.LBB2_16:
0x2ab: {  	v30 =	vld [tilespmem:s0+$0x10];
	v31 =	vmul.f32 $9.999999770e-03, v26;
	v21 =	vadd.f32 v23, v21;
	v23 =	vsub.f32 v29, v0;
	s14 =	sadd.s32 $0x40, s14;
	[tilespmem:s10+$0xFFFFFFF0] =	vst v27;
	v27 =	vpop (erf)  }
0x2ac: {  	v18 =	vadd.f32 v18, v22;
	v20 =	vmul.f32 v28, v20;
	v29 =	vld [tilespmem:s14+$0x10];
	[tilespmem:s13+$0xFFFFFFF0] =	vst v13;
	v22 =	vmul.f32 v25, v27  }
0x2ad: {  	v13 =	vmovc v14;
	v25 =	vld [tilespmem:s14+$0xFFFFFFE0];
	v26 =	vmax.f32 v26, v31;
	v27 =	vmul.f32 $9.999999770e-03, v21;
	v23 =	vmul.f32 $1.442695020e+00, v23;
	[tilespmem:s17+$0xFFFFFFF0] =	vst v4;
	v4 =	vmovc v9  }
0x2ae: {  	s8 =	sadd.s32 $0x40, s8;
	v14 =	vmul.f32 $9.999999770e-03, v18;
	v28 =	vld [tilespmem:s0+$0xFFFFFFF0];
	v26 =	vsub.f32 v26, v0;
	(erf) = vrcp.f32 v24;
	[tilespmem:s10+$0xFFFFFFE0] =	vst v20  }
0x2af: {  	p0 =	slt.u32 s8, $0x140;
	v9 =	vld [tilespmem:s14+$0xFFFFFFF0];
	v20 =	vmax.f32 v21, v27;
	(erf) = vpow2.f32 v23;
	[tilespmem:s13+$0xFFFFFFE0] =	vst v12;
	v12 =	vmov v15  }
0x2b0: {  	v14 =	vmax.f32 v18, v14;
	v21 =	vld [tilespmem:s0+$0x0];
	v15 =	vmul.f32 $1.442695020e+00, v26;
	v18 =	vsub.f32 v20, v0;
	[tilespmem:s17+$0xFFFFFFE0] =	vst v3;
	v3 =	vmovc v5  }
0x2b1: {  	v23 =	vsub.f32 v14, v0;
	v20 =	vld [tilespmem:s14+$0x0];
	(erf) = vrcp.f32 v17;
	[tilespmem:s10+$0x0] =	vst v22  }
0x2b2: {  	v17 =	vld [tilespmem:s0+$0xFFFFFFE0];
	v18 =	vmul.f32 $1.442695020e+00, v18;
	(erf) = vpow2.f32 v15;
	[tilespmem:s13+$0x0] =	vst v11;
	v5 =	vmovc v25;
	v11 =	vmov v10  }
0x2b3: {  	v15 =	vmul.f32 $1.442695020e+00, v23;
	v14 =	vadd.s32 v1, v28;
	v24 =	vld.idx.msk [tilespmem:v30+s25+$0x0], $0xffff;
	(erf) = vrcp.f32 v19;
	[tilespmem:s17+$0x0] =	vst v2;
	v2 =	vmovc v8  }
0x2b4: {  	v19 =	vld.idx.msk [tilespmem:v29+s26+$0x0], $0xffff;
	(erf) = vpow2.f32 v18  }
0x2b5: {  	v18 =	vld.idx.msk [tilespmem:v25+s26+$0x0], $0xffff;
	v10 =	vadd.s32 v1, v21;
	(erf) = vpow2.f32 v15  }
0x2b6: {  	v25 =	vld.idx.msk [tilespmem:v28+s25+$0x0], $0xffff;
	(erf) = vrcp.f32 v16;
	v8 =	vmov v20  }
0x2b7: {  	v15 =	vadd.s32 v1, v17;
	v16 =	vld.idx.msk [tilespmem:v9+s26+$0x0], $0xffff;
	v22 =	vpop (erf)  }
0x2b8: {  	v21 =	vld.idx.msk [tilespmem:v21+s25+$0x0], $0xffff;
	v26 =	vpop (erf)  }
0x2b9: {  	v23 =	vld.idx.msk [tilespmem:v20+s26+$0x0], $0xffff;
	v26 =	vmul.f32 v26, v22  }
.Ltmp6:
0x2ba: {  	s10 =	sadd.s32 $0x40, s10;
	v28 =	vadd.f32 v19, v24;
	v22 =	vld.idx.msk [tilespmem:v17+s25+$0x0], $0xffff;
	v20 =	vpop (erf);
	(pc) =	sbr.rel @p0 .LBB2_16-.Ltmp6, $4  }
0x2bb: {  	s13 =	sadd.s32 $0x40, s13;
	v19 =	vadd.s32 v1, v7;
	v7 =	vmov v30;
	v17 =	vld.idx.msk [tilespmem:v5+s7+$0x0], $0xffff;
	[tilespmem:s10+$0x10] =	vst v26;
	v27 =	vpop (erf)  }
0x2bc: {  	s17 =	sadd.s32 $0x40, s17;
	v30 =	vmul.f32 $9.999999770e-03, v28;
	v24 =	vld.idx.msk [tilespmem:v29+s7+$0x0], $0xffff;
	[tilespmem:s13+$0x10] =	vst v19;
	v31 =	vpop (erf)  }
0x2bd: {  	v26 =	vadd.f32 v16, v25;
	v19 =	vld.idx.msk [tilespmem:v9+s7+$0x0], $0xffff;
	v27 =	vmul.f32 v27, v31;
	[tilespmem:s17+$0x10] =	vst v6;
	v25 =	vpop (erf);
	v6 =	vmov v29  }
0x2be: {  	s0 =	sadd.s32 $0x40, s0;
	v29 =	vmax.f32 v28, v30;
	v16 =	vld.idx.msk [tilespmem:v8+s7+$0x0], $0xffff;
	v28 =	vpop (erf)  }
0x2bf: {  	v30 =	vmul.f32 $9.999999770e-03, v26;
	v48 =	vsub.f32 v29, v0  }
0x2c0: {  	v21 =	vadd.f32 v23, v21  }
0x2c1: {  	v18 =	vadd.f32 v18, v22;
	v49 =	vmax.f32 v26, v30;
	v23 =	vmul.f32 $1.442695020e+00, v48  }
0x2c2: {  	v50 =	vmul.f32 $9.999999770e-03, v21;
	(erf) = vrcp.f32 v24;
	v22 =	vsub.f32 v49, v0  }
0x2c3: {  	v51 =	vmul.f32 $9.999999770e-03, v18;
	(erf) = vpow2.f32 v23  }
0x2c4: {  	v21 =	vmax.f32 v21, v50;
	v22 =	vmul.f32 $1.442695020e+00, v22  }
0x2c5: {  	v18 =	vmax.f32 v18, v51;
	v21 =	vsub.f32 v21, v0;
	(erf) = vrcp.f32 v17  }
0x2c6: {  	[tilespmem:s10+$0xFFFFFFF0] =	vst v27;
	v54 =	vmul.f32 v28, v20;
	v52 =	vsub.f32 v18, v0;
	(erf) = vpow2.f32 v22  }
0x2c7: {  	[tilespmem:s13+$0xFFFFFFF0] =	vst v13;
	v53 =	vmul.f32 $1.442695020e+00, v21;
	(erf) = vrcp.f32 v19  }
0x2c8: {  	[tilespmem:s17+$0xFFFFFFF0] =	vst v4;
	v55 =	vmul.f32 $1.442695020e+00, v52  }
0x2c9: {  	v56 =	vpop (erf);
	[tilespmem:s10+$0xFFFFFFE0] =	vst v54;
	(erf) = vpow2.f32 v53  }
0x2ca: {  	v4 =	vmul.f32 v25, v56;
	[tilespmem:s13+$0xFFFFFFE0] =	vst v12;
	(erf) = vpow2.f32 v55  }
0x2cb: {  	[tilespmem:s17+$0xFFFFFFE0] =	vst v3;
	v3 =	vpop (erf)  }
0x2cc: {  	[tilespmem:s10+$0x0] =	vst v4;
	v57 =	vpop (erf)  }
0x2cd: {  	[tilespmem:s13+$0x0] =	vst v11;
	(erf) = vrcp.f32 v16;
	v3 =	vmul.f32 v57, v3  }
0x2ce: {  	s0 =	sadd.s32 $0x40, s10;
	[tilespmem:s17+$0x0] =	vst v2;
	v58 =	vpop (erf)  }
0x2cf: {  	v2 =	vpop (erf);
	[tilespmem:s0+$0x10] =	vst v3;
	v3 =	vadd.s32 v1, v7  }
0x2d0: {  	s8 =	sadd.s32 $0x40, s13;
	v59 =	vpop (erf)  }
0x2d1: {  	s23 =	sadd.s32 $0x40, s17;
	[tilespmem:s8+$0x10] =	vst v3;
	v2 =	vmul.f32 v2, v59  }
0x2d2: {  	[tilespmem:s23+$0x10] =	vst v6;
	v3 =	vpop (erf)  }
0x2d3: {  	v60 =	vpop (erf);
	[tilespmem:s0+$0xFFFFFFF0] =	vst v2  }
0x2d4: {  	v2 =	vmul.f32 v60, v58;
	[tilespmem:s8+$0xFFFFFFF0] =	vst v14  }
0x2d5: {  	[tilespmem:s23+$0xFFFFFFF0] =	vst v9  }
0x2d6: {  	v61 =	vpop (erf);
	[tilespmem:s0+$0xFFFFFFE0] =	vst v2  }
0x2d7: {  	v2 =	vmul.f32 v3, v61;
	[tilespmem:s8+$0xFFFFFFE0] =	vst v15  }
0x2d8: {  	[tilespmem:s23+$0xFFFFFFE0] =	vst v5  }
0x2d9: {  	[tilespmem:s0+$0x0] =	vst v2  }
0x2da: {  	[tilespmem:s8+$0x0] =	vst v10  }
0x2db: {  	[tilespmem:s23+$0x0] =	vst v8  }
0x2dc: {  	v2 =	vld [tilespmem:$0x11A20]  }
0x2dd: {  	v3 =	vld [tilespmem:$0x11BB0];
	_ =	sdelay $0x6  }
0x2de: {  	v62 =	vld.idx.msk [tilespmem:v2+s25+$0x0], $0xffff  }
0x2df: {  	v5 =	vld.idx.msk [tilespmem:v3+s26+$0x0], $0xffff;
	_ =	sdelay $0x4  }
0x2e0: {  	v4 =	vadd.f32 v5, v62;
	_ =	sdelay $0x1  }
0x2e1: {  	v5 =	vmul.f32 $9.999999770e-03, v4;
	_ =	sdelay $0x1  }
0x2e2: {  	v4 =	vmax.f32 v4, v5  }
0x2e3: {  	v63 =	vld.idx.msk [tilespmem:v3+s7+$0x0], $0xffff;
	v4 =	vsub.f32 v4, v0;
	_ =	sdelay $0x1  }
0x2e4: {  	v4 =	vmul.f32 $1.442695020e+00, v4;
	_ =	sdelay $0x1  }
0x2e5: {  	(erf) = vpow2.f32 v4  }
0x2e6: {  	(erf) = vrcp.f32 v63;
	_ =	sdelay $0x7  }
0x2e7: {  	v4 =	vpop (erf)  }
0x2e8: {  	v5 =	vpop (erf)  }
0x2e9: {  	s19 =	sadd.s32 $0x1, s19;
	v2 =	vadd.s32 v1, v2;
	[tilespmem:$0x12380] =	vst v3;
	v4 =	vmul.f32 v4, v5  }
0x2ea: {  	p0 =	sne.s32 s19, $0xC;
	[tilespmem:$0x121F0] =	vst v2  }
.Ltmp7:
0x2eb: {  	[tilespmem:$0x11ED0] =	vst v4;
	(pc) =	sbr.rel @p0 .LBB2_9-.Ltmp7, $4  }
0x2ec: {  	[tilespmem:s24], [sflag:$0x2] =	stream.indirect.gather [hbm4b:s6+s30], $0x40, s9, s30, $0xb8;
	[tilespmem:$0x1EFB0] =	vst v63  }
0x2ed: {  	_ =	swait.ge [sflag:s22], $0x6400  }
0x2ee: {  	[sflag:s22] =	ssyncset.done $0x0  }
0x2ef: {  	[sflag:s22] =	ssyncadd.s32 $0xFFFF9C00  }
0x2f0: {  	s0 =	simm.s32 $0x0  }
0x2f1: {  	s12 =	simm.s32 $0x1;
	v0 =	vmov s0  }
0x2f2: {  	s13 =	simm.s32 $0x2;
	v1 =	vmov s12;
	v0 =	vand.u32 $0xFFFFFFFC, v0  }
0x2f3: {  	v2 =	vmov s13;
	v1 =	vand.u32 $0xFFFFFFFD, v1;
	v0 =	vbroadcast v0, $0x0  }
0x2f4: {  	v2 =	vand.u32 $0xFFFFFFFE, v2;
	v1 =	vbroadcast v1, $0x0  }
0x2f5: {  	v2 =	vbroadcast v2, $0x0  }
0x2f6: {  	_ =	swait.ge [sflag:s1], $0x6400  }
0x2f7: {  	[sflag:s1] =	ssyncset.done $0x0  }
0x2f8: {  	[sflag:s1] =	ssyncadd.s32 $0xFFFF9C00  }
0x2f9: {  	s14 =	simm.s32 $0x3;
	v5 =	vld.idx.msk [tilespmem:v0+s11+$0x0], $0xffff  }
0x2fa: {  	v0 =	vmov s14;
	v6 =	vld.idx.msk [tilespmem:v1+s11+$0x0], $0xffff  }
0x2fb: {  	s10 =	simm.s32 $0x125A0;
	v9 =	vld.idx.msk [tilespmem:v2+s11+$0x0], $0xffff  }
0x2fc: {  	v1 =	vld [tilespmem:s10+$0x0]  }
0x2fd: {  	v3 =	vld [tilespmem:s10+$0xFFFFFF80]  }
0x2fe: {  	v4 =	vld [tilespmem:s10+$0xFFFFFFC0]  }
0x2ff: {  	v2 =	vld.idx.msk [tilespmem:v0+s11+$0x0], $0xffff  }
0x300: {  	v0 =	vld [tilespmem:s10+$0x40]  }
0x301: {  	s15 =	simm.s32 $0x4;
	v1 =	vmul.f32 v1, v9  }
0x302: {  	s16 =	simm.s32 $0x5;
	s12 =	simm.s32 $0x189A0;
	v7 =	vmov s15;
	v3 =	vmul.f32 v3, v5  }
0x303: {  	s8 =	simm.s32 $0x7;
	v8 =	vmov s16;
	v7 =	vand.u32 $0xFFFFFFFC, v7;
	v4 =	vmul.f32 v4, v6;
	[tilespmem:s12+$0x0] =	vst v1  }
0x304: {  	v8 =	vand.u32 $0xFFFFFFFD, v8;
	v7 =	vbroadcast v7, $0x0;
	v1 =	vmov s8;
	[tilespmem:s12+$0xFFFFFF80] =	vst v3;
	v3 =	vld [tilespmem:s10+$0x10]  }
0x305: {  	v8 =	vbroadcast v8, $0x0;
	[tilespmem:s12+$0xFFFFFFC0] =	vst v4;
	v10 =	vld [tilespmem:s10+$0xFFFFFF90];
	v0 =	vmul.f32 v0, v2  }
0x306: {  	s13 =	simm.s32 $0x126A0;
	v11 =	vld [tilespmem:s10+$0xFFFFFFD0]  }
0x307: {  	s17 =	simm.s32 $0x6;
	v14 =	vld [tilespmem:s13+$0xFFFFFFC0];
	[tilespmem:s12+$0x40] =	vst v0  }
0x308: {  	v0 =	vmov s17;
	v12 =	vld [tilespmem:s10+$0x50]  }
0x309: {  	v4 =	vand.u32 $0xFFFFFFFE, v0;
	v0 =	vld.idx.msk [tilespmem:v1+s11+$0x0], $0xffff;
	v3 =	vmul.f32 v3, v9  }
0x30a: {  	v1 =	vld.idx.msk [tilespmem:v7+s11+$0x0], $0xffff;
	v7 =	vmul.f32 v10, v5;
	v13 =	vbroadcast v4, $0x0  }
0x30b: {  	v4 =	vld.idx.msk [tilespmem:v8+s11+$0x0], $0xffff;
	v8 =	vmul.f32 v11, v6;
	[tilespmem:s12+$0x10] =	vst v3  }
0x30c: {  	[tilespmem:s12+$0xFFFFFF90] =	vst v7;
	v7 =	vld [tilespmem:s10+$0x20]  }
0x30d: {  	v11 =	vld [tilespmem:s13+$0x0];
	[tilespmem:s12+$0xFFFFFFD0] =	vst v8  }
0x30e: {  	v8 =	vld [tilespmem:s10+$0xFFFFFFE0]  }
0x30f: {  	v10 =	vld [tilespmem:s10+$0xFFFFFFA0]  }
0x310: {  	v12 =	vmul.f32 v12, v2;
	v3 =	vld.idx.msk [tilespmem:v13+s11+$0x0], $0xffff  }
0x311: {  	v13 =	vld [tilespmem:s13+$0xFFFFFF80];
	v7 =	vmul.f32 v7, v9  }
0x312: {  	v14 =	vmul.f32 v14, v4;
	[tilespmem:s12+$0x50] =	vst v12  }
0x313: {  	v15 =	vld [tilespmem:s13+$0x40];
	s14 =	simm.s32 $0x18AA0;
	v8 =	vmul.f32 v8, v6;
	[tilespmem:s12+$0x20] =	vst v7  }
0x314: {  	[tilespmem:s14+$0xFFFFFFC0] =	vst v14;
	v7 =	vmul.f32 v10, v5;
	v16 =	vld [tilespmem:s10+$0x30]  }
0x315: {  	s18 =	simm.s32 $0x8;
	v17 =	vld [tilespmem:s10+$0x60];
	[tilespmem:s12+$0xFFFFFFE0] =	vst v8;
	v10 =	vmul.f32 v11, v3  }
0x316: {  	s19 =	simm.s32 $0x9;
	s23 =	simm.s32 $0xB;
	[tilespmem:s12+$0xFFFFFFA0] =	vst v7;
	v7 =	vmul.f32 v13, v1;
	v8 =	vld [tilespmem:s10+$0xFFFFFFF0];
	v11 =	vmov s18  }
0x317: {  	v12 =	vmov s19;
	v14 =	vmov s23;
	v13 =	vand.u32 $0xFFFFFFFC, v11;
	[tilespmem:s14+$0x0] =	vst v10;
	v10 =	vld [tilespmem:s10+$0xFFFFFFB0]  }
0x318: {  	v19 =	vmul.f32 v15, v0;
	v18 =	vand.u32 $0xFFFFFFFD, v12;
	[tilespmem:s14+$0xFFFFFF80] =	vst v7;
	v12 =	vbroadcast v13, $0x0;
	v11 =	vld [tilespmem:s13+$0x10]  }
0x319: {  	v13 =	vbroadcast v18, $0x0;
	v7 =	vld [tilespmem:s13+$0xFFFFFF90];
	v15 =	vmul.f32 v16, v9  }
0x31a: {  	s0 =	simm.s32 $0xC;
	s8 =	simm.s32 $0xA;
	[tilespmem:s14+$0x40] =	vst v19;
	v9 =	vld [tilespmem:s13+$0xFFFFFFD0];
	v16 =	vmul.f32 v17, v2  }
.LBB2_19:
0x31b: {  	p0 =	slt.u32 s0, $0x18C;
	v17 =	vmov s8;
	v18 =	vld [tilespmem:s13+$0x50];
	v8 =	vmul.f32 v8, v6;
	[tilespmem:s12+$0x30] =	vst v15;
	v6 =	vmov v4  }
0x31c: {  	v4 =	vand.u32 $0xFFFFFFFE, v17;
	v14 =	vld.idx.msk [tilespmem:v14+s11+$0x0], $0xffff;
	v10 =	vmul.f32 v10, v5;
	[tilespmem:s12+$0x60] =	vst v16;
	v5 =	vmov v1  }
0x31d: {  	v15 =	vbroadcast v4, $0x0;
	v11 =	vmul.f32 v11, v3;
	[tilespmem:s12+$0xFFFFFFF0] =	vst v8;
	v8 =	vld [tilespmem:s10+$0x70];
	s10 =	smov.u32 s13  }
0x31e: {  	v1 =	vld.idx.msk [tilespmem:v12+s11+$0x0], $0xffff;
	v7 =	vmul.f32 v7, v5;
	[tilespmem:s12+$0xFFFFFFB0] =	vst v10  }
0x31f: {  	v4 =	vld.idx.msk [tilespmem:v13+s11+$0x0], $0xffff;
	v9 =	vmul.f32 v9, v6;
	[tilespmem:s14+$0x10] =	vst v11  }
0x320: {  	[tilespmem:s14+$0xFFFFFF90] =	vst v7;
	v7 =	vld [tilespmem:s13+$0x20];
	v10 =	vmul.f32 v18, v0  }
0x321: {  	v11 =	vld [tilespmem:s13+$0xFFFFFFA0];
	[tilespmem:s14+$0xFFFFFFD0] =	vst v9  }
0x322: {  	v9 =	vld [tilespmem:s13+$0xFFFFFFE0];
	[tilespmem:s14+$0x50] =	vst v10;
	v8 =	vmul.f32 v8, v2;
	v2 =	vmov v0;
	v0 =	vmov v14  }
0x323: {  	s13 =	sadd.s32 $0x100, s13;
	v16 =	vld.idx.msk [tilespmem:v15+s11+$0x0], $0xffff  }
0x324: {  	v10 =	vld [tilespmem:s13+$0x0];
	[tilespmem:s12+$0x70] =	vst v8;
	s12 =	smov.u32 s14  }
0x325: {  	v8 =	vld [tilespmem:s13+$0xFFFFFF80];
	v7 =	vmul.f32 v7, v3  }
0x326: {  	v12 =	vld [tilespmem:s13+$0xFFFFFFC0];
	v11 =	vmul.f32 v11, v5  }
0x327: {  	v13 =	vld [tilespmem:s13+$0x40];
	v9 =	vmul.f32 v9, v6;
	[tilespmem:s14+$0x20] =	vst v7  }
0x328: {  	[tilespmem:s14+$0xFFFFFFA0] =	vst v11;
	v15 =	vld [tilespmem:s10+$0x30]  }
0x329: {  	s8 =	sadd.s32 $0x3, s0;
	v7 =	vmul.f32 v10, v16;
	[tilespmem:s14+$0xFFFFFFE0] =	vst v9;
	v17 =	vld [tilespmem:s10+$0x60]  }
.Ltmp8:
0x32a: {  	s15 =	sadd.s32 $0x1, s0;
	v14 =	vmov s8;
	v9 =	vmov s0;
	s14 =	sadd.s32 $0x100, s14;
	v11 =	vmul.f32 v8, v1;
	v8 =	vld [tilespmem:s10+$0xFFFFFFF0];
	(pc) =	sbr.rel @p0 .LBB2_19-.Ltmp8, $4  }
0x32b: {  	v18 =	vmov s15;
	v9 =	vand.u32 $0xFFFFFFFC, v9;
	v19 =	vmul.f32 v12, v4;
	[tilespmem:s14+$0x0] =	vst v7;
	v10 =	vld [tilespmem:s10+$0xFFFFFFB0]  }
0x32c: {  	v12 =	vbroadcast v9, $0x0;
	v7 =	vand.u32 $0xFFFFFFFD, v18;
	[tilespmem:s14+$0xFFFFFF80] =	vst v11;
	v11 =	vld [tilespmem:s13+$0x10];
	v18 =	vmul.f32 v13, v0  }
0x32d: {  	v13 =	vbroadcast v7, $0x0;
	v7 =	vld [tilespmem:s13+$0xFFFFFF90];
	[tilespmem:s14+$0xFFFFFFC0] =	vst v19;
	v15 =	vmul.f32 v15, v3;
	v3 =	vmov v16  }
0x32e: {  	s8 =	sadd.s32 $0x2, s0;
	s0 =	sadd.s32 $0x4, s0;
	v9 =	vld [tilespmem:s13+$0xFFFFFFD0];
	[tilespmem:s14+$0x40] =	vst v18;
	v16 =	vmul.f32 v17, v2  }
0x32f: {  	_ =	sdelay $0x2  }
0x330: {  	v17 =	vmov s8  }
0x331: {  	v14 =	vld.idx.msk [tilespmem:v14+s11+$0x0], $0xffff;
	v17 =	vand.u32 $0xFFFFFFFE, v17  }
0x332: {  	v12 =	vld.idx.msk [tilespmem:v12+s11+$0x0], $0xffff;
	v17 =	vbroadcast v17, $0x0  }
0x333: {  	v13 =	vld.idx.msk [tilespmem:v13+s11+$0x0], $0xffff;
	s0 =	sadd.s32 $0x100, s13  }
0x334: {  	v18 =	vld [tilespmem:s0+$0x0]  }
0x335: {  	v19 =	vld [tilespmem:s0+$0xFFFFFFC0]  }
0x336: {  	v33 =	vld [tilespmem:s0+$0xFFFFFF80]  }
0x337: {  	v6 =	vmul.f32 v8, v6;
	[tilespmem:s12+$0x30] =	vst v15;
	v34 =	vld [tilespmem:s0+$0x40]  }
0x338: {  	v5 =	vmul.f32 v10, v5;
	[tilespmem:s12+$0x60] =	vst v16;
	v17 =	vld.idx.msk [tilespmem:v17+s11+$0x0], $0xffff  }
0x339: {  	v11 =	vmul.f32 v11, v3;
	[tilespmem:s12+$0xFFFFFFF0] =	vst v6  }
0x33a: {  	[tilespmem:s12+$0xFFFFFFB0] =	vst v5;
	v37 =	vmul.f32 v19, v13  }
0x33b: {  	v36 =	vld [tilespmem:s13+$0x50];
	s23 =	sadd.s32 $0x100, s14;
	[tilespmem:s14+$0x10] =	vst v11;
	v8 =	vmul.f32 v33, v12  }
0x33c: {  	v38 =	vld [tilespmem:s10+$0x70];
	v10 =	vmul.f32 v34, v14;
	[tilespmem:s23+$0xFFFFFFC0] =	vst v37  }
0x33d: {  	[tilespmem:s23+$0xFFFFFF80] =	vst v8;
	v39 =	vld [tilespmem:s0+$0xFFFFFFD0];
	v35 =	vmul.f32 v18, v17  }
0x33e: {  	v7 =	vmul.f32 v7, v1;
	[tilespmem:s23+$0x40] =	vst v10;
	v40 =	vld [tilespmem:s0+$0xFFFFFF90]  }
0x33f: {  	v9 =	vmul.f32 v9, v4;
	v41 =	vld [tilespmem:s0+$0x50];
	[tilespmem:s23+$0x0] =	vst v35  }
0x340: {  	[tilespmem:s14+$0xFFFFFF90] =	vst v7;
	v6 =	vmul.f32 v36, v0;
	v5 =	vld [tilespmem:s0+$0x10]  }
0x341: {  	v42 =	vld [tilespmem:s13+$0x20];
	[tilespmem:s14+$0xFFFFFFD0] =	vst v9;
	v2 =	vmul.f32 v38, v2  }
0x342: {  	v43 =	vld [tilespmem:s13+$0xFFFFFFA0];
	[tilespmem:s14+$0x50] =	vst v6;
	v44 =	vmul.f32 v39, v13  }
0x343: {  	v9 =	vld [tilespmem:s13+$0xFFFFFFE0];
	[tilespmem:s12+$0x70] =	vst v2;
	v11 =	vmul.f32 v40, v12  }
0x344: {  	v45 =	vld [tilespmem:s13+$0x60];
	v7 =	vmul.f32 v41, v14;
	[tilespmem:s23+$0xFFFFFFD0] =	vst v44  }
0x345: {  	[tilespmem:s23+$0xFFFFFF90] =	vst v11;
	v47 =	vld [tilespmem:s0+$0xFFFFFFE0];
	v5 =	vmul.f32 v5, v17  }
0x346: {  	v46 =	vmul.f32 v42, v3;
	[tilespmem:s23+$0x50] =	vst v7;
	v11 =	vld [tilespmem:s0+$0xFFFFFFA0]  }
0x347: {  	v6 =	vmul.f32 v43, v1;
	v48 =	vld [tilespmem:s0+$0x60];
	[tilespmem:s23+$0x10] =	vst v5  }
0x348: {  	v9 =	vmul.f32 v9, v4;
	[tilespmem:s14+$0x20] =	vst v46;
	v5 =	vld [tilespmem:s0+$0x20]  }
0x349: {  	v49 =	vld [tilespmem:s13+$0x30];
	v8 =	vmul.f32 v45, v0;
	[tilespmem:s14+$0xFFFFFFA0] =	vst v6  }
0x34a: {  	[tilespmem:s14+$0xFFFFFFE0] =	vst v9;
	v51 =	vld [tilespmem:s13+$0xFFFFFFB0];
	v52 =	vmul.f32 v47, v13  }
0x34b: {  	v50 =	vld [tilespmem:s13+$0xFFFFFFF0];
	[tilespmem:s14+$0x60] =	vst v8;
	v11 =	vmul.f32 v11, v12  }
0x34c: {  	v53 =	vld [tilespmem:s13+$0x70];
	v2 =	vmul.f32 v48, v14;
	[tilespmem:s23+$0xFFFFFFE0] =	vst v52  }
0x34d: {  	[tilespmem:s23+$0xFFFFFFA0] =	vst v11;
	v55 =	vld [tilespmem:s0+$0xFFFFFFF0];
	v5 =	vmul.f32 v5, v17  }
0x34e: {  	v54 =	vmul.f32 v49, v3;
	[tilespmem:s23+$0x60] =	vst v2;
	v57 =	vld [tilespmem:s0+$0xFFFFFFB0]  }
0x34f: {  	v58 =	vmul.f32 v51, v1;
	v2 =	vld [tilespmem:s0+$0x70];
	[tilespmem:s23+$0x20] =	vst v5  }
0x350: {  	v56 =	vmul.f32 v50, v4;
	[tilespmem:s14+$0x30] =	vst v54;
	v5 =	vld [tilespmem:s0+$0x30]  }
0x351: {  	v59 =	vmul.f32 v53, v0;
	[tilespmem:s14+$0xFFFFFFB0] =	vst v58  }
0x352: {  	[tilespmem:s14+$0xFFFFFFF0] =	vst v56;
	v61 =	vmul.f32 v55, v13  }
0x353: {  	[tilespmem:s14+$0x70] =	vst v59;
	v62 =	vmul.f32 v57, v12  }
0x354: {  	v63 =	vmul.f32 v2, v14;
	[tilespmem:s23+$0xFFFFFFF0] =	vst v61  }
0x355: {  	[tilespmem:s23+$0xFFFFFFB0] =	vst v62;
	v60 =	vmul.f32 v5, v17  }
0x356: {  	[tilespmem:s23+$0x70] =	vst v63  }
0x357: {  	[tilespmem:s23+$0x30] =	vst v60  }
0x358: {  	[spmem:s3] =	stream.indirect.scatter.add.f32 [tilespmem:s20], [sflag:$0x2], $0x40, s31, s30, $0xb8;
	[tilespmem:$0x1EFB0] =	vst v63  }
0x359: {  	_ =	swait.ge [sflag:s22], $0x6400  }
0x35a: {  	[sflag:s22] =	ssyncset.done $0x0  }
0x35b: {  	[sflag:s22] =	ssyncadd.s32 $0xFFFF9C00  }
0x35c: {  	s15 =	rddreg [dreg:$0x15];
	[bflag:$0x0] =	sbarrier.arrive $0xFFFF  }
0x35d: {  	s0 =	smul.u32 $0x280000, s15;
	s16 =	rddreg [dreg:$0x16]  }
0x35e: {  	s12 =	rddreg [dreg:$0xf];
	s8 =	smul.u32 $0xA0000, s16  }
0x35f: {  	[tilespmem:s24], [sflag:$0x2] =	stream.linear.gather [spmem:s12], $0x5000, $0x38;
	[tilespmem:$0x1EFB0] =	vst v63  }
0x360: {  	_ =	swait.ge [sflag:s22], $0x5000  }
0x361: {  	s0 =	sadd.s32 s0, s8;
	s17 =	rddreg [dreg:$0xa]  }
0x362: {  	s8 =	sadd.s32 s17, s0  }
0x363: {  	[sflag:s22] =	ssyncset.done $0x0;
	s18 =	rddreg [dreg:$0xb];
	s8 =	sshrl.u32 s8, $0x3  }
0x364: {  	[sflag:s22] =	ssyncadd.s32 $0xFFFFB000;
	s8 =	sadd.s32 s18, s8  }
0x365: {  	[hbm4b:s8+s5] =	stream.linear.scatter [tilespmem:s24], [sflag:$0x2], $0x5000, $0x38;
	[tilespmem:$0x1EFB0] =	vst v63  }
0x366: {  	_ =	swait.ge [sflag:s22], $0x5000  }
0x367: {  	[sflag:s22] =	ssyncset.done $0x0  }
0x368: {  	s13 =	rddreg [dreg:$0x10];
	[sflag:s22] =	ssyncadd.s32 $0xFFFFB000  }
0x369: {  	[tilespmem:s24], [sflag:$0x2] =	stream.linear.gather [spmem:s13], $0x5000, $0x38;
	[tilespmem:$0x1EFB0] =	vst v63  }
0x36a: {  	_ =	swait.ge [sflag:s22], $0x5000  }
0x36b: {  	s19 =	rddreg [dreg:$0xe]  }
0x36c: {  	s0 =	sadd.s32 s19, s0  }
0x36d: {  	[sflag:s22] =	ssyncset.done $0x0;
	s0 =	sshrl.u32 s0, $0x3  }
0x36e: {  	[sflag:s22] =	ssyncadd.s32 $0xFFFFB000;
	s0 =	sadd.s32 s18, s0  }
0x36f: {  	[hbm4b:s0+s5] =	stream.linear.scatter [tilespmem:s24], [sflag:$0x2], $0x5000, $0x38;
	[tilespmem:$0x1EFB0] =	vst v63  }
0x370: {  	_ =	swait.ge [sflag:s22], $0x5000  }
0x371: {  	s23 =	rddreg [dreg:$0x14]  }
0x372: {  	s8 =	sadd.s32 $0x1, s23  }
0x373: {  	p0 =	sne.s32 s8, $0x4  }
.Ltmp9:
0x374: {  	_ = 	snop;
	(pc) =	sbr.rel @p0 .LBB2_2-.Ltmp9, $3  }
0x375: {  	_ =	sdelay $0x1  }
0x376: {  	[sflag:s22] =	ssyncset.done $0x0  }
0x377: {  	s17 =	simm.s32 $0x11BC0;
	[sflag:s22] =	ssyncadd.s32 $0xFFFFB000  }
0x378: {  	s8 =	rddreg [dreg:$0x13]  }
0x379: {  	s0 =	rddreg [dreg:$0x12];
	s8 =	sadd.s32 $0x1, s8  }
0x37a: {  	p0 =	sne.s32 s8, s0  }
.Ltmp10:
0x37b: {  	_ = 	snop;
	(pc) =	sbr.rel @p0 .LBB2_1-.Ltmp10, $1  }
0x37c: {  	_ =	sdelay $0x3  }
0x37d: {  	_ =	sfence.sel $0x180000  }
0x37e: {  	[bflag:$0x0] =	sbarrier.arrive $0xFFFF  }
0x37f: {  	_ =	strace $0x90000047  }
0x380: {  	s0 =	stileid.u32;
	[bflag:$0x2] =	sbarrier.arrive $0xFFFF  }
0x381: {  	p0 =	sne.s32 s0, $0x0;
	s0 =	rddreg [dreg:$0x5]  }
0x382: {  	s0 =	sadd.s32 @!p0 $0x100000, s0  }
0x383: {  	[sflag:s0] =	ssyncadd.tile.s32 @!p0 $0x1;
	_ =	shalt  }
.Lfunc_end2:
_tile_overlayer_lowered:
.L_overlay_start_2:
0x384: {  	(tag) =	ssettag $0x2  }
0x385: {  	s0 =	rddreg [dreg:$0x0];
	s2 =	stileid.u32  }
0x386: {  	s1 =	rddreg [dreg:$0x1];
	p0 =	sne.s32 s2, $0x0  }
0x387: {  	s3 =	rddreg [dreg:$0x2];
	[bflag:$0x3] =	sbarrier.arrive $0xFFFF;
	s2 =	simm.s32 @!p0 $0x1C02  }
0x388: {  	[timem:s3], [sflag:s2] =	dma.local @!p0 [hbm:s0], s1  }
0x389: {  	s0 =	simm.s32 @!p0 $0x2  }
0x38a: {  	_ =	swait.ge @!p0 [sflag:s0], s1  }
0x38b: {  	s1 =	ssub.s32 @!p0 $0x0, s1;
	[sflag:s0] =	ssyncset.done @!p0 $0x0  }
0x38c: {  	[sflag:s0] =	ssyncadd.s32 @!p0 s1  }
0x38d: {  	[bflag:$0x3] =	sbarrier.arrive $0xFFFF  }
0x38e: {  	_ =	shalt  }

</sc_bundles>
